<compile_context>
chip_gen: v7x
topology: tpu7x:2x2x1
jax: 0.10.2.dev20260603
libtpu: 0.0.44.dev20260713+nightly
codegen_flags: <defaults>
</compile_context>

<pallas_src>
import functools

import jax
import jax.numpy as jnp
from jax import lax
from jax.experimental import pallas as pl
from jax.experimental.pallas import tpu as pltpu
from jax.experimental.pallas import tpu_sc as plsc

N = 10000
E = 160000
DIN = 256
DOUT = 256
EFD = 16
TASK = 2
HALF = 128
NPAD = N + 8
NH = N // 2
NHP = NH + 8
NRP = 10240
NTW = 640

NS = 16
STRIPE = E // NS
CCH = 2000
GCH = 96
CAP = STRIPE + 32
SB = GCH + 160
ZR = 1000
SHIFT = 14
SENT = (1 << SHIFT) - 1



def _mm_node_body(nf_ref, w_ref, a_ref, b_ref, d_ref):
    res = jnp.dot(nf_ref[...], w_ref[...], preferred_element_type=jnp.float32)
    a_ref[0] = res[:, 0:HALF]
    a_ref[1] = res[:, HALF:2 * HALF]
    b_ref[0] = res[:, 2 * HALF:3 * HALF]
    b_ref[1] = res[:, 3 * HALF:4 * HALF]
    d_ref[...] = res[:, 4 * HALF:6 * HALF]


def _mm_edge_body(ef_ref, w_ref, ct_ref, cb_ref):
    res = lax.dot_general(ef_ref[...], w_ref[...],
                          (((0,), (0,)), ((), ())),
                          preferred_element_type=jnp.float32)
    ct_ref[...] = res[:, 0:HALF]
    cb_ref[...] = res[:, HALF:2 * HALF]


def _node_out_body(d_ref, r0_ref, r1_ref, wb_ref, recv_ref, o_ref):
    z = d_ref[...]
    z = z + jnp.dot(r0_ref[0], wb_ref[0:HALF, :],
                    preferred_element_type=jnp.float32)
    z = z + jnp.dot(r1_ref[0], wb_ref[HALF:2 * HALF, :],
                    preferred_element_type=jnp.float32)
    z = jnp.maximum(z, z * jnp.float32(0.01))
    o_ref[...] = jnp.where(recv_ref[...] > 0.0, z, jnp.float32(0.0))


def _recv_red_body(recv_ref, o_ref):
    o_ref[...] = jnp.max(recv_ref[...], axis=0)[:, None]



def _sc_body(src_hbm, dst_hbm, nt_hbm, a2_hbm, b2_hbm, ct_hbm, cb_hbm, zrow_hbm,
             red2_hbm, recvt_hbm,
             nt_v, srcch_v, dstch_v, pk_l, eid_l,
             aidx_b, dv_b, eid_b, bidx, sidx2, recv_v,
             abuf, bbuf, cbuf, red_s, sem_a, sem_b, sem_c):
    c = lax.axis_index("c")
    s = lax.axis_index("s")
    lane = lax.iota(jnp.int32, 16)
    cNP = c * NPAD
    cE = c * E
    ones16 = jnp.full((16,), 1.0, jnp.float32)
    zero16f = jnp.zeros((16,), jnp.float32)

    pltpu.sync_copy(nt_hbm, nt_v)

    def z_body(i, _):
        recv_v[pl.ds(i * 16, 16)] = zero16f
        return 0

    lax.fori_loop(0, NRP // 16, z_body, 0)

    stripe_base = s * STRIPE

    def chunk_body(j, kk):
        ebase = stripe_base + j * CCH
        pltpu.sync_copy(src_hbm.at[pl.ds(ebase, CCH)], srcch_v)
        pltpu.sync_copy(dst_hbm.at[pl.ds(ebase, CCH)], dstch_v)

        def vec_body(i, kk):
            srcv = srcch_v[pl.ds(i * 16, 16)]
            dstv = dstch_v[pl.ds(i * 16, 16)]
            w = plsc.load_gather(nt_v, [jnp.right_shift(srcv, 4)])
            sh = jnp.left_shift(jnp.bitwise_and(srcv, 15), 1)
            nt = jnp.bitwise_and(lax.shift_right_logical(w, sh), 3)
            m = nt == TASK
            plsc.store_scatter(recv_v, [dstv], ones16, mask=m)
            eidv = (ebase + i * 16) + lane
            pkv = jnp.bitwise_or(jnp.left_shift(srcv, SHIFT), dstv)
            plsc.store_compressed(pk_l.at[pl.ds(kk, 16)], pkv, mask=m)
            plsc.store_compressed(eid_l.at[pl.ds(kk, 16)], eidv, mask=m)
            return kk + jnp.sum(m.astype(jnp.int32))

        return lax.fori_loop(0, CCH // 16, vec_body, kk)

    kk = lax.fori_loop(0, STRIPE // CCH, chunk_body, jnp.int32(0))

    pk_l[pl.ds(kk, 16)] = jnp.full((16,), SENT, jnp.int32)
    eid_l[pl.ds(kk, 16)] = jnp.zeros((16,), jnp.int32)

    @pl.when(c == 0)
    def _():
        pltpu.sync_copy(recv_v, recvt_hbm.at[pl.ds(s * NRP, NRP)])

    nv = (kk + 15) // 16

    for p in range(2):
        @pl.when(s < NH // ZR)
        def _():
            pltpu.sync_copy(zrow_hbm, red_s.at[pl.ds(s * ZR, ZR)])

        plsc.subcore_barrier()
        dbase = p * NH + cNP

        def batch():
            for t in range(GCH // 16):
                sl = pl.ds(t * 16, 16)
                dv = dv_b[sl]
                sidx2[0, sl] = dv
                bidx[sl] = dv + dbase
            ca = pltpu.async_copy(a2_hbm.at[aidx_b.at[pl.ds(0, GCH)]],
                                  abuf, sem_a)
            cb = pltpu.async_copy(b2_hbm.at[bidx], bbuf, sem_b)
            @pl.when(c == 0)
            def _():
                pltpu.async_copy(ct_hbm.at[eid_b.at[pl.ds(0, GCH)]],
                                 cbuf, sem_c)

            @pl.when(c == 1)
            def _():
                pltpu.async_copy(cb_hbm.at[eid_b.at[pl.ds(0, GCH)]],
                                 cbuf, sem_c)

            ca.wait()
            cb.wait()
            pltpu.make_async_copy(ct_hbm.at[eid_b.at[pl.ds(0, GCH)]],
                                  cbuf, sem_c).wait()

            def row_body(i, _):
                for k2 in range(HALF // 16):
                    sl = pl.ds(k2 * 16, 16)
                    v = abuf[i, sl] + bbuf[i, sl] + cbuf[i, sl]
                    abuf[i, sl] = jnp.maximum(v, v * jnp.float32(0.01))
                return 0

            lax.fori_loop(0, GCH, row_body, 0)
            pltpu.sync_copy(abuf, red_s.at[sidx2.at[0]], add=True)

        def cnt_body(i, kp):
            pkv = pk_l[pl.ds(i * 16, 16)]
            dv = jnp.bitwise_and(pkv, SENT)
            dvl = dv - p * NH
            mr = (dvl >= 0) & (dvl < NH)
            return kp + jnp.sum(mr.astype(jnp.int32))

        kp = lax.fori_loop(0, nv, cnt_body, jnp.int32(0))
        nbatches = (kp + GCH - 1) // GCH

        def b_body(_, st):
            i, fill = st

            def f_cond(st2):
                i2, f2 = st2
                return (f2 < GCH) & (i2 < nv)

            def f_step(st2):
                i2, f2 = st2
                pkv = pk_l[pl.ds(i2 * 16, 16)]
                ev = eid_l[pl.ds(i2 * 16, 16)]
                sv = jnp.right_shift(pkv, SHIFT)
                dv = jnp.bitwise_and(pkv, SENT)
                dvl = dv - p * NH
                mr = (dvl >= 0) & (dvl < NH)
                plsc.store_compressed(aidx_b.at[pl.ds(f2, 16)], sv + cNP,
                                      mask=mr)
                plsc.store_compressed(dv_b.at[pl.ds(f2, 16)], dvl, mask=mr)
                plsc.store_compressed(eid_b.at[pl.ds(f2, 16)], ev, mask=mr)
                return (i2 + 1, f2 + jnp.sum(mr.astype(jnp.int32)))

            i, fill = lax.while_loop(f_cond, f_step, (i, fill))

            for t in range(GCH // 16):
                aidx_b[pl.ds(fill + t * 16, 16)] = jnp.full((16,), cNP,
                                                            jnp.int32)
                dv_b[pl.ds(fill + t * 16, 16)] = jnp.full((16,), NH,
                                                          jnp.int32)
                eid_b[pl.ds(fill + t * 16, 16)] = jnp.full((16,), cE,
                                                           jnp.int32)
            batch()
            aidx_b[pl.ds(0, 16)] = aidx_b[pl.ds(GCH, 16)]
            dv_b[pl.ds(0, 16)] = dv_b[pl.ds(GCH, 16)]
            eid_b[pl.ds(0, 16)] = eid_b[pl.ds(GCH, 16)]
            return (i, jnp.maximum(fill - GCH, 0))

        lax.fori_loop(0, nbatches, b_body, (jnp.int32(0), jnp.int32(0)))

        plsc.subcore_barrier()

        @pl.when(s < NH // ZR)
        def _():
            pltpu.sync_copy(red_s.at[pl.ds(s * ZR, ZR)],
                            red2_hbm.at[pl.ds(c * NPAD + p * NH + s * ZR,
                                              ZR)])

        plsc.subcore_barrier()


def _make_sc_kernel():
    mesh = plsc.VectorSubcoreMesh(core_axis_name="c", subcore_axis_name="s",
                                  num_cores=2, num_subcores=NS)
    return pl.kernel(
        _sc_body,
        out_type=(
            jax.ShapeDtypeStruct((2 * NPAD, HALF), jnp.float32),
            jax.ShapeDtypeStruct((NS * NRP,), jnp.float32),
        ),
        mesh=mesh,
        compiler_params=pltpu.CompilerParams(needs_layout_passes=False),
        scratch_types=[
            pltpu.VMEM((NTW,), jnp.int32),
            pltpu.VMEM((CCH,), jnp.int32),
            pltpu.VMEM((CCH,), jnp.int32),
            pltpu.VMEM((CAP,), jnp.int32),
            pltpu.VMEM((CAP,), jnp.int32),
            pltpu.VMEM((SB,), jnp.int32),
            pltpu.VMEM((SB,), jnp.int32),
            pltpu.VMEM((SB,), jnp.int32),
            pltpu.VMEM((GCH,), jnp.int32),
            pltpu.VMEM((1, GCH), jnp.int32),
            pltpu.VMEM((NRP,), jnp.float32),
            pltpu.VMEM((GCH, HALF), jnp.float32),
            pltpu.VMEM((GCH, HALF), jnp.float32),
            pltpu.VMEM((GCH, HALF), jnp.float32),
            pltpu.VMEM_SHARED((NHP, HALF), jnp.float32),
            pltpu.SemaphoreType.DMA,
            pltpu.SemaphoreType.DMA,
            pltpu.SemaphoreType.DMA,
        ],
    )


_BN = 400
_BE = 3200


@jax.jit
def kernel(nf, ef, edge_index, node_type, W_edge, W_node):
    src = edge_index[0]
    dst = edge_index[1]
    w_cat = jnp.concatenate(
        [W_edge[0:DIN], W_edge[DIN:2 * DIN], W_node[0:DOUT]], axis=1)
    w_ef = W_edge[2 * DIN:2 * DIN + EFD]
    w_bot = W_node[DOUT:DOUT + DIN]

    ntb = node_type.astype(jnp.int32).reshape(N // 16, 16)
    ntp = jnp.sum(ntb << (2 * jnp.arange(16, dtype=jnp.int32)), axis=1)
    ntp = jnp.concatenate([ntp, jnp.zeros((NTW - N // 16,), jnp.int32)])

    a2, b2, d = pl.pallas_call(
        _mm_node_body,
        grid=(N // _BN,),
        in_specs=[
            pl.BlockSpec((_BN, DIN), lambda i: (i, 0)),
            pl.BlockSpec((DIN, 2 * DIN + DOUT), lambda i: (0, 0)),
        ],
        out_specs=[
            pl.BlockSpec((2, _BN, HALF), lambda i: (0, i, 0)),
            pl.BlockSpec((2, _BN, HALF), lambda i: (0, i, 0)),
            pl.BlockSpec((_BN, DOUT), lambda i: (i, 0)),
        ],
        out_shape=[
            jax.ShapeDtypeStruct((2, NPAD, HALF), jnp.float32),
            jax.ShapeDtypeStruct((2, NPAD, HALF), jnp.float32),
            jax.ShapeDtypeStruct((N, DOUT), jnp.float32),
        ],
    )(nf, w_cat)

    eft = ef.T
    ct, cb = pl.pallas_call(
        _mm_edge_body,
        grid=(E // _BE,),
        in_specs=[
            pl.BlockSpec((EFD, _BE), lambda i: (0, i)),
            pl.BlockSpec((EFD, DOUT), lambda i: (0, 0)),
        ],
        out_specs=[
            pl.BlockSpec((_BE, HALF), lambda i: (i, 0)),
            pl.BlockSpec((_BE, HALF), lambda i: (i, 0)),
        ],
        out_shape=[
            jax.ShapeDtypeStruct((E, HALF), jnp.float32),
            jax.ShapeDtypeStruct((E, HALF), jnp.float32),
        ],
    )(eft, w_ef)

    a2 = a2.reshape(2 * NPAD, HALF)
    b2 = b2.reshape(2 * NPAD, HALF)

    zrow = jnp.zeros((ZR, HALF), jnp.float32)
    red2, recvt = _make_sc_kernel()(
        src, dst, ntp, a2, b2, ct, cb, zrow)

    recv = pl.pallas_call(
        _recv_red_body,
        grid=(1,),
        in_specs=[pl.BlockSpec((NS, NRP), lambda i: (0, 0))],
        out_specs=pl.BlockSpec((NRP, 1), lambda i: (0, 0)),
        out_shape=jax.ShapeDtypeStruct((NRP, 1), jnp.float32),
    )(recvt.reshape(NS, NRP))

    out = pl.pallas_call(
        _node_out_body,
        grid=(N // _BN,),
        in_specs=[
            pl.BlockSpec((_BN, DOUT), lambda i: (i, 0)),
            pl.BlockSpec((1, _BN, HALF), lambda i: (0, i, 0)),
            pl.BlockSpec((1, _BN, HALF), lambda i: (1, i, 0)),
            pl.BlockSpec((DIN, DOUT), lambda i: (0, 0)),
            pl.BlockSpec((_BN, 1), lambda i: (i, 0)),
        ],
        out_specs=pl.BlockSpec((_BN, DOUT), lambda i: (i, 0)),
        out_shape=jax.ShapeDtypeStruct((N, DOUT), jnp.float32),
    )(d, red2.reshape(2, NPAD, HALF), red2.reshape(2, NPAD, HALF), w_bot,
      recv[:N])
    return out

# --- scband reference (transcript-rebuilt; emitter-appended) ---
"""Pipeline reference for scband-gnnlayer-14027363189300 (READ-ONLY COPY).

The authoritative reference and input builder live on the scoring server;
editing this copy changes nothing except your own understanding.
"""

import jax, jax.numpy as jnp
import numpy as np

N = 10000
E = 160000
IN_DIM = 256
OUT_DIM = 256
EF_DIM = 16
TASK_TYPE = 2


def setup_inputs(seed: int = 0) -> dict:
    key = jax.random.key(seed)
    k1, k2, k3, k4, k5, k6 = jax.random.split(key, 6)
    nf = jax.random.normal(k1, (N, IN_DIM), dtype=jnp.float32)
    ef = jax.random.normal(k2, (E, EF_DIM), dtype=jnp.float32)
    edge_index = jax.random.randint(k3, (2, E), 0, N, dtype=jnp.int32)
    node_type = jax.random.randint(k4, (N,), 0, 4, dtype=jnp.int32)
    # Linear(in_dim*2 + ef_dim -> out_dim, bias=False) for edge_embedding
    W_edge = jax.random.normal(k5, (2 * IN_DIM + EF_DIM, OUT_DIM), dtype=jnp.float32) / np.sqrt(2 * IN_DIM + EF_DIM)
    # Linear(out_dim + in_dim -> out_dim, bias=False) for node_embedding
    W_node = jax.random.normal(k6, (OUT_DIM + IN_DIM, OUT_DIM), dtype=jnp.float32) / np.sqrt(OUT_DIM + IN_DIM)
    return {"nf": nf, "ef": ef, "edge_index": edge_index, "node_type": node_type, "W_edge": W_edge, "W_node": W_node}


def reference(nf, ef, edge_index, node_type, W_edge, W_node):
    src = edge_index[0]
    dst = edge_index[1]
    # DGL push(u=task_node_idx): only edges whose src is a task node carry messages
    edge_mask = (node_type[src] == TASK_TYPE).astype(nf.dtype)
    # message_func: edge_embedding(concat(src_nf, dst_nf, ef)) with LeakyReLU
    msg_in = jnp.concatenate([nf[src], nf[dst], ef], axis=-1)
    msg = jax.nn.leaky_relu(msg_in @ W_edge, negative_slope=0.01)
    msg = msg * edge_mask[:, None]
    # reduce_func: sum of mailbox messages at dst
    red_msg = jax.ops.segment_sum(msg, dst, num_segments=N)
    # apply_node_func only runs on nodes that received at least one message
    recv = jax.ops.segment_sum(edge_mask, dst, num_segments=N) > 0
    out = jax.nn.leaky_relu(jnp.concatenate([nf, red_msg], axis=-1) @ W_node, negative_slope=0.01)
    out_nf = jnp.where(recv[:, None], out, jnp.zeros_like(out))
    return out_nf

if __name__ == "__main__":
    import jax
    _d = setup_inputs()
    print(jax.jit(kernel)(*tuple(_d.values())))

</pallas_src>

<mosaic_0001>
#map = affine_map<(d0, d1) -> (0)>
#map1 = affine_map<(d0, d1) -> (0, 0)>
module attributes {stable_mosaic.version = 14 : i64} {
  func.func @_sc_body(%arg0: i32, %arg1: i32, %arg2: memref<160000xi32, #tpu.memory_space<hbm>>, %arg3: memref<160000xi32, #tpu.memory_space<hbm>>, %arg4: memref<640xi32, #tpu.memory_space<hbm>>, %arg5: memref<20016x128xf32, #tpu.memory_space<hbm>>, %arg6: memref<20016x128xf32, #tpu.memory_space<hbm>>, %arg7: memref<160000x128xf32, #tpu.memory_space<hbm>>, %arg8: memref<160000x128xf32, #tpu.memory_space<hbm>>, %arg9: memref<1000x128xf32, #tpu.memory_space<hbm>>, %arg10: memref<20016x128xf32, #tpu.memory_space<hbm>>, %arg11: memref<163840xf32, #tpu.memory_space<hbm>>, %arg12: memref<640xi32, #tpu.memory_space<vmem>>, %arg13: memref<2000xi32, #tpu.memory_space<vmem>>, %arg14: memref<2000xi32, #tpu.memory_space<vmem>>, %arg15: memref<10032xi32, #tpu.memory_space<vmem>>, %arg16: memref<10032xi32, #tpu.memory_space<vmem>>, %arg17: memref<256xi32, #tpu.memory_space<vmem>>, %arg18: memref<256xi32, #tpu.memory_space<vmem>>, %arg19: memref<256xi32, #tpu.memory_space<vmem>>, %arg20: memref<96xi32, #tpu.memory_space<vmem>>, %arg21: memref<1x96xi32, #tpu.memory_space<vmem>>, %arg22: memref<10240xf32, #tpu.memory_space<vmem>>, %arg23: memref<96x128xf32, #tpu.memory_space<vmem>>, %arg24: memref<96x128xf32, #tpu.memory_space<vmem>>, %arg25: memref<96x128xf32, #tpu.memory_space<vmem>>, %arg26: memref<5008x128xf32, #tpu.memory_space<vmem_shared>>, %arg27: memref<!tpu.dma_semaphore, #tpu.memory_space<semaphore_mem>>, %arg28: memref<!tpu.dma_semaphore, #tpu.memory_space<semaphore_mem>>, %arg29: memref<!tpu.dma_semaphore, #tpu.memory_space<semaphore_mem>>) attributes {dimension_semantics = [#tpu.dimension_semantics<core_parallel>, #tpu.dimension_semantics<subcore_parallel>], iteration_bounds = array<i64: 2, 16>, scalar_prefetch = 0 : i64, scratch_operands = 18 : i64, tpu.core_type = #tpu.core_type<sc_vector_subcore>, window_params = [{transform_indices = #map}, {transform_indices = #map}, {transform_indices = #map}, {transform_indices = #map1}, {transform_indices = #map1}, {transform_indices = #map1}, {transform_indices = #map1}, {transform_indices = #map1}, {transform_indices = #map1}, {transform_indices = #map}]} {
    %iota3A = tpu.iota {dimensions = array<i32: 0>} : vector<16xi32>
    %mul3A = arith.constant 10008 : i32
    %mul3A_0 = arith.muli %arg0, %mul3A : i32
    %mul3A_1 = arith.constant 160000 : i32
    %mul3A_2 = arith.muli %arg0, %mul3A_1 : i32
    %broadcast_in_dim3A = arith.constant 1.000000e+00 : f32
    %broadcast_in_dim3A_3 = vector.broadcast %broadcast_in_dim3A : f32 to vector<16xf32>
    %broadcast_in_dim3A_4 = arith.constant 0.000000e+00 : f32
    %broadcast_in_dim3A_5 = vector.broadcast %broadcast_in_dim3A_4 : f32 to vector<16xf32>
    "tpu.region"() ({
      %run_scoped3A = tpu.sem_alloc : memref<!tpu.dma_semaphore, #tpu.memory_space<semaphore_mem>>
      tpu.enqueue_dma source(%arg4 : memref<640xi32, #tpu.memory_space<hbm>>) target(%arg12 : memref<640xi32, #tpu.memory_space<vmem>>) target_semaphore(%run_scoped3A : memref<!tpu.dma_semaphore, #tpu.memory_space<semaphore_mem>>)
      tpu.wait_dma2 semaphore(%run_scoped3A : memref<!tpu.dma_semaphore, #tpu.memory_space<semaphore_mem>>) src(%arg4 : memref<640xi32, #tpu.memory_space<hbm>>) dst(%arg12 : memref<640xi32, #tpu.memory_space<vmem>>)
      tpu.yield
    }) : () -> ()
    %scan3A = arith.constant 0 : i32
    %scan3A_6 = arith.constant 0 : i32
    %scan3A_7 = arith.constant 640 : i32
    %scan3A_8 = arith.addi %scan3A_6, %scan3A_7 : i32
    %scan3A_9 = arith.constant 1 : i32
    %scan3A_10 = scf.for %scan3A_180 = %scan3A_6 to %scan3A_8 step %scan3A_9 iter_args(%scan3A_181 = %scan3A) -> (i32)  : i32 {
      %mul3A_182 = arith.constant 16 : i32
      %mul3A_183 = arith.muli %scan3A_180, %mul3A_182 : i32
      %swap3A_184 = arith.index_cast %mul3A_183 : i32 to index
      %swap3A_185 = tpu.vector_load %arg22[%swap3A_184] {strides = array<i32>} : memref<10240xf32, #tpu.memory_space<vmem>>, vector<16xf32>,
      tpu.vector_store %arg22[%swap3A_184], %broadcast_in_dim3A_5 {strides = array<i32>} : memref<10240xf32, #tpu.memory_space<vmem>>, vector<16xf32>,
      %scan3A_186 = arith.constant 0 : i32
      scf.yield %scan3A_186 : i32
    }
    %scan3A_11 = arith.constant 640 : i32
    %mul3A_12 = arith.constant 10000 : i32
    %mul3A_13 = arith.muli %arg1, %mul3A_12 : i32
    %scan3A_14 = arith.constant 0 : i32
    %scan3A_15 = arith.constant 0 : i32
    %scan3A_16 = arith.constant 5 : i32
    %scan3A_17 = arith.addi %scan3A_15, %scan3A_16 : i32
    %scan3A_18 = arith.constant 1 : i32
    %scan3A_19 = scf.for %scan3A_180 = %scan3A_15 to %scan3A_17 step %scan3A_18 iter_args(%scan3A_181 = %scan3A_14) -> (i32)  : i32 {
      %mul3A_182 = arith.constant 2000 : i32
      %mul3A_183 = arith.muli %scan3A_180, %mul3A_182 : i32
      %add3A_184 = arith.addi %mul3A_13, %mul3A_183 : i32
      "tpu.region"() ({
        %run_scoped3A = tpu.sem_alloc : memref<!tpu.dma_semaphore, #tpu.memory_space<semaphore_mem>>
        %dma_start3A = tpu.memref_slice %arg2[%add3A_184] : memref<160000xi32, #tpu.memory_space<hbm>> -> memref<2000xi32, #tpu.memory_space<hbm>>
        %dma_start3A_191 = tpu.memref_slice %arg2[%add3A_184] : memref<160000xi32, #tpu.memory_space<hbm>> -> memref<2000xi32, #tpu.memory_space<hbm>>
        tpu.enqueue_dma source(%dma_start3A_191 : memref<2000xi32, #tpu.memory_space<hbm>>) target(%arg13 : memref<2000xi32, #tpu.memory_space<vmem>>) target_semaphore(%run_scoped3A : memref<!tpu.dma_semaphore, #tpu.memory_space<semaphore_mem>>)
        %dma_wait3A = tpu.memref_slice %arg2[%add3A_184] : memref<160000xi32, #tpu.memory_space<hbm>> -> memref<2000xi32, #tpu.memory_space<hbm>>
        %dma_wait3A_192 = tpu.memref_slice %arg2[%add3A_184] : memref<160000xi32, #tpu.memory_space<hbm>> -> memref<2000xi32, #tpu.memory_space<hbm>>
        tpu.wait_dma2 semaphore(%run_scoped3A : memref<!tpu.dma_semaphore, #tpu.memory_space<semaphore_mem>>) src(%dma_wait3A_192 : memref<2000xi32, #tpu.memory_space<hbm>>) dst(%arg13 : memref<2000xi32, #tpu.memory_space<vmem>>)
        tpu.yield
      }) : () -> ()
      "tpu.region"() ({
        %run_scoped3A = tpu.sem_alloc : memref<!tpu.dma_semaphore, #tpu.memory_space<semaphore_mem>>
        %dma_start3A = tpu.memref_slice %arg3[%add3A_184] : memref<160000xi32, #tpu.memory_space<hbm>> -> memref<2000xi32, #tpu.memory_space<hbm>>
        %dma_start3A_191 = tpu.memref_slice %arg3[%add3A_184] : memref<160000xi32, #tpu.memory_space<hbm>> -> memref<2000xi32, #tpu.memory_space<hbm>>
        tpu.enqueue_dma source(%dma_start3A_191 : memref<2000xi32, #tpu.memory_space<hbm>>) target(%arg14 : memref<2000xi32, #tpu.memory_space<vmem>>) target_semaphore(%run_scoped3A : memref<!tpu.dma_semaphore, #tpu.memory_space<semaphore_mem>>)
        %dma_wait3A = tpu.memref_slice %arg3[%add3A_184] : memref<160000xi32, #tpu.memory_space<hbm>> -> memref<2000xi32, #tpu.memory_space<hbm>>
        %dma_wait3A_192 = tpu.memref_slice %arg3[%add3A_184] : memref<160000xi32, #tpu.memory_space<hbm>> -> memref<2000xi32, #tpu.memory_space<hbm>>
        tpu.wait_dma2 semaphore(%run_scoped3A : memref<!tpu.dma_semaphore, #tpu.memory_space<semaphore_mem>>) src(%dma_wait3A_192 : memref<2000xi32, #tpu.memory_space<hbm>>) dst(%arg14 : memref<2000xi32, #tpu.memory_space<vmem>>)
        tpu.yield
      }) : () -> ()
      %scan3A_185 = arith.constant 0 : i32
      %scan3A_186 = arith.constant 125 : i32
      %scan3A_187 = arith.addi %scan3A_185, %scan3A_186 : i32
      %scan3A_188 = arith.constant 1 : i32
      %scan3A_189 = scf.for %scan3A_191 = %scan3A_185 to %scan3A_187 step %scan3A_188 iter_args(%scan3A_192 = %scan3A_181) -> (i32)  : i32 {
        %mul3A_193 = arith.constant 16 : i32
        %mul3A_194 = arith.muli %scan3A_191, %mul3A_193 : i32
        %get3A = arith.index_cast %mul3A_194 : i32 to index
        %get3A_195 = tpu.vector_load %arg13[%get3A] {strides = array<i32>} : memref<2000xi32, #tpu.memory_space<vmem>>, vector<16xi32>,
        %mul3A_196 = arith.constant 16 : i32
        %mul3A_197 = arith.muli %scan3A_191, %mul3A_196 : i32
        %get3A_198 = arith.index_cast %mul3A_197 : i32 to index
        %get3A_199 = tpu.vector_load %arg14[%get3A_198] {strides = array<i32>} : memref<2000xi32, #tpu.memory_space<vmem>>, vector<16xi32>,
        %shift_right_arithmetic3A = arith.constant 4 : i32
        %shift_right_arithmetic3A_200 = vector.broadcast %shift_right_arithmetic3A : i32 to vector<16xi32>
        %shift_right_arithmetic3A_201 = arith.shrsi %get3A_195, %shift_right_arithmetic3A_200 : vector<16xi32>
        %gather3A = tpu.vector_load_idx %arg12[%shift_right_arithmetic3A_201] : memref<640xi32, #tpu.memory_space<vmem>>[vector<16xi32>], vector<16xi32>,
        %and3A_202 = arith.constant 15 : i32
        %and3A_203 = vector.broadcast %and3A_202 : i32 to vector<16xi32>
        %and3A_204 = arith.andi %get3A_195, %and3A_203 : vector<16xi32>
        %shift_left3A = arith.constant 1 : i32
        %shift_left3A_205 = vector.broadcast %shift_left3A : i32 to vector<16xi32>
        %shift_left3A_206 = arith.shli %and3A_204, %shift_left3A_205 : vector<16xi32>
        %shift_right_logical3A = arith.shrui %gather3A, %shift_left3A_206 : vector<16xi32>
        %and3A_207 = arith.constant 3 : i32
        %and3A_208 = vector.broadcast %and3A_207 : i32 to vector<16xi32>
        %and3A_209 = arith.andi %shift_right_logical3A, %and3A_208 : vector<16xi32>
        %eq3A_210 = arith.constant 2 : i32
        %eq3A_211 = vector.broadcast %eq3A_210 : i32 to vector<16xi32>
        %eq3A_212 = arith.cmpi eq, %and3A_209, %eq3A_211 : vector<16xi32>
        tpu.vector_store_idx %arg22[%get3A_199], %broadcast_in_dim3A_3 masked %eq3A_212 : memref<10240xf32, #tpu.memory_space<vmem>>[vector<16xi32>], vector<16xf32>, vector<16xi1>
        %mul3A_213 = arith.constant 16 : i32
        %mul3A_214 = arith.muli %scan3A_191, %mul3A_213 : i32
        %add3A_215 = arith.addi %add3A_184, %mul3A_214 : i32
        %add3A_216 = vector.broadcast %add3A_215 : i32 to vector<16xi32>
        %add3A_217 = arith.addi %add3A_216, %iota3A : vector<16xi32>
        %shift_left3A_218 = arith.constant 14 : i32
        %shift_left3A_219 = vector.broadcast %shift_left3A_218 : i32 to vector<16xi32>
        %shift_left3A_220 = arith.shli %get3A_195, %shift_left3A_219 : vector<16xi32>
        %or3A = arith.ori %shift_left3A_220, %get3A_199 : vector<16xi32>
        %swap3A_221 = arith.index_cast %scan3A_192 : i32 to index
        %swap3A_222 = tpu.vector_load %arg15[%swap3A_221] masked %eq3A_212 {strides = array<i32>} : memref<10032xi32, #tpu.memory_space<vmem>>, vector<16xi32>, vector<16xi1>
        tpu.vector_store %arg15[%swap3A_221], %or3A masked %eq3A_212 {strides = array<i32>} : memref<10032xi32, #tpu.memory_space<vmem>>, vector<16xi32>, vector<16xi1>
        %swap3A_223 = arith.index_cast %scan3A_192 : i32 to index
        %swap3A_224 = tpu.vector_load %arg16[%swap3A_223] masked %eq3A_212 {strides = array<i32>} : memref<10032xi32, #tpu.memory_space<vmem>>, vector<16xi32>, vector<16xi1>
        tpu.vector_store %arg16[%swap3A_223], %add3A_217 masked %eq3A_212 {strides = array<i32>} : memref<10032xi32, #tpu.memory_space<vmem>>, vector<16xi32>, vector<16xi1>
        %convert_element_type3A_225 = arith.extui %eq3A_212 : vector<16xi1> to vector<16xi32>
        %reduce_sum3A = arith.constant true
        %reduce_sum3A_226 = vector.broadcast %reduce_sum3A : i1 to vector<16xi1>
        %reduce_sum3A_227 = tpu.scan <sum>, %convert_element_type3A_225 masked %reduce_sum3A_226 : vector<16xi32>, vector<16xi1> -> vector<16xi32>
        %reduce_sum3A_228 = vector.extract %reduce_sum3A_227[15] : i32 from vector<16xi32>
        %add3A_229 = arith.addi %scan3A_192, %reduce_sum3A_228 : i32
        scf.yield %add3A_229 : i32
      }
      %scan3A_190 = arith.constant 125 : i32
      scf.yield %scan3A_189 : i32
    }
    %scan3A_20 = arith.constant 5 : i32
    %broadcast_in_dim3A_21 = arith.constant 16383 : i32
    %broadcast_in_dim3A_22 = vector.broadcast %broadcast_in_dim3A_21 : i32 to vector<16xi32>
    %swap3A = arith.index_cast %scan3A_19 : i32 to index
    %swap3A_23 = tpu.vector_load %arg15[%swap3A] {strides = array<i32>} : memref<10032xi32, #tpu.memory_space<vmem>>, vector<16xi32>,
    tpu.vector_store %arg15[%swap3A], %broadcast_in_dim3A_22 {strides = array<i32>} : memref<10032xi32, #tpu.memory_space<vmem>>, vector<16xi32>,
    %broadcast_in_dim3A_24 = arith.constant 0 : i32
    %broadcast_in_dim3A_25 = vector.broadcast %broadcast_in_dim3A_24 : i32 to vector<16xi32>
    %swap3A_26 = arith.index_cast %scan3A_19 : i32 to index
    %swap3A_27 = tpu.vector_load %arg16[%swap3A_26] {strides = array<i32>} : memref<10032xi32, #tpu.memory_space<vmem>>, vector<16xi32>,
    tpu.vector_store %arg16[%swap3A_26], %broadcast_in_dim3A_25 {strides = array<i32>} : memref<10032xi32, #tpu.memory_space<vmem>>, vector<16xi32>,
    %eq3A = arith.constant 0 : i32
    %eq3A_28 = arith.cmpi eq, %arg0, %eq3A : i32
    %convert_element_type3A = arith.extui %eq3A_28 : i1 to i32
    %cond3A = arith.constant 0 : i32
    %cond3A_29 = arith.cmpi ne, %convert_element_type3A, %cond3A : i32
    scf.if %cond3A_29 {
      %mul3A_180 = arith.constant 10240 : i32
      %mul3A_181 = arith.muli %arg1, %mul3A_180 : i32
      "tpu.region"() ({
        %run_scoped3A = tpu.sem_alloc : memref<!tpu.dma_semaphore, #tpu.memory_space<semaphore_mem>>
        %dma_start3A = tpu.memref_slice %arg11[%mul3A_181] : memref<163840xf32, #tpu.memory_space<hbm>> -> memref<10240xf32, #tpu.memory_space<hbm>>
        %dma_start3A_182 = tpu.memref_slice %arg11[%mul3A_181] : memref<163840xf32, #tpu.memory_space<hbm>> -> memref<10240xf32, #tpu.memory_space<hbm>>
        tpu.enqueue_dma source(%arg22 : memref<10240xf32, #tpu.memory_space<vmem>>) target(%dma_start3A_182 : memref<10240xf32, #tpu.memory_space<hbm>>) target_semaphore(%run_scoped3A : memref<!tpu.dma_semaphore, #tpu.memory_space<semaphore_mem>>)
        %dma_wait3A = tpu.memref_slice %arg11[%mul3A_181] : memref<163840xf32, #tpu.memory_space<hbm>> -> memref<10240xf32, #tpu.memory_space<hbm>>
        %dma_wait3A_183 = tpu.memref_slice %arg11[%mul3A_181] : memref<163840xf32, #tpu.memory_space<hbm>> -> memref<10240xf32, #tpu.memory_space<hbm>>
        tpu.wait_dma2 semaphore(%run_scoped3A : memref<!tpu.dma_semaphore, #tpu.memory_space<semaphore_mem>>) src(%arg22 : memref<10240xf32, #tpu.memory_space<vmem>>) dst(%dma_wait3A_183 : memref<10240xf32, #tpu.memory_space<hbm>>)
        tpu.yield
      }) : () -> ()
    } else {
    }
    %add3A = arith.constant 15 : i32
    %add3A_30 = arith.addi %scan3A_19, %add3A : i32
    %jit3A = arith.constant 16 : i32
    %div3A = arith.divsi %add3A_30, %jit3A : i32
    %sign3A = arith.constant 0 : i32
    %sign3A_31 = arith.cmpi sgt, %add3A_30, %sign3A : i32
    %sign3A_32 = arith.extui %sign3A_31 : i1 to i32
    %sign3A_33 = arith.constant 0 : i32
    %sign3A_34 = arith.cmpi slt, %add3A_30, %sign3A_33 : i32
    %sign3A_35 = arith.extui %sign3A_34 : i1 to i32
    %sign3A_36 = arith.subi %sign3A_32, %sign3A_35 : i32
    %sign3A_37 = arith.constant 0 : i32
    %sign3A_38 = arith.cmpi sgt, %jit3A, %sign3A_37 : i32
    %sign3A_39 = arith.extui %sign3A_38 : i1 to i32
    %sign3A_40 = arith.constant 0 : i32
    %sign3A_41 = arith.cmpi slt, %jit3A, %sign3A_40 : i32
    %sign3A_42 = arith.extui %sign3A_41 : i1 to i32
    %sign3A_43 = arith.subi %sign3A_39, %sign3A_42 : i32
    %ne3A = arith.cmpi ne, %sign3A_36, %sign3A_43 : i32
    %rem3A = arith.remsi %add3A_30, %jit3A : i32
    %ne3A_44 = arith.constant 0 : i32
    %ne3A_45 = arith.cmpi ne, %rem3A, %ne3A_44 : i32
    %and3A = arith.andi %ne3A, %ne3A_45 : i1
    %sub3A = arith.constant 1 : i32
    %sub3A_46 = arith.subi %div3A, %sub3A : i32
    %select_n3A = arith.select %and3A, %sub3A_46, %div3A : i32
    %lt3A = arith.constant 5 : i32
    %lt3A_47 = arith.cmpi slt, %arg1, %lt3A : i32
    %convert_element_type3A_48 = arith.extui %lt3A_47 : i1 to i32
    %cond3A_49 = arith.constant 0 : i32
    %cond3A_50 = arith.cmpi ne, %convert_element_type3A_48, %cond3A_49 : i32
    scf.if %cond3A_50 {
      %mul3A_180 = arith.constant 1000 : i32
      %mul3A_181 = arith.muli %arg1, %mul3A_180 : i32
      "tpu.region"() ({
        %run_scoped3A = tpu.sem_alloc : memref<!tpu.dma_semaphore, #tpu.memory_space<semaphore_mem>>
        %dma_start3A = arith.constant 0 : i32
        %dma_start3A_182 = tpu.memref_slice %arg26[%mul3A_181, %dma_start3A] : memref<5008x128xf32, #tpu.memory_space<vmem_shared>> -> memref<1000x128xf32, #tpu.memory_space<vmem_shared>>
        tpu.enqueue_dma source(%arg9 : memref<1000x128xf32, #tpu.memory_space<hbm>>) target(%dma_start3A_182 : memref<1000x128xf32, #tpu.memory_space<vmem_shared>>) target_semaphore(%run_scoped3A : memref<!tpu.dma_semaphore, #tpu.memory_space<semaphore_mem>>)
        %dma_wait3A = arith.constant 0 : i32
        %dma_wait3A_183 = tpu.memref_slice %arg26[%mul3A_181, %dma_wait3A] : memref<5008x128xf32, #tpu.memory_space<vmem_shared>> -> memref<1000x128xf32, #tpu.memory_space<vmem_shared>>
        tpu.wait_dma2 semaphore(%run_scoped3A : memref<!tpu.dma_semaphore, #tpu.memory_space<semaphore_mem>>) src(%arg9 : memref<1000x128xf32, #tpu.memory_space<hbm>>) dst(%dma_wait3A_183 : memref<1000x128xf32, #tpu.memory_space<vmem_shared>>)
        tpu.yield
      }) : () -> ()
    } else {
    }
    %barrier3A = arith.constant 0 : index
    tpu.barrier barrier_id(%barrier3A)
    %add3A_51 = arith.constant 0 : i32
    %add3A_52 = arith.addi %add3A_51, %mul3A_0 : i32
    %while3A = arith.constant 0 : i32
    %while3A_53 = arith.constant 0 : i32
    %while3A_54 = arith.subi %select_n3A, %while3A : i32
    %while3A_55 = arith.addi %while3A, %while3A_54 : i32
    %while3A_56 = arith.constant 1 : i32
    %while3A_57 = arith.divsi %while3A_54, %while3A_56 : i32
    %while3A_58 = arith.muli %while3A_57, %while3A_56 : i32
    %while3A_59 = arith.addi %while3A, %while3A_58 : i32
    %while3A_60 = arith.constant 1 : i32
    %while3A_61 = scf.for %while3A_180 = %while3A to %while3A_59 step %while3A_60 iter_args(%while3A_181 = %while3A_53) -> (i32)  : i32 {
      %mul3A_182 = arith.constant 16 : i32
      %mul3A_183 = arith.muli %while3A_180, %mul3A_182 : i32
      %get3A = arith.index_cast %mul3A_183 : i32 to index
      %get3A_184 = tpu.vector_load %arg15[%get3A] {strides = array<i32>} : memref<10032xi32, #tpu.memory_space<vmem>>, vector<16xi32>,
      %and3A_185 = arith.constant 16383 : i32
      %and3A_186 = vector.broadcast %and3A_185 : i32 to vector<16xi32>
      %and3A_187 = arith.andi %get3A_184, %and3A_186 : vector<16xi32>
      %sub3A_188 = arith.constant 0 : i32
      %sub3A_189 = vector.broadcast %sub3A_188 : i32 to vector<16xi32>
      %sub3A_190 = arith.subi %and3A_187, %sub3A_189 : vector<16xi32>
      %ge3A = arith.constant 0 : i32
      %ge3A_191 = vector.broadcast %ge3A : i32 to vector<16xi32>
      %ge3A_192 = arith.cmpi sge, %sub3A_190, %ge3A_191 : vector<16xi32>
      %lt3A_193 = arith.constant 5000 : i32
      %lt3A_194 = vector.broadcast %lt3A_193 : i32 to vector<16xi32>
      %lt3A_195 = arith.cmpi slt, %sub3A_190, %lt3A_194 : vector<16xi32>
      %and3A_196 = arith.andi %ge3A_192, %lt3A_195 : vector<16xi1>
      %convert_element_type3A_197 = arith.extui %and3A_196 : vector<16xi1> to vector<16xi32>
      %reduce_sum3A = arith.constant true
      %reduce_sum3A_198 = vector.broadcast %reduce_sum3A : i1 to vector<16xi1>
      %reduce_sum3A_199 = tpu.scan <sum>, %convert_element_type3A_197 masked %reduce_sum3A_198 : vector<16xi32>, vector<16xi1> -> vector<16xi32>
      %reduce_sum3A_200 = vector.extract %reduce_sum3A_199[15] : i32 from vector<16xi32>
      %add3A_201 = arith.addi %while3A_181, %reduce_sum3A_200 : i32
      scf.yield %add3A_201 : i32
    }
    %while3A_62 = arith.constant 1 : i32
    %while3A_63 = scf.for %while3A_180 = %while3A_59 to %while3A_55 step %while3A_62 iter_args(%while3A_181 = %while3A_61) -> (i32)  : i32 {
      %mul3A_182 = arith.constant 16 : i32
      %mul3A_183 = arith.muli %while3A_180, %mul3A_182 : i32
      %get3A = arith.index_cast %mul3A_183 : i32 to index
      %get3A_184 = tpu.vector_load %arg15[%get3A] {strides = array<i32>} : memref<10032xi32, #tpu.memory_space<vmem>>, vector<16xi32>,
      %and3A_185 = arith.constant 16383 : i32
      %and3A_186 = vector.broadcast %and3A_185 : i32 to vector<16xi32>
      %and3A_187 = arith.andi %get3A_184, %and3A_186 : vector<16xi32>
      %sub3A_188 = arith.constant 0 : i32
      %sub3A_189 = vector.broadcast %sub3A_188 : i32 to vector<16xi32>
      %sub3A_190 = arith.subi %and3A_187, %sub3A_189 : vector<16xi32>
      %ge3A = arith.constant 0 : i32
      %ge3A_191 = vector.broadcast %ge3A : i32 to vector<16xi32>
      %ge3A_192 = arith.cmpi sge, %sub3A_190, %ge3A_191 : vector<16xi32>
      %lt3A_193 = arith.constant 5000 : i32
      %lt3A_194 = vector.broadcast %lt3A_193 : i32 to vector<16xi32>
      %lt3A_195 = arith.cmpi slt, %sub3A_190, %lt3A_194 : vector<16xi32>
      %and3A_196 = arith.andi %ge3A_192, %lt3A_195 : vector<16xi1>
      %convert_element_type3A_197 = arith.extui %and3A_196 : vector<16xi1> to vector<16xi32>
      %reduce_sum3A = arith.constant true
      %reduce_sum3A_198 = vector.broadcast %reduce_sum3A : i1 to vector<16xi1>
      %reduce_sum3A_199 = tpu.scan <sum>, %convert_element_type3A_197 masked %reduce_sum3A_198 : vector<16xi32>, vector<16xi1> -> vector<16xi32>
      %reduce_sum3A_200 = vector.extract %reduce_sum3A_199[15] : i32 from vector<16xi32>
      %add3A_201 = arith.addi %while3A_181, %reduce_sum3A_200 : i32
      scf.yield %add3A_201 : i32
    }
    %add3A_64 = arith.constant 96 : i32
    %add3A_65 = arith.addi %while3A_63, %add3A_64 : i32
    %sub3A_66 = arith.constant 1 : i32
    %sub3A_67 = arith.subi %add3A_65, %sub3A_66 : i32
    %jit3A_68 = arith.constant 96 : i32
    %div3A_69 = arith.divsi %sub3A_67, %jit3A_68 : i32
    %sign3A_70 = arith.constant 0 : i32
    %sign3A_71 = arith.cmpi sgt, %sub3A_67, %sign3A_70 : i32
    %sign3A_72 = arith.extui %sign3A_71 : i1 to i32
    %sign3A_73 = arith.constant 0 : i32
    %sign3A_74 = arith.cmpi slt, %sub3A_67, %sign3A_73 : i32
    %sign3A_75 = arith.extui %sign3A_74 : i1 to i32
    %sign3A_76 = arith.subi %sign3A_72, %sign3A_75 : i32
    %sign3A_77 = arith.constant 0 : i32
    %sign3A_78 = arith.cmpi sgt, %jit3A_68, %sign3A_77 : i32
    %sign3A_79 = arith.extui %sign3A_78 : i1 to i32
    %sign3A_80 = arith.constant 0 : i32
    %sign3A_81 = arith.cmpi slt, %jit3A_68, %sign3A_80 : i32
    %sign3A_82 = arith.extui %sign3A_81 : i1 to i32
    %sign3A_83 = arith.subi %sign3A_79, %sign3A_82 : i32
    %ne3A_84 = arith.cmpi ne, %sign3A_76, %sign3A_83 : i32
    %rem3A_85 = arith.remsi %sub3A_67, %jit3A_68 : i32
    %ne3A_86 = arith.constant 0 : i32
    %ne3A_87 = arith.cmpi ne, %rem3A_85, %ne3A_86 : i32
    %and3A_88 = arith.andi %ne3A_84, %ne3A_87 : i1
    %sub3A_89 = arith.constant 1 : i32
    %sub3A_90 = arith.subi %div3A_69, %sub3A_89 : i32
    %select_n3A_91 = arith.select %and3A_88, %sub3A_90, %div3A_69 : i32
    %while3A_92 = arith.constant 0 : i32
    %while3A_93 = arith.constant 0 : i32
    %while3A_94 = arith.constant 0 : i32
    %while3A_95 = arith.subi %select_n3A_91, %while3A_92 : i32
    %while3A_96 = arith.addi %while3A_92, %while3A_95 : i32
    %while3A_97 = arith.constant 1 : i32
    %while3A_98 = arith.divsi %while3A_95, %while3A_97 : i32
    %while3A_99 = arith.muli %while3A_98, %while3A_97 : i32
    %while3A_100 = arith.addi %while3A_92, %while3A_99 : i32
    %while3A_101 = arith.constant 1 : i32
    %while3A_102:2 = scf.for %while3A_180 = %while3A_92 to %while3A_100 step %while3A_101 iter_args(%while3A_181 = %while3A_93, %while3A_182 = %while3A_94) -> (i32, i32)  : i32 {
      %while3A_183:2 = scf.while (%while3A_390 = %while3A_181, %while3A_391 = %while3A_182) : (i32, i32) -> (i32, i32) {
        %lt3A_392 = arith.constant 96 : i32
        %lt3A_393 = arith.cmpi slt, %while3A_391, %lt3A_392 : i32
        %lt3A_394 = arith.cmpi slt, %while3A_390, %select_n3A : i32
        %and3A_395 = arith.andi %lt3A_393, %lt3A_394 : i1
        scf.condition(%and3A_395) %while3A_390, %while3A_391 : i32, i32
      } do {
      ^bb0(%while3A_390: i32, %while3A_391: i32):
        %mul3A_392 = arith.constant 16 : i32
        %mul3A_393 = arith.muli %while3A_390, %mul3A_392 : i32
        %get3A_394 = arith.index_cast %mul3A_393 : i32 to index
        %get3A_395 = tpu.vector_load %arg15[%get3A_394] {strides = array<i32>} : memref<10032xi32, #tpu.memory_space<vmem>>, vector<16xi32>,
        %mul3A_396 = arith.constant 16 : i32
        %mul3A_397 = arith.muli %while3A_390, %mul3A_396 : i32
        %get3A_398 = arith.index_cast %mul3A_397 : i32 to index
        %get3A_399 = tpu.vector_load %arg16[%get3A_398] {strides = array<i32>} : memref<10032xi32, #tpu.memory_space<vmem>>, vector<16xi32>,
        %shift_right_arithmetic3A = arith.constant 14 : i32
        %shift_right_arithmetic3A_400 = vector.broadcast %shift_right_arithmetic3A : i32 to vector<16xi32>
        %shift_right_arithmetic3A_401 = arith.shrsi %get3A_395, %shift_right_arithmetic3A_400 : vector<16xi32>
        %and3A_402 = arith.constant 16383 : i32
        %and3A_403 = vector.broadcast %and3A_402 : i32 to vector<16xi32>
        %and3A_404 = arith.andi %get3A_395, %and3A_403 : vector<16xi32>
        %sub3A_405 = arith.constant 0 : i32
        %sub3A_406 = vector.broadcast %sub3A_405 : i32 to vector<16xi32>
        %sub3A_407 = arith.subi %and3A_404, %sub3A_406 : vector<16xi32>
        %ge3A = arith.constant 0 : i32
        %ge3A_408 = vector.broadcast %ge3A : i32 to vector<16xi32>
        %ge3A_409 = arith.cmpi sge, %sub3A_407, %ge3A_408 : vector<16xi32>
        %lt3A_410 = arith.constant 5000 : i32
        %lt3A_411 = vector.broadcast %lt3A_410 : i32 to vector<16xi32>
        %lt3A_412 = arith.cmpi slt, %sub3A_407, %lt3A_411 : vector<16xi32>
        %and3A_413 = arith.andi %ge3A_409, %lt3A_412 : vector<16xi1>
        %add3A_414 = vector.broadcast %mul3A_0 : i32 to vector<16xi32>
        %add3A_415 = arith.addi %shift_right_arithmetic3A_401, %add3A_414 : vector<16xi32>
        %swap3A_416 = arith.index_cast %while3A_391 : i32 to index
        %swap3A_417 = tpu.vector_load %arg17[%swap3A_416] masked %and3A_413 {strides = array<i32>} : memref<256xi32, #tpu.memory_space<vmem>>, vector<16xi32>, vector<16xi1>
        tpu.vector_store %arg17[%swap3A_416], %add3A_415 masked %and3A_413 {strides = array<i32>} : memref<256xi32, #tpu.memory_space<vmem>>, vector<16xi32>, vector<16xi1>
        %swap3A_418 = arith.index_cast %while3A_391 : i32 to index
        %swap3A_419 = tpu.vector_load %arg18[%swap3A_418] masked %and3A_413 {strides = array<i32>} : memref<256xi32, #tpu.memory_space<vmem>>, vector<16xi32>, vector<16xi1>
        tpu.vector_store %arg18[%swap3A_418], %sub3A_407 masked %and3A_413 {strides = array<i32>} : memref<256xi32, #tpu.memory_space<vmem>>, vector<16xi32>, vector<16xi1>
        %swap3A_420 = arith.index_cast %while3A_391 : i32 to index
        %swap3A_421 = tpu.vector_load %arg19[%swap3A_420] masked %and3A_413 {strides = array<i32>} : memref<256xi32, #tpu.memory_space<vmem>>, vector<16xi32>, vector<16xi1>
        tpu.vector_store %arg19[%swap3A_420], %get3A_399 masked %and3A_413 {strides = array<i32>} : memref<256xi32, #tpu.memory_space<vmem>>, vector<16xi32>, vector<16xi1>
        %add3A_422 = arith.constant 1 : i32
        %add3A_423 = arith.addi %while3A_390, %add3A_422 : i32
        %convert_element_type3A_424 = arith.extui %and3A_413 : vector<16xi1> to vector<16xi32>
        %reduce_sum3A = arith.constant true
        %reduce_sum3A_425 = vector.broadcast %reduce_sum3A : i1 to vector<16xi1>
        %reduce_sum3A_426 = tpu.scan <sum>, %convert_element_type3A_424 masked %reduce_sum3A_425 : vector<16xi32>, vector<16xi1> -> vector<16xi32>
        %reduce_sum3A_427 = vector.extract %reduce_sum3A_426[15] : i32 from vector<16xi32>
        %add3A_428 = arith.addi %while3A_391, %reduce_sum3A_427 : i32
        scf.yield %add3A_423, %add3A_428 : i32, i32
      }
      %broadcast_in_dim3A_184 = vector.broadcast %mul3A_0 : i32 to vector<16xi32>
      %add3A_185 = arith.constant 0 : i32
      %add3A_186 = arith.addi %while3A_183#1, %add3A_185 : i32
      %swap3A_187 = arith.index_cast %add3A_186 : i32 to index
      %swap3A_188 = tpu.vector_load %arg17[%swap3A_187] {strides = array<i32>} : memref<256xi32, #tpu.memory_space<vmem>>, vector<16xi32>,
      tpu.vector_store %arg17[%swap3A_187], %broadcast_in_dim3A_184 {strides = array<i32>} : memref<256xi32, #tpu.memory_space<vmem>>, vector<16xi32>,
      %broadcast_in_dim3A_189 = arith.constant 5000 : i32
      %broadcast_in_dim3A_190 = vector.broadcast %broadcast_in_dim3A_189 : i32 to vector<16xi32>
      %add3A_191 = arith.constant 0 : i32
      %add3A_192 = arith.addi %while3A_183#1, %add3A_191 : i32
      %swap3A_193 = arith.index_cast %add3A_192 : i32 to index
      %swap3A_194 = tpu.vector_load %arg18[%swap3A_193] {strides = array<i32>} : memref<256xi32, #tpu.memory_space<vmem>>, vector<16xi32>,
      tpu.vector_store %arg18[%swap3A_193], %broadcast_in_dim3A_190 {strides = array<i32>} : memref<256xi32, #tpu.memory_space<vmem>>, vector<16xi32>,
      %broadcast_in_dim3A_195 = vector.broadcast %mul3A_2 : i32 to vector<16xi32>
      %add3A_196 = arith.constant 0 : i32
      %add3A_197 = arith.addi %while3A_183#1, %add3A_196 : i32
      %swap3A_198 = arith.index_cast %add3A_197 : i32 to index
      %swap3A_199 = tpu.vector_load %arg19[%swap3A_198] {strides = array<i32>} : memref<256xi32, #tpu.memory_space<vmem>>, vector<16xi32>,
      tpu.vector_store %arg19[%swap3A_198], %broadcast_in_dim3A_195 {strides = array<i32>} : memref<256xi32, #tpu.memory_space<vmem>>, vector<16xi32>,
      %broadcast_in_dim3A_200 = vector.broadcast %mul3A_0 : i32 to vector<16xi32>
      %add3A_201 = arith.constant 16 : i32
      %add3A_202 = arith.addi %while3A_183#1, %add3A_201 : i32
      %swap3A_203 = arith.index_cast %add3A_202 : i32 to index
      %swap3A_204 = tpu.vector_load %arg17[%swap3A_203] {strides = array<i32>} : memref<256xi32, #tpu.memory_space<vmem>>, vector<16xi32>,
      tpu.vector_store %arg17[%swap3A_203], %broadcast_in_dim3A_200 {strides = array<i32>} : memref<256xi32, #tpu.memory_space<vmem>>, vector<16xi32>,
      %broadcast_in_dim3A_205 = arith.constant 5000 : i32
      %broadcast_in_dim3A_206 = vector.broadcast %broadcast_in_dim3A_205 : i32 to vector<16xi32>
      %add3A_207 = arith.constant 16 : i32
      %add3A_208 = arith.addi %while3A_183#1, %add3A_207 : i32
      %swap3A_209 = arith.index_cast %add3A_208 : i32 to index
      %swap3A_210 = tpu.vector_load %arg18[%swap3A_209] {strides = array<i32>} : memref<256xi32, #tpu.memory_space<vmem>>, vector<16xi32>,
      tpu.vector_store %arg18[%swap3A_209], %broadcast_in_dim3A_206 {strides = array<i32>} : memref<256xi32, #tpu.memory_space<vmem>>, vector<16xi32>,
      %broadcast_in_dim3A_211 = vector.broadcast %mul3A_2 : i32 to vector<16xi32>
      %add3A_212 = arith.constant 16 : i32
      %add3A_213 = arith.addi %while3A_183#1, %add3A_212 : i32
      %swap3A_214 = arith.index_cast %add3A_213 : i32 to index
      %swap3A_215 = tpu.vector_load %arg19[%swap3A_214] {strides = array<i32>} : memref<256xi32, #tpu.memory_space<vmem>>, vector<16xi32>,
      tpu.vector_store %arg19[%swap3A_214], %broadcast_in_dim3A_211 {strides = array<i32>} : memref<256xi32, #tpu.memory_space<vmem>>, vector<16xi32>,
      %broadcast_in_dim3A_216 = vector.broadcast %mul3A_0 : i32 to vector<16xi32>
      %add3A_217 = arith.constant 32 : i32
      %add3A_218 = arith.addi %while3A_183#1, %add3A_217 : i32
      %swap3A_219 = arith.index_cast %add3A_218 : i32 to index
      %swap3A_220 = tpu.vector_load %arg17[%swap3A_219] {strides = array<i32>} : memref<256xi32, #tpu.memory_space<vmem>>, vector<16xi32>,
      tpu.vector_store %arg17[%swap3A_219], %broadcast_in_dim3A_216 {strides = array<i32>} : memref<256xi32, #tpu.memory_space<vmem>>, vector<16xi32>,
      %broadcast_in_dim3A_221 = arith.constant 5000 : i32
      %broadcast_in_dim3A_222 = vector.broadcast %broadcast_in_dim3A_221 : i32 to vector<16xi32>
      %add3A_223 = arith.constant 32 : i32
      %add3A_224 = arith.addi %while3A_183#1, %add3A_223 : i32
      %swap3A_225 = arith.index_cast %add3A_224 : i32 to index
      %swap3A_226 = tpu.vector_load %arg18[%swap3A_225] {strides = array<i32>} : memref<256xi32, #tpu.memory_space<vmem>>, vector<16xi32>,
      tpu.vector_store %arg18[%swap3A_225], %broadcast_in_dim3A_222 {strides = array<i32>} : memref<256xi32, #tpu.memory_space<vmem>>, vector<16xi32>,
      %broadcast_in_dim3A_227 = vector.broadcast %mul3A_2 : i32 to vector<16xi32>
      %add3A_228 = arith.constant 32 : i32
      %add3A_229 = arith.addi %while3A_183#1, %add3A_228 : i32
      %swap3A_230 = arith.index_cast %add3A_229 : i32 to index
      %swap3A_231 = tpu.vector_load %arg19[%swap3A_230] {strides = array<i32>} : memref<256xi32, #tpu.memory_space<vmem>>, vector<16xi32>,
      tpu.vector_store %arg19[%swap3A_230], %broadcast_in_dim3A_227 {strides = array<i32>} : memref<256xi32, #tpu.memory_space<vmem>>, vector<16xi32>,
      %broadcast_in_dim3A_232 = vector.broadcast %mul3A_0 : i32 to vector<16xi32>
      %add3A_233 = arith.constant 48 : i32
      %add3A_234 = arith.addi %while3A_183#1, %add3A_233 : i32
      %swap3A_235 = arith.index_cast %add3A_234 : i32 to index
      %swap3A_236 = tpu.vector_load %arg17[%swap3A_235] {strides = array<i32>} : memref<256xi32, #tpu.memory_space<vmem>>, vector<16xi32>,
      tpu.vector_store %arg17[%swap3A_235], %broadcast_in_dim3A_232 {strides = array<i32>} : memref<256xi32, #tpu.memory_space<vmem>>, vector<16xi32>,
      %broadcast_in_dim3A_237 = arith.constant 5000 : i32
      %broadcast_in_dim3A_238 = vector.broadcast %broadcast_in_dim3A_237 : i32 to vector<16xi32>
      %add3A_239 = arith.constant 48 : i32
      %add3A_240 = arith.addi %while3A_183#1, %add3A_239 : i32
      %swap3A_241 = arith.index_cast %add3A_240 : i32 to index
      %swap3A_242 = tpu.vector_load %arg18[%swap3A_241] {strides = array<i32>} : memref<256xi32, #tpu.memory_space<vmem>>, vector<16xi32>,
      tpu.vector_store %arg18[%swap3A_241], %broadcast_in_dim3A_238 {strides = array<i32>} : memref<256xi32, #tpu.memory_space<vmem>>, vector<16xi32>,
      %broadcast_in_dim3A_243 = vector.broadcast %mul3A_2 : i32 to vector<16xi32>
      %add3A_244 = arith.constant 48 : i32
      %add3A_245 = arith.addi %while3A_183#1, %add3A_244 : i32
      %swap3A_246 = arith.index_cast %add3A_245 : i32 to index
      %swap3A_247 = tpu.vector_load %arg19[%swap3A_246] {strides = array<i32>} : memref<256xi32, #tpu.memory_space<vmem>>, vector<16xi32>,
      tpu.vector_store %arg19[%swap3A_246], %broadcast_in_dim3A_243 {strides = array<i32>} : memref<256xi32, #tpu.memory_space<vmem>>, vector<16xi32>,
      %broadcast_in_dim3A_248 = vector.broadcast %mul3A_0 : i32 to vector<16xi32>
      %add3A_249 = arith.constant 64 : i32
      %add3A_250 = arith.addi %while3A_183#1, %add3A_249 : i32
      %swap3A_251 = arith.index_cast %add3A_250 : i32 to index
      %swap3A_252 = tpu.vector_load %arg17[%swap3A_251] {strides = array<i32>} : memref<256xi32, #tpu.memory_space<vmem>>, vector<16xi32>,
      tpu.vector_store %arg17[%swap3A_251], %broadcast_in_dim3A_248 {strides = array<i32>} : memref<256xi32, #tpu.memory_space<vmem>>, vector<16xi32>,
      %broadcast_in_dim3A_253 = arith.constant 5000 : i32
      %broadcast_in_dim3A_254 = vector.broadcast %broadcast_in_dim3A_253 : i32 to vector<16xi32>
      %add3A_255 = arith.constant 64 : i32
      %add3A_256 = arith.addi %while3A_183#1, %add3A_255 : i32
      %swap3A_257 = arith.index_cast %add3A_256 : i32 to index
      %swap3A_258 = tpu.vector_load %arg18[%swap3A_257] {strides = array<i32>} : memref<256xi32, #tpu.memory_space<vmem>>, vector<16xi32>,
      tpu.vector_store %arg18[%swap3A_257], %broadcast_in_dim3A_254 {strides = array<i32>} : memref<256xi32, #tpu.memory_space<vmem>>, vector<16xi32>,
      %broadcast_in_dim3A_259 = vector.broadcast %mul3A_2 : i32 to vector<16xi32>
      %add3A_260 = arith.constant 64 : i32
      %add3A_261 = arith.addi %while3A_183#1, %add3A_260 : i32
      %swap3A_262 = arith.index_cast %add3A_261 : i32 to index
      %swap3A_263 = tpu.vector_load %arg19[%swap3A_262] {strides = array<i32>} : memref<256xi32, #tpu.memory_space<vmem>>, vector<16xi32>,
      tpu.vector_store %arg19[%swap3A_262], %broadcast_in_dim3A_259 {strides = array<i32>} : memref<256xi32, #tpu.memory_space<vmem>>, vector<16xi32>,
      %broadcast_in_dim3A_264 = vector.broadcast %mul3A_0 : i32 to vector<16xi32>
      %add3A_265 = arith.constant 80 : i32
      %add3A_266 = arith.addi %while3A_183#1, %add3A_265 : i32
      %swap3A_267 = arith.index_cast %add3A_266 : i32 to index
      %swap3A_268 = tpu.vector_load %arg17[%swap3A_267] {strides = array<i32>} : memref<256xi32, #tpu.memory_space<vmem>>, vector<16xi32>,
      tpu.vector_store %arg17[%swap3A_267], %broadcast_in_dim3A_264 {strides = array<i32>} : memref<256xi32, #tpu.memory_space<vmem>>, vector<16xi32>,
      %broadcast_in_dim3A_269 = arith.constant 5000 : i32
      %broadcast_in_dim3A_270 = vector.broadcast %broadcast_in_dim3A_269 : i32 to vector<16xi32>
      %add3A_271 = arith.constant 80 : i32
      %add3A_272 = arith.addi %while3A_183#1, %add3A_271 : i32
      %swap3A_273 = arith.index_cast %add3A_272 : i32 to index
      %swap3A_274 = tpu.vector_load %arg18[%swap3A_273] {strides = array<i32>} : memref<256xi32, #tpu.memory_space<vmem>>, vector<16xi32>,
      tpu.vector_store %arg18[%swap3A_273], %broadcast_in_dim3A_270 {strides = array<i32>} : memref<256xi32, #tpu.memory_space<vmem>>, vector<16xi32>,
      %broadcast_in_dim3A_275 = vector.broadcast %mul3A_2 : i32 to vector<16xi32>
      %add3A_276 = arith.constant 80 : i32
      %add3A_277 = arith.addi %while3A_183#1, %add3A_276 : i32
      %swap3A_278 = arith.index_cast %add3A_277 : i32 to index
      %swap3A_279 = tpu.vector_load %arg19[%swap3A_278] {strides = array<i32>} : memref<256xi32, #tpu.memory_space<vmem>>, vector<16xi32>,
      tpu.vector_store %arg19[%swap3A_278], %broadcast_in_dim3A_275 {strides = array<i32>} : memref<256xi32, #tpu.memory_space<vmem>>, vector<16xi32>,
      %get3A = arith.constant 0 : index
      %get3A_280 = tpu.vector_load %arg18[%get3A] {strides = array<i32>} : memref<256xi32, #tpu.memory_space<vmem>>, vector<16xi32>,
      %swap3A_281 = arith.constant 0 : i32
      %swap3A_282 = arith.index_cast %swap3A_281 : i32 to index
      %swap3A_283 = arith.constant 0 : index
      %swap3A_284 = tpu.vector_load %arg21[%swap3A_282, %swap3A_283] {strides = array<i32>} : memref<1x96xi32, #tpu.memory_space<vmem>>, vector<16xi32>,
      tpu.vector_store %arg21[%swap3A_282, %swap3A_283], %get3A_280 {strides = array<i32>} : memref<1x96xi32, #tpu.memory_space<vmem>>, vector<16xi32>,
      %add3A_285 = vector.broadcast %add3A_52 : i32 to vector<16xi32>
      %add3A_286 = arith.addi %get3A_280, %add3A_285 : vector<16xi32>
      %swap3A_287 = arith.constant 0 : index
      %swap3A_288 = tpu.vector_load %arg20[%swap3A_287] {strides = array<i32>} : memref<96xi32, #tpu.memory_space<vmem>>, vector<16xi32>,
      tpu.vector_store %arg20[%swap3A_287], %add3A_286 {strides = array<i32>} : memref<96xi32, #tpu.memory_space<vmem>>, vector<16xi32>,
      %get3A_289 = arith.constant 16 : index
      %get3A_290 = tpu.vector_load %arg18[%get3A_289] {strides = array<i32>} : memref<256xi32, #tpu.memory_space<vmem>>, vector<16xi32>,
      %swap3A_291 = arith.constant 0 : i32
      %swap3A_292 = arith.index_cast %swap3A_291 : i32 to index
      %swap3A_293 = arith.constant 16 : index
      %swap3A_294 = tpu.vector_load %arg21[%swap3A_292, %swap3A_293] {strides = array<i32>} : memref<1x96xi32, #tpu.memory_space<vmem>>, vector<16xi32>,
      tpu.vector_store %arg21[%swap3A_292, %swap3A_293], %get3A_290 {strides = array<i32>} : memref<1x96xi32, #tpu.memory_space<vmem>>, vector<16xi32>,
      %add3A_295 = vector.broadcast %add3A_52 : i32 to vector<16xi32>
      %add3A_296 = arith.addi %get3A_290, %add3A_295 : vector<16xi32>
      %swap3A_297 = arith.constant 16 : index
      %swap3A_298 = tpu.vector_load %arg20[%swap3A_297] {strides = array<i32>} : memref<96xi32, #tpu.memory_space<vmem>>, vector<16xi32>,
      tpu.vector_store %arg20[%swap3A_297], %add3A_296 {strides = array<i32>} : memref<96xi32, #tpu.memory_space<vmem>>, vector<16xi32>,
      %get3A_299 = arith.constant 32 : index
      %get3A_300 = tpu.vector_load %arg18[%get3A_299] {strides = array<i32>} : memref<256xi32, #tpu.memory_space<vmem>>, vector<16xi32>,
      %swap3A_301 = arith.constant 0 : i32
      %swap3A_302 = arith.index_cast %swap3A_301 : i32 to index
      %swap3A_303 = arith.constant 32 : index
      %swap3A_304 = tpu.vector_load %arg21[%swap3A_302, %swap3A_303] {strides = array<i32>} : memref<1x96xi32, #tpu.memory_space<vmem>>, vector<16xi32>,
      tpu.vector_store %arg21[%swap3A_302, %swap3A_303], %get3A_300 {strides = array<i32>} : memref<1x96xi32, #tpu.memory_space<vmem>>, vector<16xi32>,
      %add3A_305 = vector.broadcast %add3A_52 : i32 to vector<16xi32>
      %add3A_306 = arith.addi %get3A_300, %add3A_305 : vector<16xi32>
      %swap3A_307 = arith.constant 32 : index
      %swap3A_308 = tpu.vector_load %arg20[%swap3A_307] {strides = array<i32>} : memref<96xi32, #tpu.memory_space<vmem>>, vector<16xi32>,
      tpu.vector_store %arg20[%swap3A_307], %add3A_306 {strides = array<i32>} : memref<96xi32, #tpu.memory_space<vmem>>, vector<16xi32>,
      %get3A_309 = arith.constant 48 : index
      %get3A_310 = tpu.vector_load %arg18[%get3A_309] {strides = array<i32>} : memref<256xi32, #tpu.memory_space<vmem>>, vector<16xi32>,
      %swap3A_311 = arith.constant 0 : i32
      %swap3A_312 = arith.index_cast %swap3A_311 : i32 to index
      %swap3A_313 = arith.constant 48 : index
      %swap3A_314 = tpu.vector_load %arg21[%swap3A_312, %swap3A_313] {strides = array<i32>} : memref<1x96xi32, #tpu.memory_space<vmem>>, vector<16xi32>,
      tpu.vector_store %arg21[%swap3A_312, %swap3A_313], %get3A_310 {strides = array<i32>} : memref<1x96xi32, #tpu.memory_space<vmem>>, vector<16xi32>,
      %add3A_315 = vector.broadcast %add3A_52 : i32 to vector<16xi32>
      %add3A_316 = arith.addi %get3A_310, %add3A_315 : vector<16xi32>
      %swap3A_317 = arith.constant 48 : index
      %swap3A_318 = tpu.vector_load %arg20[%swap3A_317] {strides = array<i32>} : memref<96xi32, #tpu.memory_space<vmem>>, vector<16xi32>,
      tpu.vector_store %arg20[%swap3A_317], %add3A_316 {strides = array<i32>} : memref<96xi32, #tpu.memory_space<vmem>>, vector<16xi32>,
      %get3A_319 = arith.constant 64 : index
      %get3A_320 = tpu.vector_load %arg18[%get3A_319] {strides = array<i32>} : memref<256xi32, #tpu.memory_space<vmem>>, vector<16xi32>,
      %swap3A_321 = arith.constant 0 : i32
      %swap3A_322 = arith.index_cast %swap3A_321 : i32 to index
      %swap3A_323 = arith.constant 64 : index
      %swap3A_324 = tpu.vector_load %arg21[%swap3A_322, %swap3A_323] {strides = array<i32>} : memref<1x96xi32, #tpu.memory_space<vmem>>, vector<16xi32>,
      tpu.vector_store %arg21[%swap3A_322, %swap3A_323], %get3A_320 {strides = array<i32>} : memref<1x96xi32, #tpu.memory_space<vmem>>, vector<16xi32>,
      %add3A_325 = vector.broadcast %add3A_52 : i32 to vector<16xi32>
      %add3A_326 = arith.addi %get3A_320, %add3A_325 : vector<16xi32>
      %swap3A_327 = arith.constant 64 : index
      %swap3A_328 = tpu.vector_load %arg20[%swap3A_327] {strides = array<i32>} : memref<96xi32, #tpu.memory_space<vmem>>, vector<16xi32>,
      tpu.vector_store %arg20[%swap3A_327], %add3A_326 {strides = array<i32>} : memref<96xi32, #tpu.memory_space<vmem>>, vector<16xi32>,
      %get3A_329 = arith.constant 80 : index
      %get3A_330 = tpu.vector_load %arg18[%get3A_329] {strides = array<i32>} : memref<256xi32, #tpu.memory_space<vmem>>, vector<16xi32>,
      %swap3A_331 = arith.constant 0 : i32
      %swap3A_332 = arith.index_cast %swap3A_331 : i32 to index
      %swap3A_333 = arith.constant 80 : index
      %swap3A_334 = tpu.vector_load %arg21[%swap3A_332, %swap3A_333] {strides = array<i32>} : memref<1x96xi32, #tpu.memory_space<vmem>>, vector<16xi32>,
      tpu.vector_store %arg21[%swap3A_332, %swap3A_333], %get3A_330 {strides = array<i32>} : memref<1x96xi32, #tpu.memory_space<vmem>>, vector<16xi32>,
      %add3A_335 = vector.broadcast %add3A_52 : i32 to vector<16xi32>
      %add3A_336 = arith.addi %get3A_330, %add3A_335 : vector<16xi32>
      %swap3A_337 = arith.constant 80 : index
      %swap3A_338 = tpu.vector_load %arg20[%swap3A_337] {strides = array<i32>} : memref<96xi32, #tpu.memory_space<vmem>>, vector<16xi32>,
      tpu.vector_store %arg20[%swap3A_337], %add3A_336 {strides = array<i32>} : memref<96xi32, #tpu.memory_space<vmem>>, vector<16xi32>,
      %dma_start3A = arith.constant 0 : i32
      %dma_start3A_339 = tpu.memref_slice %arg17[%dma_start3A] : memref<256xi32, #tpu.memory_space<vmem>> -> memref<96xi32, #tpu.memory_space<vmem>>
      %dma_start3A_340 = arith.constant 0 : i32
      %dma_start3A_341 = arith.constant 0 : i32
      %dma_start3A_342 = tpu.memref_slice %arg5[%dma_start3A_340, %dma_start3A_341] : memref<20016x128xf32, #tpu.memory_space<hbm>> -> memref<20016x128xf32, #tpu.memory_space<hbm>>
      tpu.enqueue_indirect_dma source(%dma_start3A_342 : memref<20016x128xf32, #tpu.memory_space<hbm>>) target(%arg23 : memref<96x128xf32, #tpu.memory_space<vmem>>) offsets(%dma_start3A_339 : memref<96xi32, #tpu.memory_space<vmem>>) semaphore(%arg27 : memref<!tpu.dma_semaphore, #tpu.memory_space<semaphore_mem>>)
      %dma_start3A_343 = arith.constant 0 : i32
      %dma_start3A_344 = arith.constant 0 : i32
      %dma_start3A_345 = tpu.memref_slice %arg6[%dma_start3A_343, %dma_start3A_344] : memref<20016x128xf32, #tpu.memory_space<hbm>> -> memref<20016x128xf32, #tpu.memory_space<hbm>>
      tpu.enqueue_indirect_dma source(%dma_start3A_345 : memref<20016x128xf32, #tpu.memory_space<hbm>>) target(%arg24 : memref<96x128xf32, #tpu.memory_space<vmem>>) offsets(%arg20 : memref<96xi32, #tpu.memory_space<vmem>>) semaphore(%arg28 : memref<!tpu.dma_semaphore, #tpu.memory_space<semaphore_mem>>)
      %eq3A_346 = arith.constant 0 : i32
      %eq3A_347 = arith.cmpi eq, %arg0, %eq3A_346 : i32
      %convert_element_type3A_348 = arith.extui %eq3A_347 : i1 to i32
      %cond3A_349 = arith.constant 0 : i32
      %cond3A_350 = arith.cmpi ne, %convert_element_type3A_348, %cond3A_349 : i32
      scf.if %cond3A_350 {
        %dma_start3A_390 = arith.constant 0 : i32
        %dma_start3A_391 = tpu.memref_slice %arg19[%dma_start3A_390] : memref<256xi32, #tpu.memory_space<vmem>> -> memref<96xi32, #tpu.memory_space<vmem>>
        %dma_start3A_392 = arith.constant 0 : i32
        %dma_start3A_393 = arith.constant 0 : i32
        %dma_start3A_394 = tpu.memref_slice %arg7[%dma_start3A_392, %dma_start3A_393] : memref<160000x128xf32, #tpu.memory_space<hbm>> -> memref<160000x128xf32, #tpu.memory_space<hbm>>
        tpu.enqueue_indirect_dma source(%dma_start3A_394 : memref<160000x128xf32, #tpu.memory_space<hbm>>) target(%arg25 : memref<96x128xf32, #tpu.memory_space<vmem>>) offsets(%dma_start3A_391 : memref<96xi32, #tpu.memory_space<vmem>>) semaphore(%arg29 : memref<!tpu.dma_semaphore, #tpu.memory_space<semaphore_mem>>)
      } else {
      }
      %eq3A_351 = arith.constant 1 : i32
      %eq3A_352 = arith.cmpi eq, %arg0, %eq3A_351 : i32
      %convert_element_type3A_353 = arith.extui %eq3A_352 : i1 to i32
      %cond3A_354 = arith.constant 0 : i32
      %cond3A_355 = arith.cmpi ne, %convert_element_type3A_353, %cond3A_354 : i32
      scf.if %cond3A_355 {
        %dma_start3A_390 = arith.constant 0 : i32
        %dma_start3A_391 = tpu.memref_slice %arg19[%dma_start3A_390] : memref<256xi32, #tpu.memory_space<vmem>> -> memref<96xi32, #tpu.memory_space<vmem>>
        %dma_start3A_392 = arith.constant 0 : i32
        %dma_start3A_393 = arith.constant 0 : i32
        %dma_start3A_394 = tpu.memref_slice %arg8[%dma_start3A_392, %dma_start3A_393] : memref<160000x128xf32, #tpu.memory_space<hbm>> -> memref<160000x128xf32, #tpu.memory_space<hbm>>
        tpu.enqueue_indirect_dma source(%dma_start3A_394 : memref<160000x128xf32, #tpu.memory_space<hbm>>) target(%arg25 : memref<96x128xf32, #tpu.memory_space<vmem>>) offsets(%dma_start3A_391 : memref<96xi32, #tpu.memory_space<vmem>>) semaphore(%arg29 : memref<!tpu.dma_semaphore, #tpu.memory_space<semaphore_mem>>)
      } else {
      }
      %dma_wait3A = arith.constant 0 : i32
      %dma_wait3A_356 = tpu.memref_slice %arg17[%dma_wait3A] : memref<256xi32, #tpu.memory_space<vmem>> -> memref<96xi32, #tpu.memory_space<vmem>>
      %dma_wait3A_357 = arith.constant 0 : i32
      %dma_wait3A_358 = arith.constant 0 : i32
      %dma_wait3A_359 = tpu.memref_slice %arg5[%dma_wait3A_357, %dma_wait3A_358] : memref<20016x128xf32, #tpu.memory_space<hbm>> -> memref<20016x128xf32, #tpu.memory_space<hbm>>
      tpu.wait_indirect_dma semaphore(%arg27 : memref<!tpu.dma_semaphore, #tpu.memory_space<semaphore_mem>>) src(%dma_wait3A_359 : memref<20016x128xf32, #tpu.memory_space<hbm>>) dst(%arg23 : memref<96x128xf32, #tpu.memory_space<vmem>>)
      %dma_wait3A_360 = arith.constant 0 : i32
      %dma_wait3A_361 = arith.constant 0 : i32
      %dma_wait3A_362 = tpu.memref_slice %arg6[%dma_wait3A_360, %dma_wait3A_361] : memref<20016x128xf32, #tpu.memory_space<hbm>> -> memref<20016x128xf32, #tpu.memory_space<hbm>>
      tpu.wait_indirect_dma semaphore(%arg28 : memref<!tpu.dma_semaphore, #tpu.memory_space<semaphore_mem>>) src(%dma_wait3A_362 : memref<20016x128xf32, #tpu.memory_space<hbm>>) dst(%arg24 : memref<96x128xf32, #tpu.memory_space<vmem>>)
      %dma_wait3A_363 = arith.constant 0 : i32
      %dma_wait3A_364 = tpu.memref_slice %arg19[%dma_wait3A_363] : memref<256xi32, #tpu.memory_space<vmem>> -> memref<96xi32, #tpu.memory_space<vmem>>
      %dma_wait3A_365 = arith.constant 0 : i32
      %dma_wait3A_366 = arith.constant 0 : i32
      %dma_wait3A_367 = tpu.memref_slice %arg7[%dma_wait3A_365, %dma_wait3A_366] : memref<160000x128xf32, #tpu.memory_space<hbm>> -> memref<160000x128xf32, #tpu.memory_space<hbm>>
      tpu.wait_indirect_dma semaphore(%arg29 : memref<!tpu.dma_semaphore, #tpu.memory_space<semaphore_mem>>) src(%dma_wait3A_367 : memref<160000x128xf32, #tpu.memory_space<hbm>>) dst(%arg25 : memref<96x128xf32, #tpu.memory_space<vmem>>)
      %scan3A_368 = arith.constant 0 : i32
      %scan3A_369 = arith.constant 0 : i32
      %scan3A_370 = arith.constant 96 : i32
      %scan3A_371 = arith.addi %scan3A_369, %scan3A_370 : i32
      %scan3A_372 = arith.constant 1 : i32
      %scan3A_373 = scf.for %scan3A_390 = %scan3A_369 to %scan3A_371 step %scan3A_372 iter_args(%scan3A_391 = %scan3A_368) -> (i32)  : i32 {
        %get3A_392 = arith.index_cast %scan3A_390 : i32 to index
        %get3A_393 = arith.constant 0 : index
        %get3A_394 = tpu.vector_load %arg23[%get3A_392, %get3A_393] {strides = array<i32>} : memref<96x128xf32, #tpu.memory_space<vmem>>, vector<16xf32>,
        %get3A_395 = arith.index_cast %scan3A_390 : i32 to index
        %get3A_396 = arith.constant 0 : index
        %get3A_397 = tpu.vector_load %arg24[%get3A_395, %get3A_396] {strides = array<i32>} : memref<96x128xf32, #tpu.memory_space<vmem>>, vector<16xf32>,
        %add3A_398 = arith.addf %get3A_394, %get3A_397 : vector<16xf32>
        %get3A_399 = arith.index_cast %scan3A_390 : i32 to index
        %get3A_400 = arith.constant 0 : index
        %get3A_401 = tpu.vector_load %arg25[%get3A_399, %get3A_400] {strides = array<i32>} : memref<96x128xf32, #tpu.memory_space<vmem>>, vector<16xf32>,
        %add3A_402 = arith.addf %add3A_398, %get3A_401 : vector<16xf32>
        %mul3A_403 = arith.constant 0.00999999977 : f32
        %mul3A_404 = vector.broadcast %mul3A_403 : f32 to vector<16xf32>
        %mul3A_405 = arith.mulf %add3A_402, %mul3A_404 : vector<16xf32>
        %max3A_406 = arith.maximumf %add3A_402, %mul3A_405 : vector<16xf32>
        %swap3A_407 = arith.index_cast %scan3A_390 : i32 to index
        %swap3A_408 = arith.constant 0 : index
        %swap3A_409 = tpu.vector_load %arg23[%swap3A_407, %swap3A_408] {strides = array<i32>} : memref<96x128xf32, #tpu.memory_space<vmem>>, vector<16xf32>,
        tpu.vector_store %arg23[%swap3A_407, %swap3A_408], %max3A_406 {strides = array<i32>} : memref<96x128xf32, #tpu.memory_space<vmem>>, vector<16xf32>,
        %get3A_410 = arith.index_cast %scan3A_390 : i32 to index
        %get3A_411 = arith.constant 16 : index
        %get3A_412 = tpu.vector_load %arg23[%get3A_410, %get3A_411] {strides = array<i32>} : memref<96x128xf32, #tpu.memory_space<vmem>>, vector<16xf32>,
        %get3A_413 = arith.index_cast %scan3A_390 : i32 to index
        %get3A_414 = arith.constant 16 : index
        %get3A_415 = tpu.vector_load %arg24[%get3A_413, %get3A_414] {strides = array<i32>} : memref<96x128xf32, #tpu.memory_space<vmem>>, vector<16xf32>,
        %add3A_416 = arith.addf %get3A_412, %get3A_415 : vector<16xf32>
        %get3A_417 = arith.index_cast %scan3A_390 : i32 to index
        %get3A_418 = arith.constant 16 : index
        %get3A_419 = tpu.vector_load %arg25[%get3A_417, %get3A_418] {strides = array<i32>} : memref<96x128xf32, #tpu.memory_space<vmem>>, vector<16xf32>,
        %add3A_420 = arith.addf %add3A_416, %get3A_419 : vector<16xf32>
        %mul3A_421 = arith.constant 0.00999999977 : f32
        %mul3A_422 = vector.broadcast %mul3A_421 : f32 to vector<16xf32>
        %mul3A_423 = arith.mulf %add3A_420, %mul3A_422 : vector<16xf32>
        %max3A_424 = arith.maximumf %add3A_420, %mul3A_423 : vector<16xf32>
        %swap3A_425 = arith.index_cast %scan3A_390 : i32 to index
        %swap3A_426 = arith.constant 16 : index
        %swap3A_427 = tpu.vector_load %arg23[%swap3A_425, %swap3A_426] {strides = array<i32>} : memref<96x128xf32, #tpu.memory_space<vmem>>, vector<16xf32>,
        tpu.vector_store %arg23[%swap3A_425, %swap3A_426], %max3A_424 {strides = array<i32>} : memref<96x128xf32, #tpu.memory_space<vmem>>, vector<16xf32>,
        %get3A_428 = arith.index_cast %scan3A_390 : i32 to index
        %get3A_429 = arith.constant 32 : index
        %get3A_430 = tpu.vector_load %arg23[%get3A_428, %get3A_429] {strides = array<i32>} : memref<96x128xf32, #tpu.memory_space<vmem>>, vector<16xf32>,
        %get3A_431 = arith.index_cast %scan3A_390 : i32 to index
        %get3A_432 = arith.constant 32 : index
        %get3A_433 = tpu.vector_load %arg24[%get3A_431, %get3A_432] {strides = array<i32>} : memref<96x128xf32, #tpu.memory_space<vmem>>, vector<16xf32>,
        %add3A_434 = arith.addf %get3A_430, %get3A_433 : vector<16xf32>
        %get3A_435 = arith.index_cast %scan3A_390 : i32 to index
        %get3A_436 = arith.constant 32 : index
        %get3A_437 = tpu.vector_load %arg25[%get3A_435, %get3A_436] {strides = array<i32>} : memref<96x128xf32, #tpu.memory_space<vmem>>, vector<16xf32>,
        %add3A_438 = arith.addf %add3A_434, %get3A_437 : vector<16xf32>
        %mul3A_439 = arith.constant 0.00999999977 : f32
        %mul3A_440 = vector.broadcast %mul3A_439 : f32 to vector<16xf32>
        %mul3A_441 = arith.mulf %add3A_438, %mul3A_440 : vector<16xf32>
        %max3A_442 = arith.maximumf %add3A_438, %mul3A_441 : vector<16xf32>
        %swap3A_443 = arith.index_cast %scan3A_390 : i32 to index
        %swap3A_444 = arith.constant 32 : index
        %swap3A_445 = tpu.vector_load %arg23[%swap3A_443, %swap3A_444] {strides = array<i32>} : memref<96x128xf32, #tpu.memory_space<vmem>>, vector<16xf32>,
        tpu.vector_store %arg23[%swap3A_443, %swap3A_444], %max3A_442 {strides = array<i32>} : memref<96x128xf32, #tpu.memory_space<vmem>>, vector<16xf32>,
        %get3A_446 = arith.index_cast %scan3A_390 : i32 to index
        %get3A_447 = arith.constant 48 : index
        %get3A_448 = tpu.vector_load %arg23[%get3A_446, %get3A_447] {strides = array<i32>} : memref<96x128xf32, #tpu.memory_space<vmem>>, vector<16xf32>,
        %get3A_449 = arith.index_cast %scan3A_390 : i32 to index
        %get3A_450 = arith.constant 48 : index
        %get3A_451 = tpu.vector_load %arg24[%get3A_449, %get3A_450] {strides = array<i32>} : memref<96x128xf32, #tpu.memory_space<vmem>>, vector<16xf32>,
        %add3A_452 = arith.addf %get3A_448, %get3A_451 : vector<16xf32>
        %get3A_453 = arith.index_cast %scan3A_390 : i32 to index
        %get3A_454 = arith.constant 48 : index
        %get3A_455 = tpu.vector_load %arg25[%get3A_453, %get3A_454] {strides = array<i32>} : memref<96x128xf32, #tpu.memory_space<vmem>>, vector<16xf32>,
        %add3A_456 = arith.addf %add3A_452, %get3A_455 : vector<16xf32>
        %mul3A_457 = arith.constant 0.00999999977 : f32
        %mul3A_458 = vector.broadcast %mul3A_457 : f32 to vector<16xf32>
        %mul3A_459 = arith.mulf %add3A_456, %mul3A_458 : vector<16xf32>
        %max3A_460 = arith.maximumf %add3A_456, %mul3A_459 : vector<16xf32>
        %swap3A_461 = arith.index_cast %scan3A_390 : i32 to index
        %swap3A_462 = arith.constant 48 : index
        %swap3A_463 = tpu.vector_load %arg23[%swap3A_461, %swap3A_462] {strides = array<i32>} : memref<96x128xf32, #tpu.memory_space<vmem>>, vector<16xf32>,
        tpu.vector_store %arg23[%swap3A_461, %swap3A_462], %max3A_460 {strides = array<i32>} : memref<96x128xf32, #tpu.memory_space<vmem>>, vector<16xf32>,
        %get3A_464 = arith.index_cast %scan3A_390 : i32 to index
        %get3A_465 = arith.constant 64 : index
        %get3A_466 = tpu.vector_load %arg23[%get3A_464, %get3A_465] {strides = array<i32>} : memref<96x128xf32, #tpu.memory_space<vmem>>, vector<16xf32>,
        %get3A_467 = arith.index_cast %scan3A_390 : i32 to index
        %get3A_468 = arith.constant 64 : index
        %get3A_469 = tpu.vector_load %arg24[%get3A_467, %get3A_468] {strides = array<i32>} : memref<96x128xf32, #tpu.memory_space<vmem>>, vector<16xf32>,
        %add3A_470 = arith.addf %get3A_466, %get3A_469 : vector<16xf32>
        %get3A_471 = arith.index_cast %scan3A_390 : i32 to index
        %get3A_472 = arith.constant 64 : index
        %get3A_473 = tpu.vector_load %arg25[%get3A_471, %get3A_472] {strides = array<i32>} : memref<96x128xf32, #tpu.memory_space<vmem>>, vector<16xf32>,
        %add3A_474 = arith.addf %add3A_470, %get3A_473 : vector<16xf32>
        %mul3A_475 = arith.constant 0.00999999977 : f32
        %mul3A_476 = vector.broadcast %mul3A_475 : f32 to vector<16xf32>
        %mul3A_477 = arith.mulf %add3A_474, %mul3A_476 : vector<16xf32>
        %max3A_478 = arith.maximumf %add3A_474, %mul3A_477 : vector<16xf32>
        %swap3A_479 = arith.index_cast %scan3A_390 : i32 to index
        %swap3A_480 = arith.constant 64 : index
        %swap3A_481 = tpu.vector_load %arg23[%swap3A_479, %swap3A_480] {strides = array<i32>} : memref<96x128xf32, #tpu.memory_space<vmem>>, vector<16xf32>,
        tpu.vector_store %arg23[%swap3A_479, %swap3A_480], %max3A_478 {strides = array<i32>} : memref<96x128xf32, #tpu.memory_space<vmem>>, vector<16xf32>,
        %get3A_482 = arith.index_cast %scan3A_390 : i32 to index
        %get3A_483 = arith.constant 80 : index
        %get3A_484 = tpu.vector_load %arg23[%get3A_482, %get3A_483] {strides = array<i32>} : memref<96x128xf32, #tpu.memory_space<vmem>>, vector<16xf32>,
        %get3A_485 = arith.index_cast %scan3A_390 : i32 to index
        %get3A_486 = arith.constant 80 : index
        %get3A_487 = tpu.vector_load %arg24[%get3A_485, %get3A_486] {strides = array<i32>} : memref<96x128xf32, #tpu.memory_space<vmem>>, vector<16xf32>,
        %add3A_488 = arith.addf %get3A_484, %get3A_487 : vector<16xf32>
        %get3A_489 = arith.index_cast %scan3A_390 : i32 to index
        %get3A_490 = arith.constant 80 : index
        %get3A_491 = tpu.vector_load %arg25[%get3A_489, %get3A_490] {strides = array<i32>} : memref<96x128xf32, #tpu.memory_space<vmem>>, vector<16xf32>,
        %add3A_492 = arith.addf %add3A_488, %get3A_491 : vector<16xf32>
        %mul3A_493 = arith.constant 0.00999999977 : f32
        %mul3A_494 = vector.broadcast %mul3A_493 : f32 to vector<16xf32>
        %mul3A_495 = arith.mulf %add3A_492, %mul3A_494 : vector<16xf32>
        %max3A_496 = arith.maximumf %add3A_492, %mul3A_495 : vector<16xf32>
        %swap3A_497 = arith.index_cast %scan3A_390 : i32 to index
        %swap3A_498 = arith.constant 80 : index
        %swap3A_499 = tpu.vector_load %arg23[%swap3A_497, %swap3A_498] {strides = array<i32>} : memref<96x128xf32, #tpu.memory_space<vmem>>, vector<16xf32>,
        tpu.vector_store %arg23[%swap3A_497, %swap3A_498], %max3A_496 {strides = array<i32>} : memref<96x128xf32, #tpu.memory_space<vmem>>, vector<16xf32>,
        %get3A_500 = arith.index_cast %scan3A_390 : i32 to index
        %get3A_501 = arith.constant 96 : index
        %get3A_502 = tpu.vector_load %arg23[%get3A_500, %get3A_501] {strides = array<i32>} : memref<96x128xf32, #tpu.memory_space<vmem>>, vector<16xf32>,
        %get3A_503 = arith.index_cast %scan3A_390 : i32 to index
        %get3A_504 = arith.constant 96 : index
        %get3A_505 = tpu.vector_load %arg24[%get3A_503, %get3A_504] {strides = array<i32>} : memref<96x128xf32, #tpu.memory_space<vmem>>, vector<16xf32>,
        %add3A_506 = arith.addf %get3A_502, %get3A_505 : vector<16xf32>
        %get3A_507 = arith.index_cast %scan3A_390 : i32 to index
        %get3A_508 = arith.constant 96 : index
        %get3A_509 = tpu.vector_load %arg25[%get3A_507, %get3A_508] {strides = array<i32>} : memref<96x128xf32, #tpu.memory_space<vmem>>, vector<16xf32>,
        %add3A_510 = arith.addf %add3A_506, %get3A_509 : vector<16xf32>
        %mul3A_511 = arith.constant 0.00999999977 : f32
        %mul3A_512 = vector.broadcast %mul3A_511 : f32 to vector<16xf32>
        %mul3A_513 = arith.mulf %add3A_510, %mul3A_512 : vector<16xf32>
        %max3A_514 = arith.maximumf %add3A_510, %mul3A_513 : vector<16xf32>
        %swap3A_515 = arith.index_cast %scan3A_390 : i32 to index
        %swap3A_516 = arith.constant 96 : index
        %swap3A_517 = tpu.vector_load %arg23[%swap3A_515, %swap3A_516] {strides = array<i32>} : memref<96x128xf32, #tpu.memory_space<vmem>>, vector<16xf32>,
        tpu.vector_store %arg23[%swap3A_515, %swap3A_516], %max3A_514 {strides = array<i32>} : memref<96x128xf32, #tpu.memory_space<vmem>>, vector<16xf32>,
        %get3A_518 = arith.index_cast %scan3A_390 : i32 to index
        %get3A_519 = arith.constant 112 : index
        %get3A_520 = tpu.vector_load %arg23[%get3A_518, %get3A_519] {strides = array<i32>} : memref<96x128xf32, #tpu.memory_space<vmem>>, vector<16xf32>,
        %get3A_521 = arith.index_cast %scan3A_390 : i32 to index
        %get3A_522 = arith.constant 112 : index
        %get3A_523 = tpu.vector_load %arg24[%get3A_521, %get3A_522] {strides = array<i32>} : memref<96x128xf32, #tpu.memory_space<vmem>>, vector<16xf32>,
        %add3A_524 = arith.addf %get3A_520, %get3A_523 : vector<16xf32>
        %get3A_525 = arith.index_cast %scan3A_390 : i32 to index
        %get3A_526 = arith.constant 112 : index
        %get3A_527 = tpu.vector_load %arg25[%get3A_525, %get3A_526] {strides = array<i32>} : memref<96x128xf32, #tpu.memory_space<vmem>>, vector<16xf32>,
        %add3A_528 = arith.addf %add3A_524, %get3A_527 : vector<16xf32>
        %mul3A_529 = arith.constant 0.00999999977 : f32
        %mul3A_530 = vector.broadcast %mul3A_529 : f32 to vector<16xf32>
        %mul3A_531 = arith.mulf %add3A_528, %mul3A_530 : vector<16xf32>
        %max3A_532 = arith.maximumf %add3A_528, %mul3A_531 : vector<16xf32>
        %swap3A_533 = arith.index_cast %scan3A_390 : i32 to index
        %swap3A_534 = arith.constant 112 : index
        %swap3A_535 = tpu.vector_load %arg23[%swap3A_533, %swap3A_534] {strides = array<i32>} : memref<96x128xf32, #tpu.memory_space<vmem>>, vector<16xf32>,
        tpu.vector_store %arg23[%swap3A_533, %swap3A_534], %max3A_532 {strides = array<i32>} : memref<96x128xf32, #tpu.memory_space<vmem>>, vector<16xf32>,
        %scan3A_536 = arith.constant 0 : i32
        scf.yield %scan3A_536 : i32
      }
      %scan3A_374 = arith.constant 96 : i32
      %run_scoped3A = arith.constant 0 : i32
      "tpu.region"() ({
        %run_scoped3A_390 = tpu.sem_alloc : memref<!tpu.dma_semaphore, #tpu.memory_space<semaphore_mem>>
        %dma_start3A_391 = arith.constant 0 : i32
        %dma_start3A_392 = tpu.memref_slice %arg21[%run_scoped3A, %dma_start3A_391] : memref<1x96xi32, #tpu.memory_space<vmem>> -> memref<1x96xi32, #tpu.memory_space<vmem>>
        %dma_start3A_393 = tpu.memref_squeeze %dma_start3A_392 : memref<1x96xi32, #tpu.memory_space<vmem>> -> memref<96xi32, #tpu.memory_space<vmem>>
        %dma_start3A_394 = arith.constant 0 : i32
        %dma_start3A_395 = arith.constant 0 : i32
        %dma_start3A_396 = tpu.memref_slice %arg26[%dma_start3A_394, %dma_start3A_395] : memref<5008x128xf32, #tpu.memory_space<vmem_shared>> -> memref<5008x128xf32, #tpu.memory_space<vmem_shared>>
        tpu.enqueue_indirect_dma source(%arg23 : memref<96x128xf32, #tpu.memory_space<vmem>>) target(%dma_start3A_396 : memref<5008x128xf32, #tpu.memory_space<vmem_shared>>) offsets(%dma_start3A_393 : memref<96xi32, #tpu.memory_space<vmem>>) semaphore(%run_scoped3A_390 : memref<!tpu.dma_semaphore, #tpu.memory_space<semaphore_mem>>) {add = true}
        %dma_wait3A_397 = arith.constant 0 : i32
        %dma_wait3A_398 = tpu.memref_slice %arg21[%run_scoped3A, %dma_wait3A_397] : memref<1x96xi32, #tpu.memory_space<vmem>> -> memref<1x96xi32, #tpu.memory_space<vmem>>
        %dma_wait3A_399 = tpu.memref_squeeze %dma_wait3A_398 : memref<1x96xi32, #tpu.memory_space<vmem>> -> memref<96xi32, #tpu.memory_space<vmem>>
        %dma_wait3A_400 = arith.constant 0 : i32
        %dma_wait3A_401 = arith.constant 0 : i32
        %dma_wait3A_402 = tpu.memref_slice %arg26[%dma_wait3A_400, %dma_wait3A_401] : memref<5008x128xf32, #tpu.memory_space<vmem_shared>> -> memref<5008x128xf32, #tpu.memory_space<vmem_shared>>
        tpu.wait_indirect_dma semaphore(%run_scoped3A_390 : memref<!tpu.dma_semaphore, #tpu.memory_space<semaphore_mem>>) src(%arg23 : memref<96x128xf32, #tpu.memory_space<vmem>>) dst(%dma_wait3A_402 : memref<5008x128xf32, #tpu.memory_space<vmem_shared>>)
        tpu.yield
      }) : () -> ()
      %get3A_375 = arith.constant 96 : index
      %get3A_376 = tpu.vector_load %arg17[%get3A_375] {strides = array<i32>} : memref<256xi32, #tpu.memory_space<vmem>>, vector<16xi32>,
      %swap3A_377 = arith.constant 0 : index
      %swap3A_378 = tpu.vector_load %arg17[%swap3A_377] {strides = array<i32>} : memref<256xi32, #tpu.memory_space<vmem>>, vector<16xi32>,
      tpu.vector_store %arg17[%swap3A_377], %get3A_376 {strides = array<i32>} : memref<256xi32, #tpu.memory_space<vmem>>, vector<16xi32>,
      %get3A_379 = arith.constant 96 : index
      %get3A_380 = tpu.vector_load %arg18[%get3A_379] {strides = array<i32>} : memref<256xi32, #tpu.memory_space<vmem>>, vector<16xi32>,
      %swap3A_381 = arith.constant 0 : index
      %swap3A_382 = tpu.vector_load %arg18[%swap3A_381] {strides = array<i32>} : memref<256xi32, #tpu.memory_space<vmem>>, vector<16xi32>,
      tpu.vector_store %arg18[%swap3A_381], %get3A_380 {strides = array<i32>} : memref<256xi32, #tpu.memory_space<vmem>>, vector<16xi32>,
      %get3A_383 = arith.constant 96 : index
      %get3A_384 = tpu.vector_load %arg19[%get3A_383] {strides = array<i32>} : memref<256xi32, #tpu.memory_space<vmem>>, vector<16xi32>,
      %swap3A_385 = arith.constant 0 : index
      %swap3A_386 = tpu.vector_load %arg19[%swap3A_385] {strides = array<i32>} : memref<256xi32, #tpu.memory_space<vmem>>, vector<16xi32>,
      tpu.vector_store %arg19[%swap3A_385], %get3A_384 {strides = array<i32>} : memref<256xi32, #tpu.memory_space<vmem>>, vector<16xi32>,
      %sub3A_387 = arith.constant 96 : i32
      %sub3A_388 = arith.subi %while3A_183#1, %sub3A_387 : i32
      %max3A = arith.constant 0 : i32
      %max3A_389 = arith.maxsi %sub3A_388, %max3A : i32
      scf.yield %while3A_183#0, %max3A_389 : i32, i32
    }
    %while3A_103 = arith.constant 1 : i32
    %while3A_104:2 = scf.for %while3A_180 = %while3A_100 to %while3A_96 step %while3A_103 iter_args(%while3A_181 = %while3A_102#0, %while3A_182 = %while3A_102#1) -> (i32, i32)  : i32 {
      %while3A_183:2 = scf.while (%while3A_390 = %while3A_181, %while3A_391 = %while3A_182) : (i32, i32) -> (i32, i32) {
        %lt3A_392 = arith.constant 96 : i32
        %lt3A_393 = arith.cmpi slt, %while3A_391, %lt3A_392 : i32
        %lt3A_394 = arith.cmpi slt, %while3A_390, %select_n3A : i32
        %and3A_395 = arith.andi %lt3A_393, %lt3A_394 : i1
        scf.condition(%and3A_395) %while3A_390, %while3A_391 : i32, i32
      } do {
      ^bb0(%while3A_390: i32, %while3A_391: i32):
        %mul3A_392 = arith.constant 16 : i32
        %mul3A_393 = arith.muli %while3A_390, %mul3A_392 : i32
        %get3A_394 = arith.index_cast %mul3A_393 : i32 to index
        %get3A_395 = tpu.vector_load %arg15[%get3A_394] {strides = array<i32>} : memref<10032xi32, #tpu.memory_space<vmem>>, vector<16xi32>,
        %mul3A_396 = arith.constant 16 : i32
        %mul3A_397 = arith.muli %while3A_390, %mul3A_396 : i32
        %get3A_398 = arith.index_cast %mul3A_397 : i32 to index
        %get3A_399 = tpu.vector_load %arg16[%get3A_398] {strides = array<i32>} : memref<10032xi32, #tpu.memory_space<vmem>>, vector<16xi32>,
        %shift_right_arithmetic3A = arith.constant 14 : i32
        %shift_right_arithmetic3A_400 = vector.broadcast %shift_right_arithmetic3A : i32 to vector<16xi32>
        %shift_right_arithmetic3A_401 = arith.shrsi %get3A_395, %shift_right_arithmetic3A_400 : vector<16xi32>
        %and3A_402 = arith.constant 16383 : i32
        %and3A_403 = vector.broadcast %and3A_402 : i32 to vector<16xi32>
        %and3A_404 = arith.andi %get3A_395, %and3A_403 : vector<16xi32>
        %sub3A_405 = arith.constant 0 : i32
        %sub3A_406 = vector.broadcast %sub3A_405 : i32 to vector<16xi32>
        %sub3A_407 = arith.subi %and3A_404, %sub3A_406 : vector<16xi32>
        %ge3A = arith.constant 0 : i32
        %ge3A_408 = vector.broadcast %ge3A : i32 to vector<16xi32>
        %ge3A_409 = arith.cmpi sge, %sub3A_407, %ge3A_408 : vector<16xi32>
        %lt3A_410 = arith.constant 5000 : i32
        %lt3A_411 = vector.broadcast %lt3A_410 : i32 to vector<16xi32>
        %lt3A_412 = arith.cmpi slt, %sub3A_407, %lt3A_411 : vector<16xi32>
        %and3A_413 = arith.andi %ge3A_409, %lt3A_412 : vector<16xi1>
        %add3A_414 = vector.broadcast %mul3A_0 : i32 to vector<16xi32>
        %add3A_415 = arith.addi %shift_right_arithmetic3A_401, %add3A_414 : vector<16xi32>
        %swap3A_416 = arith.index_cast %while3A_391 : i32 to index
        %swap3A_417 = tpu.vector_load %arg17[%swap3A_416] masked %and3A_413 {strides = array<i32>} : memref<256xi32, #tpu.memory_space<vmem>>, vector<16xi32>, vector<16xi1>
        tpu.vector_store %arg17[%swap3A_416], %add3A_415 masked %and3A_413 {strides = array<i32>} : memref<256xi32, #tpu.memory_space<vmem>>, vector<16xi32>, vector<16xi1>
        %swap3A_418 = arith.index_cast %while3A_391 : i32 to index
        %swap3A_419 = tpu.vector_load %arg18[%swap3A_418] masked %and3A_413 {strides = array<i32>} : memref<256xi32, #tpu.memory_space<vmem>>, vector<16xi32>, vector<16xi1>
        tpu.vector_store %arg18[%swap3A_418], %sub3A_407 masked %and3A_413 {strides = array<i32>} : memref<256xi32, #tpu.memory_space<vmem>>, vector<16xi32>, vector<16xi1>
        %swap3A_420 = arith.index_cast %while3A_391 : i32 to index
        %swap3A_421 = tpu.vector_load %arg19[%swap3A_420] masked %and3A_413 {strides = array<i32>} : memref<256xi32, #tpu.memory_space<vmem>>, vector<16xi32>, vector<16xi1>
        tpu.vector_store %arg19[%swap3A_420], %get3A_399 masked %and3A_413 {strides = array<i32>} : memref<256xi32, #tpu.memory_space<vmem>>, vector<16xi32>, vector<16xi1>
        %add3A_422 = arith.constant 1 : i32
        %add3A_423 = arith.addi %while3A_390, %add3A_422 : i32
        %convert_element_type3A_424 = arith.extui %and3A_413 : vector<16xi1> to vector<16xi32>
        %reduce_sum3A = arith.constant true
        %reduce_sum3A_425 = vector.broadcast %reduce_sum3A : i1 to vector<16xi1>
        %reduce_sum3A_426 = tpu.scan <sum>, %convert_element_type3A_424 masked %reduce_sum3A_425 : vector<16xi32>, vector<16xi1> -> vector<16xi32>
        %reduce_sum3A_427 = vector.extract %reduce_sum3A_426[15] : i32 from vector<16xi32>
        %add3A_428 = arith.addi %while3A_391, %reduce_sum3A_427 : i32
        scf.yield %add3A_423, %add3A_428 : i32, i32
      }
      %broadcast_in_dim3A_184 = vector.broadcast %mul3A_0 : i32 to vector<16xi32>
      %add3A_185 = arith.constant 0 : i32
      %add3A_186 = arith.addi %while3A_183#1, %add3A_185 : i32
      %swap3A_187 = arith.index_cast %add3A_186 : i32 to index
      %swap3A_188 = tpu.vector_load %arg17[%swap3A_187] {strides = array<i32>} : memref<256xi32, #tpu.memory_space<vmem>>, vector<16xi32>,
      tpu.vector_store %arg17[%swap3A_187], %broadcast_in_dim3A_184 {strides = array<i32>} : memref<256xi32, #tpu.memory_space<vmem>>, vector<16xi32>,
      %broadcast_in_dim3A_189 = arith.constant 5000 : i32
      %broadcast_in_dim3A_190 = vector.broadcast %broadcast_in_dim3A_189 : i32 to vector<16xi32>
      %add3A_191 = arith.constant 0 : i32
      %add3A_192 = arith.addi %while3A_183#1, %add3A_191 : i32
      %swap3A_193 = arith.index_cast %add3A_192 : i32 to index
      %swap3A_194 = tpu.vector_load %arg18[%swap3A_193] {strides = array<i32>} : memref<256xi32, #tpu.memory_space<vmem>>, vector<16xi32>,
      tpu.vector_store %arg18[%swap3A_193], %broadcast_in_dim3A_190 {strides = array<i32>} : memref<256xi32, #tpu.memory_space<vmem>>, vector<16xi32>,
      %broadcast_in_dim3A_195 = vector.broadcast %mul3A_2 : i32 to vector<16xi32>
      %add3A_196 = arith.constant 0 : i32
      %add3A_197 = arith.addi %while3A_183#1, %add3A_196 : i32
      %swap3A_198 = arith.index_cast %add3A_197 : i32 to index
      %swap3A_199 = tpu.vector_load %arg19[%swap3A_198] {strides = array<i32>} : memref<256xi32, #tpu.memory_space<vmem>>, vector<16xi32>,
      tpu.vector_store %arg19[%swap3A_198], %broadcast_in_dim3A_195 {strides = array<i32>} : memref<256xi32, #tpu.memory_space<vmem>>, vector<16xi32>,
      %broadcast_in_dim3A_200 = vector.broadcast %mul3A_0 : i32 to vector<16xi32>
      %add3A_201 = arith.constant 16 : i32
      %add3A_202 = arith.addi %while3A_183#1, %add3A_201 : i32
      %swap3A_203 = arith.index_cast %add3A_202 : i32 to index
      %swap3A_204 = tpu.vector_load %arg17[%swap3A_203] {strides = array<i32>} : memref<256xi32, #tpu.memory_space<vmem>>, vector<16xi32>,
      tpu.vector_store %arg17[%swap3A_203], %broadcast_in_dim3A_200 {strides = array<i32>} : memref<256xi32, #tpu.memory_space<vmem>>, vector<16xi32>,
      %broadcast_in_dim3A_205 = arith.constant 5000 : i32
      %broadcast_in_dim3A_206 = vector.broadcast %broadcast_in_dim3A_205 : i32 to vector<16xi32>
      %add3A_207 = arith.constant 16 : i32
      %add3A_208 = arith.addi %while3A_183#1, %add3A_207 : i32
      %swap3A_209 = arith.index_cast %add3A_208 : i32 to index
      %swap3A_210 = tpu.vector_load %arg18[%swap3A_209] {strides = array<i32>} : memref<256xi32, #tpu.memory_space<vmem>>, vector<16xi32>,
      tpu.vector_store %arg18[%swap3A_209], %broadcast_in_dim3A_206 {strides = array<i32>} : memref<256xi32, #tpu.memory_space<vmem>>, vector<16xi32>,
      %broadcast_in_dim3A_211 = vector.broadcast %mul3A_2 : i32 to vector<16xi32>
      %add3A_212 = arith.constant 16 : i32
      %add3A_213 = arith.addi %while3A_183#1, %add3A_212 : i32
      %swap3A_214 = arith.index_cast %add3A_213 : i32 to index
      %swap3A_215 = tpu.vector_load %arg19[%swap3A_214] {strides = array<i32>} : memref<256xi32, #tpu.memory_space<vmem>>, vector<16xi32>,
      tpu.vector_store %arg19[%swap3A_214], %broadcast_in_dim3A_211 {strides = array<i32>} : memref<256xi32, #tpu.memory_space<vmem>>, vector<16xi32>,
      %broadcast_in_dim3A_216 = vector.broadcast %mul3A_0 : i32 to vector<16xi32>
      %add3A_217 = arith.constant 32 : i32
      %add3A_218 = arith.addi %while3A_183#1, %add3A_217 : i32
      %swap3A_219 = arith.index_cast %add3A_218 : i32 to index
      %swap3A_220 = tpu.vector_load %arg17[%swap3A_219] {strides = array<i32>} : memref<256xi32, #tpu.memory_space<vmem>>, vector<16xi32>,
      tpu.vector_store %arg17[%swap3A_219], %broadcast_in_dim3A_216 {strides = array<i32>} : memref<256xi32, #tpu.memory_space<vmem>>, vector<16xi32>,
      %broadcast_in_dim3A_221 = arith.constant 5000 : i32
      %broadcast_in_dim3A_222 = vector.broadcast %broadcast_in_dim3A_221 : i32 to vector<16xi32>
      %add3A_223 = arith.constant 32 : i32
      %add3A_224 = arith.addi %while3A_183#1, %add3A_223 : i32
      %swap3A_225 = arith.index_cast %add3A_224 : i32 to index
      %swap3A_226 = tpu.vector_load %arg18[%swap3A_225] {strides = array<i32>} : memref<256xi32, #tpu.memory_space<vmem>>, vector<16xi32>,
      tpu.vector_store %arg18[%swap3A_225], %broadcast_in_dim3A_222 {strides = array<i32>} : memref<256xi32, #tpu.memory_space<vmem>>, vector<16xi32>,
      %broadcast_in_dim3A_227 = vector.broadcast %mul3A_2 : i32 to vector<16xi32>
      %add3A_228 = arith.constant 32 : i32
      %add3A_229 = arith.addi %while3A_183#1, %add3A_228 : i32
      %swap3A_230 = arith.index_cast %add3A_229 : i32 to index
      %swap3A_231 = tpu.vector_load %arg19[%swap3A_230] {strides = array<i32>} : memref<256xi32, #tpu.memory_space<vmem>>, vector<16xi32>,
      tpu.vector_store %arg19[%swap3A_230], %broadcast_in_dim3A_227 {strides = array<i32>} : memref<256xi32, #tpu.memory_space<vmem>>, vector<16xi32>,
      %broadcast_in_dim3A_232 = vector.broadcast %mul3A_0 : i32 to vector<16xi32>
      %add3A_233 = arith.constant 48 : i32
      %add3A_234 = arith.addi %while3A_183#1, %add3A_233 : i32
      %swap3A_235 = arith.index_cast %add3A_234 : i32 to index
      %swap3A_236 = tpu.vector_load %arg17[%swap3A_235] {strides = array<i32>} : memref<256xi32, #tpu.memory_space<vmem>>, vector<16xi32>,
      tpu.vector_store %arg17[%swap3A_235], %broadcast_in_dim3A_232 {strides = array<i32>} : memref<256xi32, #tpu.memory_space<vmem>>, vector<16xi32>,
      %broadcast_in_dim3A_237 = arith.constant 5000 : i32
      %broadcast_in_dim3A_238 = vector.broadcast %broadcast_in_dim3A_237 : i32 to vector<16xi32>
      %add3A_239 = arith.constant 48 : i32
      %add3A_240 = arith.addi %while3A_183#1, %add3A_239 : i32
      %swap3A_241 = arith.index_cast %add3A_240 : i32 to index
      %swap3A_242 = tpu.vector_load %arg18[%swap3A_241] {strides = array<i32>} : memref<256xi32, #tpu.memory_space<vmem>>, vector<16xi32>,
      tpu.vector_store %arg18[%swap3A_241], %broadcast_in_dim3A_238 {strides = array<i32>} : memref<256xi32, #tpu.memory_space<vmem>>, vector<16xi32>,
      %broadcast_in_dim3A_243 = vector.broadcast %mul3A_2 : i32 to vector<16xi32>
      %add3A_244 = arith.constant 48 : i32
      %add3A_245 = arith.addi %while3A_183#1, %add3A_244 : i32
      %swap3A_246 = arith.index_cast %add3A_245 : i32 to index
      %swap3A_247 = tpu.vector_load %arg19[%swap3A_246] {strides = array<i32>} : memref<256xi32, #tpu.memory_space<vmem>>, vector<16xi32>,
      tpu.vector_store %arg19[%swap3A_246], %broadcast_in_dim3A_243 {strides = array<i32>} : memref<256xi32, #tpu.memory_space<vmem>>, vector<16xi32>,
      %broadcast_in_dim3A_248 = vector.broadcast %mul3A_0 : i32 to vector<16xi32>
      %add3A_249 = arith.constant 64 : i32
      %add3A_250 = arith.addi %while3A_183#1, %add3A_249 : i32
      %swap3A_251 = arith.index_cast %add3A_250 : i32 to index
      %swap3A_252 = tpu.vector_load %arg17[%swap3A_251] {strides = array<i32>} : memref<256xi32, #tpu.memory_space<vmem>>, vector<16xi32>,
      tpu.vector_store %arg17[%swap3A_251], %broadcast_in_dim3A_248 {strides = array<i32>} : memref<256xi32, #tpu.memory_space<vmem>>, vector<16xi32>,
      %broadcast_in_dim3A_253 = arith.constant 5000 : i32
      %broadcast_in_dim3A_254 = vector.broadcast %broadcast_in_dim3A_253 : i32 to vector<16xi32>
      %add3A_255 = arith.constant 64 : i32
      %add3A_256 = arith.addi %while3A_183#1, %add3A_255 : i32
      %swap3A_257 = arith.index_cast %add3A_256 : i32 to index
      %swap3A_258 = tpu.vector_load %arg18[%swap3A_257] {strides = array<i32>} : memref<256xi32, #tpu.memory_space<vmem>>, vector<16xi32>,
      tpu.vector_store %arg18[%swap3A_257], %broadcast_in_dim3A_254 {strides = array<i32>} : memref<256xi32, #tpu.memory_space<vmem>>, vector<16xi32>,
      %broadcast_in_dim3A_259 = vector.broadcast %mul3A_2 : i32 to vector<16xi32>
      %add3A_260 = arith.constant 64 : i32
      %add3A_261 = arith.addi %while3A_183#1, %add3A_260 : i32
      %swap3A_262 = arith.index_cast %add3A_261 : i32 to index
      %swap3A_263 = tpu.vector_load %arg19[%swap3A_262] {strides = array<i32>} : memref<256xi32, #tpu.memory_space<vmem>>, vector<16xi32>,
      tpu.vector_store %arg19[%swap3A_262], %broadcast_in_dim3A_259 {strides = array<i32>} : memref<256xi32, #tpu.memory_space<vmem>>, vector<16xi32>,
      %broadcast_in_dim3A_264 = vector.broadcast %mul3A_0 : i32 to vector<16xi32>
      %add3A_265 = arith.constant 80 : i32
      %add3A_266 = arith.addi %while3A_183#1, %add3A_265 : i32
      %swap3A_267 = arith.index_cast %add3A_266 : i32 to index
      %swap3A_268 = tpu.vector_load %arg17[%swap3A_267] {strides = array<i32>} : memref<256xi32, #tpu.memory_space<vmem>>, vector<16xi32>,
      tpu.vector_store %arg17[%swap3A_267], %broadcast_in_dim3A_264 {strides = array<i32>} : memref<256xi32, #tpu.memory_space<vmem>>, vector<16xi32>,
      %broadcast_in_dim3A_269 = arith.constant 5000 : i32
      %broadcast_in_dim3A_270 = vector.broadcast %broadcast_in_dim3A_269 : i32 to vector<16xi32>
      %add3A_271 = arith.constant 80 : i32
      %add3A_272 = arith.addi %while3A_183#1, %add3A_271 : i32
      %swap3A_273 = arith.index_cast %add3A_272 : i32 to index
      %swap3A_274 = tpu.vector_load %arg18[%swap3A_273] {strides = array<i32>} : memref<256xi32, #tpu.memory_space<vmem>>, vector<16xi32>,
      tpu.vector_store %arg18[%swap3A_273], %broadcast_in_dim3A_270 {strides = array<i32>} : memref<256xi32, #tpu.memory_space<vmem>>, vector<16xi32>,
      %broadcast_in_dim3A_275 = vector.broadcast %mul3A_2 : i32 to vector<16xi32>
      %add3A_276 = arith.constant 80 : i32
      %add3A_277 = arith.addi %while3A_183#1, %add3A_276 : i32
      %swap3A_278 = arith.index_cast %add3A_277 : i32 to index
      %swap3A_279 = tpu.vector_load %arg19[%swap3A_278] {strides = array<i32>} : memref<256xi32, #tpu.memory_space<vmem>>, vector<16xi32>,
      tpu.vector_store %arg19[%swap3A_278], %broadcast_in_dim3A_275 {strides = array<i32>} : memref<256xi32, #tpu.memory_space<vmem>>, vector<16xi32>,
      %get3A = arith.constant 0 : index
      %get3A_280 = tpu.vector_load %arg18[%get3A] {strides = array<i32>} : memref<256xi32, #tpu.memory_space<vmem>>, vector<16xi32>,
      %swap3A_281 = arith.constant 0 : i32
      %swap3A_282 = arith.index_cast %swap3A_281 : i32 to index
      %swap3A_283 = arith.constant 0 : index
      %swap3A_284 = tpu.vector_load %arg21[%swap3A_282, %swap3A_283] {strides = array<i32>} : memref<1x96xi32, #tpu.memory_space<vmem>>, vector<16xi32>,
      tpu.vector_store %arg21[%swap3A_282, %swap3A_283], %get3A_280 {strides = array<i32>} : memref<1x96xi32, #tpu.memory_space<vmem>>, vector<16xi32>,
      %add3A_285 = vector.broadcast %add3A_52 : i32 to vector<16xi32>
      %add3A_286 = arith.addi %get3A_280, %add3A_285 : vector<16xi32>
      %swap3A_287 = arith.constant 0 : index
      %swap3A_288 = tpu.vector_load %arg20[%swap3A_287] {strides = array<i32>} : memref<96xi32, #tpu.memory_space<vmem>>, vector<16xi32>,
      tpu.vector_store %arg20[%swap3A_287], %add3A_286 {strides = array<i32>} : memref<96xi32, #tpu.memory_space<vmem>>, vector<16xi32>,
      %get3A_289 = arith.constant 16 : index
      %get3A_290 = tpu.vector_load %arg18[%get3A_289] {strides = array<i32>} : memref<256xi32, #tpu.memory_space<vmem>>, vector<16xi32>,
      %swap3A_291 = arith.constant 0 : i32
      %swap3A_292 = arith.index_cast %swap3A_291 : i32 to index
      %swap3A_293 = arith.constant 16 : index
      %swap3A_294 = tpu.vector_load %arg21[%swap3A_292, %swap3A_293] {strides = array<i32>} : memref<1x96xi32, #tpu.memory_space<vmem>>, vector<16xi32>,
      tpu.vector_store %arg21[%swap3A_292, %swap3A_293], %get3A_290 {strides = array<i32>} : memref<1x96xi32, #tpu.memory_space<vmem>>, vector<16xi32>,
      %add3A_295 = vector.broadcast %add3A_52 : i32 to vector<16xi32>
      %add3A_296 = arith.addi %get3A_290, %add3A_295 : vector<16xi32>
      %swap3A_297 = arith.constant 16 : index
      %swap3A_298 = tpu.vector_load %arg20[%swap3A_297] {strides = array<i32>} : memref<96xi32, #tpu.memory_space<vmem>>, vector<16xi32>,
      tpu.vector_store %arg20[%swap3A_297], %add3A_296 {strides = array<i32>} : memref<96xi32, #tpu.memory_space<vmem>>, vector<16xi32>,
      %get3A_299 = arith.constant 32 : index
      %get3A_300 = tpu.vector_load %arg18[%get3A_299] {strides = array<i32>} : memref<256xi32, #tpu.memory_space<vmem>>, vector<16xi32>,
      %swap3A_301 = arith.constant 0 : i32
      %swap3A_302 = arith.index_cast %swap3A_301 : i32 to index
      %swap3A_303 = arith.constant 32 : index
      %swap3A_304 = tpu.vector_load %arg21[%swap3A_302, %swap3A_303] {strides = array<i32>} : memref<1x96xi32, #tpu.memory_space<vmem>>, vector<16xi32>,
      tpu.vector_store %arg21[%swap3A_302, %swap3A_303], %get3A_300 {strides = array<i32>} : memref<1x96xi32, #tpu.memory_space<vmem>>, vector<16xi32>,
      %add3A_305 = vector.broadcast %add3A_52 : i32 to vector<16xi32>
      %add3A_306 = arith.addi %get3A_300, %add3A_305 : vector<16xi32>
      %swap3A_307 = arith.constant 32 : index
      %swap3A_308 = tpu.vector_load %arg20[%swap3A_307] {strides = array<i32>} : memref<96xi32, #tpu.memory_space<vmem>>, vector<16xi32>,
      tpu.vector_store %arg20[%swap3A_307], %add3A_306 {strides = array<i32>} : memref<96xi32, #tpu.memory_space<vmem>>, vector<16xi32>,
      %get3A_309 = arith.constant 48 : index
      %get3A_310 = tpu.vector_load %arg18[%get3A_309] {strides = array<i32>} : memref<256xi32, #tpu.memory_space<vmem>>, vector<16xi32>,
      %swap3A_311 = arith.constant 0 : i32
      %swap3A_312 = arith.index_cast %swap3A_311 : i32 to index
      %swap3A_313 = arith.constant 48 : index
      %swap3A_314 = tpu.vector_load %arg21[%swap3A_312, %swap3A_313] {strides = array<i32>} : memref<1x96xi32, #tpu.memory_space<vmem>>, vector<16xi32>,
      tpu.vector_store %arg21[%swap3A_312, %swap3A_313], %get3A_310 {strides = array<i32>} : memref<1x96xi32, #tpu.memory_space<vmem>>, vector<16xi32>,
      %add3A_315 = vector.broadcast %add3A_52 : i32 to vector<16xi32>
      %add3A_316 = arith.addi %get3A_310, %add3A_315 : vector<16xi32>
      %swap3A_317 = arith.constant 48 : index
      %swap3A_318 = tpu.vector_load %arg20[%swap3A_317] {strides = array<i32>} : memref<96xi32, #tpu.memory_space<vmem>>, vector<16xi32>,
      tpu.vector_store %arg20[%swap3A_317], %add3A_316 {strides = array<i32>} : memref<96xi32, #tpu.memory_space<vmem>>, vector<16xi32>,
      %get3A_319 = arith.constant 64 : index
      %get3A_320 = tpu.vector_load %arg18[%get3A_319] {strides = array<i32>} : memref<256xi32, #tpu.memory_space<vmem>>, vector<16xi32>,
      %swap3A_321 = arith.constant 0 : i32
      %swap3A_322 = arith.index_cast %swap3A_321 : i32 to index
      %swap3A_323 = arith.constant 64 : index
      %swap3A_324 = tpu.vector_load %arg21[%swap3A_322, %swap3A_323] {strides = array<i32>} : memref<1x96xi32, #tpu.memory_space<vmem>>, vector<16xi32>,
      tpu.vector_store %arg21[%swap3A_322, %swap3A_323], %get3A_320 {strides = array<i32>} : memref<1x96xi32, #tpu.memory_space<vmem>>, vector<16xi32>,
      %add3A_325 = vector.broadcast %add3A_52 : i32 to vector<16xi32>
      %add3A_326 = arith.addi %get3A_320, %add3A_325 : vector<16xi32>
      %swap3A_327 = arith.constant 64 : index
      %swap3A_328 = tpu.vector_load %arg20[%swap3A_327] {strides = array<i32>} : memref<96xi32, #tpu.memory_space<vmem>>, vector<16xi32>,
      tpu.vector_store %arg20[%swap3A_327], %add3A_326 {strides = array<i32>} : memref<96xi32, #tpu.memory_space<vmem>>, vector<16xi32>,
      %get3A_329 = arith.constant 80 : index
      %get3A_330 = tpu.vector_load %arg18[%get3A_329] {strides = array<i32>} : memref<256xi32, #tpu.memory_space<vmem>>, vector<16xi32>,
      %swap3A_331 = arith.constant 0 : i32
      %swap3A_332 = arith.index_cast %swap3A_331 : i32 to index
      %swap3A_333 = arith.constant 80 : index
      %swap3A_334 = tpu.vector_load %arg21[%swap3A_332, %swap3A_333] {strides = array<i32>} : memref<1x96xi32, #tpu.memory_space<vmem>>, vector<16xi32>,
      tpu.vector_store %arg21[%swap3A_332, %swap3A_333], %get3A_330 {strides = array<i32>} : memref<1x96xi32, #tpu.memory_space<vmem>>, vector<16xi32>,
      %add3A_335 = vector.broadcast %add3A_52 : i32 to vector<16xi32>
      %add3A_336 = arith.addi %get3A_330, %add3A_335 : vector<16xi32>
      %swap3A_337 = arith.constant 80 : index
      %swap3A_338 = tpu.vector_load %arg20[%swap3A_337] {strides = array<i32>} : memref<96xi32, #tpu.memory_space<vmem>>, vector<16xi32>,
      tpu.vector_store %arg20[%swap3A_337], %add3A_336 {strides = array<i32>} : memref<96xi32, #tpu.memory_space<vmem>>, vector<16xi32>,
      %dma_start3A = arith.constant 0 : i32
      %dma_start3A_339 = tpu.memref_slice %arg17[%dma_start3A] : memref<256xi32, #tpu.memory_space<vmem>> -> memref<96xi32, #tpu.memory_space<vmem>>
      %dma_start3A_340 = arith.constant 0 : i32
      %dma_start3A_341 = arith.constant 0 : i32
      %dma_start3A_342 = tpu.memref_slice %arg5[%dma_start3A_340, %dma_start3A_341] : memref<20016x128xf32, #tpu.memory_space<hbm>> -> memref<20016x128xf32, #tpu.memory_space<hbm>>
      tpu.enqueue_indirect_dma source(%dma_start3A_342 : memref<20016x128xf32, #tpu.memory_space<hbm>>) target(%arg23 : memref<96x128xf32, #tpu.memory_space<vmem>>) offsets(%dma_start3A_339 : memref<96xi32, #tpu.memory_space<vmem>>) semaphore(%arg27 : memref<!tpu.dma_semaphore, #tpu.memory_space<semaphore_mem>>)
      %dma_start3A_343 = arith.constant 0 : i32
      %dma_start3A_344 = arith.constant 0 : i32
      %dma_start3A_345 = tpu.memref_slice %arg6[%dma_start3A_343, %dma_start3A_344] : memref<20016x128xf32, #tpu.memory_space<hbm>> -> memref<20016x128xf32, #tpu.memory_space<hbm>>
      tpu.enqueue_indirect_dma source(%dma_start3A_345 : memref<20016x128xf32, #tpu.memory_space<hbm>>) target(%arg24 : memref<96x128xf32, #tpu.memory_space<vmem>>) offsets(%arg20 : memref<96xi32, #tpu.memory_space<vmem>>) semaphore(%arg28 : memref<!tpu.dma_semaphore, #tpu.memory_space<semaphore_mem>>)
      %eq3A_346 = arith.constant 0 : i32
      %eq3A_347 = arith.cmpi eq, %arg0, %eq3A_346 : i32
      %convert_element_type3A_348 = arith.extui %eq3A_347 : i1 to i32
      %cond3A_349 = arith.constant 0 : i32
      %cond3A_350 = arith.cmpi ne, %convert_element_type3A_348, %cond3A_349 : i32
      scf.if %cond3A_350 {
        %dma_start3A_390 = arith.constant 0 : i32
        %dma_start3A_391 = tpu.memref_slice %arg19[%dma_start3A_390] : memref<256xi32, #tpu.memory_space<vmem>> -> memref<96xi32, #tpu.memory_space<vmem>>
        %dma_start3A_392 = arith.constant 0 : i32
        %dma_start3A_393 = arith.constant 0 : i32
        %dma_start3A_394 = tpu.memref_slice %arg7[%dma_start3A_392, %dma_start3A_393] : memref<160000x128xf32, #tpu.memory_space<hbm>> -> memref<160000x128xf32, #tpu.memory_space<hbm>>
        tpu.enqueue_indirect_dma source(%dma_start3A_394 : memref<160000x128xf32, #tpu.memory_space<hbm>>) target(%arg25 : memref<96x128xf32, #tpu.memory_space<vmem>>) offsets(%dma_start3A_391 : memref<96xi32, #tpu.memory_space<vmem>>) semaphore(%arg29 : memref<!tpu.dma_semaphore, #tpu.memory_space<semaphore_mem>>)
      } else {
      }
      %eq3A_351 = arith.constant 1 : i32
      %eq3A_352 = arith.cmpi eq, %arg0, %eq3A_351 : i32
      %convert_element_type3A_353 = arith.extui %eq3A_352 : i1 to i32
      %cond3A_354 = arith.constant 0 : i32
      %cond3A_355 = arith.cmpi ne, %convert_element_type3A_353, %cond3A_354 : i32
      scf.if %cond3A_355 {
        %dma_start3A_390 = arith.constant 0 : i32
        %dma_start3A_391 = tpu.memref_slice %arg19[%dma_start3A_390] : memref<256xi32, #tpu.memory_space<vmem>> -> memref<96xi32, #tpu.memory_space<vmem>>
        %dma_start3A_392 = arith.constant 0 : i32
        %dma_start3A_393 = arith.constant 0 : i32
        %dma_start3A_394 = tpu.memref_slice %arg8[%dma_start3A_392, %dma_start3A_393] : memref<160000x128xf32, #tpu.memory_space<hbm>> -> memref<160000x128xf32, #tpu.memory_space<hbm>>
        tpu.enqueue_indirect_dma source(%dma_start3A_394 : memref<160000x128xf32, #tpu.memory_space<hbm>>) target(%arg25 : memref<96x128xf32, #tpu.memory_space<vmem>>) offsets(%dma_start3A_391 : memref<96xi32, #tpu.memory_space<vmem>>) semaphore(%arg29 : memref<!tpu.dma_semaphore, #tpu.memory_space<semaphore_mem>>)
      } else {
      }
      %dma_wait3A = arith.constant 0 : i32
      %dma_wait3A_356 = tpu.memref_slice %arg17[%dma_wait3A] : memref<256xi32, #tpu.memory_space<vmem>> -> memref<96xi32, #tpu.memory_space<vmem>>
      %dma_wait3A_357 = arith.constant 0 : i32
      %dma_wait3A_358 = arith.constant 0 : i32
      %dma_wait3A_359 = tpu.memref_slice %arg5[%dma_wait3A_357, %dma_wait3A_358] : memref<20016x128xf32, #tpu.memory_space<hbm>> -> memref<20016x128xf32, #tpu.memory_space<hbm>>
      tpu.wait_indirect_dma semaphore(%arg27 : memref<!tpu.dma_semaphore, #tpu.memory_space<semaphore_mem>>) src(%dma_wait3A_359 : memref<20016x128xf32, #tpu.memory_space<hbm>>) dst(%arg23 : memref<96x128xf32, #tpu.memory_space<vmem>>)
      %dma_wait3A_360 = arith.constant 0 : i32
      %dma_wait3A_361 = arith.constant 0 : i32
      %dma_wait3A_362 = tpu.memref_slice %arg6[%dma_wait3A_360, %dma_wait3A_361] : memref<20016x128xf32, #tpu.memory_space<hbm>> -> memref<20016x128xf32, #tpu.memory_space<hbm>>
      tpu.wait_indirect_dma semaphore(%arg28 : memref<!tpu.dma_semaphore, #tpu.memory_space<semaphore_mem>>) src(%dma_wait3A_362 : memref<20016x128xf32, #tpu.memory_space<hbm>>) dst(%arg24 : memref<96x128xf32, #tpu.memory_space<vmem>>)
      %dma_wait3A_363 = arith.constant 0 : i32
      %dma_wait3A_364 = tpu.memref_slice %arg19[%dma_wait3A_363] : memref<256xi32, #tpu.memory_space<vmem>> -> memref<96xi32, #tpu.memory_space<vmem>>
      %dma_wait3A_365 = arith.constant 0 : i32
      %dma_wait3A_366 = arith.constant 0 : i32
      %dma_wait3A_367 = tpu.memref_slice %arg7[%dma_wait3A_365, %dma_wait3A_366] : memref<160000x128xf32, #tpu.memory_space<hbm>> -> memref<160000x128xf32, #tpu.memory_space<hbm>>
      tpu.wait_indirect_dma semaphore(%arg29 : memref<!tpu.dma_semaphore, #tpu.memory_space<semaphore_mem>>) src(%dma_wait3A_367 : memref<160000x128xf32, #tpu.memory_space<hbm>>) dst(%arg25 : memref<96x128xf32, #tpu.memory_space<vmem>>)
      %scan3A_368 = arith.constant 0 : i32
      %scan3A_369 = arith.constant 0 : i32
      %scan3A_370 = arith.constant 96 : i32
      %scan3A_371 = arith.addi %scan3A_369, %scan3A_370 : i32
      %scan3A_372 = arith.constant 1 : i32
      %scan3A_373 = scf.for %scan3A_390 = %scan3A_369 to %scan3A_371 step %scan3A_372 iter_args(%scan3A_391 = %scan3A_368) -> (i32)  : i32 {
        %get3A_392 = arith.index_cast %scan3A_390 : i32 to index
        %get3A_393 = arith.constant 0 : index
        %get3A_394 = tpu.vector_load %arg23[%get3A_392, %get3A_393] {strides = array<i32>} : memref<96x128xf32, #tpu.memory_space<vmem>>, vector<16xf32>,
        %get3A_395 = arith.index_cast %scan3A_390 : i32 to index
        %get3A_396 = arith.constant 0 : index
        %get3A_397 = tpu.vector_load %arg24[%get3A_395, %get3A_396] {strides = array<i32>} : memref<96x128xf32, #tpu.memory_space<vmem>>, vector<16xf32>,
        %add3A_398 = arith.addf %get3A_394, %get3A_397 : vector<16xf32>
        %get3A_399 = arith.index_cast %scan3A_390 : i32 to index
        %get3A_400 = arith.constant 0 : index
        %get3A_401 = tpu.vector_load %arg25[%get3A_399, %get3A_400] {strides = array<i32>} : memref<96x128xf32, #tpu.memory_space<vmem>>, vector<16xf32>,
        %add3A_402 = arith.addf %add3A_398, %get3A_401 : vector<16xf32>
        %mul3A_403 = arith.constant 0.00999999977 : f32
        %mul3A_404 = vector.broadcast %mul3A_403 : f32 to vector<16xf32>
        %mul3A_405 = arith.mulf %add3A_402, %mul3A_404 : vector<16xf32>
        %max3A_406 = arith.maximumf %add3A_402, %mul3A_405 : vector<16xf32>
        %swap3A_407 = arith.index_cast %scan3A_390 : i32 to index
        %swap3A_408 = arith.constant 0 : index
        %swap3A_409 = tpu.vector_load %arg23[%swap3A_407, %swap3A_408] {strides = array<i32>} : memref<96x128xf32, #tpu.memory_space<vmem>>, vector<16xf32>,
        tpu.vector_store %arg23[%swap3A_407, %swap3A_408], %max3A_406 {strides = array<i32>} : memref<96x128xf32, #tpu.memory_space<vmem>>, vector<16xf32>,
        %get3A_410 = arith.index_cast %scan3A_390 : i32 to index
        %get3A_411 = arith.constant 16 : index
        %get3A_412 = tpu.vector_load %arg23[%get3A_410, %get3A_411] {strides = array<i32>} : memref<96x128xf32, #tpu.memory_space<vmem>>, vector<16xf32>,
        %get3A_413 = arith.index_cast %scan3A_390 : i32 to index
        %get3A_414 = arith.constant 16 : index
        %get3A_415 = tpu.vector_load %arg24[%get3A_413, %get3A_414] {strides = array<i32>} : memref<96x128xf32, #tpu.memory_space<vmem>>, vector<16xf32>,
        %add3A_416 = arith.addf %get3A_412, %get3A_415 : vector<16xf32>
        %get3A_417 = arith.index_cast %scan3A_390 : i32 to index
        %get3A_418 = arith.constant 16 : index
        %get3A_419 = tpu.vector_load %arg25[%get3A_417, %get3A_418] {strides = array<i32>} : memref<96x128xf32, #tpu.memory_space<vmem>>, vector<16xf32>,
        %add3A_420 = arith.addf %add3A_416, %get3A_419 : vector<16xf32>
        %mul3A_421 = arith.constant 0.00999999977 : f32
        %mul3A_422 = vector.broadcast %mul3A_421 : f32 to vector<16xf32>
        %mul3A_423 = arith.mulf %add3A_420, %mul3A_422 : vector<16xf32>
        %max3A_424 = arith.maximumf %add3A_420, %mul3A_423 : vector<16xf32>
        %swap3A_425 = arith.index_cast %scan3A_390 : i32 to index
        %swap3A_426 = arith.constant 16 : index
        %swap3A_427 = tpu.vector_load %arg23[%swap3A_425, %swap3A_426] {strides = array<i32>} : memref<96x128xf32, #tpu.memory_space<vmem>>, vector<16xf32>,
        tpu.vector_store %arg23[%swap3A_425, %swap3A_426], %max3A_424 {strides = array<i32>} : memref<96x128xf32, #tpu.memory_space<vmem>>, vector<16xf32>,
        %get3A_428 = arith.index_cast %scan3A_390 : i32 to index
        %get3A_429 = arith.constant 32 : index
        %get3A_430 = tpu.vector_load %arg23[%get3A_428, %get3A_429] {strides = array<i32>} : memref<96x128xf32, #tpu.memory_space<vmem>>, vector<16xf32>,
        %get3A_431 = arith.index_cast %scan3A_390 : i32 to index
        %get3A_432 = arith.constant 32 : index
        %get3A_433 = tpu.vector_load %arg24[%get3A_431, %get3A_432] {strides = array<i32>} : memref<96x128xf32, #tpu.memory_space<vmem>>, vector<16xf32>,
        %add3A_434 = arith.addf %get3A_430, %get3A_433 : vector<16xf32>
        %get3A_435 = arith.index_cast %scan3A_390 : i32 to index
        %get3A_436 = arith.constant 32 : index
        %get3A_437 = tpu.vector_load %arg25[%get3A_435, %get3A_436] {strides = array<i32>} : memref<96x128xf32, #tpu.memory_space<vmem>>, vector<16xf32>,
        %add3A_438 = arith.addf %add3A_434, %get3A_437 : vector<16xf32>
        %mul3A_439 = arith.constant 0.00999999977 : f32
        %mul3A_440 = vector.broadcast %mul3A_439 : f32 to vector<16xf32>
        %mul3A_441 = arith.mulf %add3A_438, %mul3A_440 : vector<16xf32>
        %max3A_442 = arith.maximumf %add3A_438, %mul3A_441 : vector<16xf32>
        %swap3A_443 = arith.index_cast %scan3A_390 : i32 to index
        %swap3A_444 = arith.constant 32 : index
        %swap3A_445 = tpu.vector_load %arg23[%swap3A_443, %swap3A_444] {strides = array<i32>} : memref<96x128xf32, #tpu.memory_space<vmem>>, vector<16xf32>,
        tpu.vector_store %arg23[%swap3A_443, %swap3A_444], %max3A_442 {strides = array<i32>} : memref<96x128xf32, #tpu.memory_space<vmem>>, vector<16xf32>,
        %get3A_446 = arith.index_cast %scan3A_390 : i32 to index
        %get3A_447 = arith.constant 48 : index
        %get3A_448 = tpu.vector_load %arg23[%get3A_446, %get3A_447] {strides = array<i32>} : memref<96x128xf32, #tpu.memory_space<vmem>>, vector<16xf32>,
        %get3A_449 = arith.index_cast %scan3A_390 : i32 to index
        %get3A_450 = arith.constant 48 : index
        %get3A_451 = tpu.vector_load %arg24[%get3A_449, %get3A_450] {strides = array<i32>} : memref<96x128xf32, #tpu.memory_space<vmem>>, vector<16xf32>,
        %add3A_452 = arith.addf %get3A_448, %get3A_451 : vector<16xf32>
        %get3A_453 = arith.index_cast %scan3A_390 : i32 to index
        %get3A_454 = arith.constant 48 : index
        %get3A_455 = tpu.vector_load %arg25[%get3A_453, %get3A_454] {strides = array<i32>} : memref<96x128xf32, #tpu.memory_space<vmem>>, vector<16xf32>,
        %add3A_456 = arith.addf %add3A_452, %get3A_455 : vector<16xf32>
        %mul3A_457 = arith.constant 0.00999999977 : f32
        %mul3A_458 = vector.broadcast %mul3A_457 : f32 to vector<16xf32>
        %mul3A_459 = arith.mulf %add3A_456, %mul3A_458 : vector<16xf32>
        %max3A_460 = arith.maximumf %add3A_456, %mul3A_459 : vector<16xf32>
        %swap3A_461 = arith.index_cast %scan3A_390 : i32 to index
        %swap3A_462 = arith.constant 48 : index
        %swap3A_463 = tpu.vector_load %arg23[%swap3A_461, %swap3A_462] {strides = array<i32>} : memref<96x128xf32, #tpu.memory_space<vmem>>, vector<16xf32>,
        tpu.vector_store %arg23[%swap3A_461, %swap3A_462], %max3A_460 {strides = array<i32>} : memref<96x128xf32, #tpu.memory_space<vmem>>, vector<16xf32>,
        %get3A_464 = arith.index_cast %scan3A_390 : i32 to index
        %get3A_465 = arith.constant 64 : index
        %get3A_466 = tpu.vector_load %arg23[%get3A_464, %get3A_465] {strides = array<i32>} : memref<96x128xf32, #tpu.memory_space<vmem>>, vector<16xf32>,
        %get3A_467 = arith.index_cast %scan3A_390 : i32 to index
        %get3A_468 = arith.constant 64 : index
        %get3A_469 = tpu.vector_load %arg24[%get3A_467, %get3A_468] {strides = array<i32>} : memref<96x128xf32, #tpu.memory_space<vmem>>, vector<16xf32>,
        %add3A_470 = arith.addf %get3A_466, %get3A_469 : vector<16xf32>
        %get3A_471 = arith.index_cast %scan3A_390 : i32 to index
        %get3A_472 = arith.constant 64 : index
        %get3A_473 = tpu.vector_load %arg25[%get3A_471, %get3A_472] {strides = array<i32>} : memref<96x128xf32, #tpu.memory_space<vmem>>, vector<16xf32>,
        %add3A_474 = arith.addf %add3A_470, %get3A_473 : vector<16xf32>
        %mul3A_475 = arith.constant 0.00999999977 : f32
        %mul3A_476 = vector.broadcast %mul3A_475 : f32 to vector<16xf32>
        %mul3A_477 = arith.mulf %add3A_474, %mul3A_476 : vector<16xf32>
        %max3A_478 = arith.maximumf %add3A_474, %mul3A_477 : vector<16xf32>
        %swap3A_479 = arith.index_cast %scan3A_390 : i32 to index
        %swap3A_480 = arith.constant 64 : index
        %swap3A_481 = tpu.vector_load %arg23[%swap3A_479, %swap3A_480] {strides = array<i32>} : memref<96x128xf32, #tpu.memory_space<vmem>>, vector<16xf32>,
        tpu.vector_store %arg23[%swap3A_479, %swap3A_480], %max3A_478 {strides = array<i32>} : memref<96x128xf32, #tpu.memory_space<vmem>>, vector<16xf32>,
        %get3A_482 = arith.index_cast %scan3A_390 : i32 to index
        %get3A_483 = arith.constant 80 : index
        %get3A_484 = tpu.vector_load %arg23[%get3A_482, %get3A_483] {strides = array<i32>} : memref<96x128xf32, #tpu.memory_space<vmem>>, vector<16xf32>,
        %get3A_485 = arith.index_cast %scan3A_390 : i32 to index
        %get3A_486 = arith.constant 80 : index
        %get3A_487 = tpu.vector_load %arg24[%get3A_485, %get3A_486] {strides = array<i32>} : memref<96x128xf32, #tpu.memory_space<vmem>>, vector<16xf32>,
        %add3A_488 = arith.addf %get3A_484, %get3A_487 : vector<16xf32>
        %get3A_489 = arith.index_cast %scan3A_390 : i32 to index
        %get3A_490 = arith.constant 80 : index
        %get3A_491 = tpu.vector_load %arg25[%get3A_489, %get3A_490] {strides = array<i32>} : memref<96x128xf32, #tpu.memory_space<vmem>>, vector<16xf32>,
        %add3A_492 = arith.addf %add3A_488, %get3A_491 : vector<16xf32>
        %mul3A_493 = arith.constant 0.00999999977 : f32
        %mul3A_494 = vector.broadcast %mul3A_493 : f32 to vector<16xf32>
        %mul3A_495 = arith.mulf %add3A_492, %mul3A_494 : vector<16xf32>
        %max3A_496 = arith.maximumf %add3A_492, %mul3A_495 : vector<16xf32>
        %swap3A_497 = arith.index_cast %scan3A_390 : i32 to index
        %swap3A_498 = arith.constant 80 : index
        %swap3A_499 = tpu.vector_load %arg23[%swap3A_497, %swap3A_498] {strides = array<i32>} : memref<96x128xf32, #tpu.memory_space<vmem>>, vector<16xf32>,
        tpu.vector_store %arg23[%swap3A_497, %swap3A_498], %max3A_496 {strides = array<i32>} : memref<96x128xf32, #tpu.memory_space<vmem>>, vector<16xf32>,
        %get3A_500 = arith.index_cast %scan3A_390 : i32 to index
        %get3A_501 = arith.constant 96 : index
        %get3A_502 = tpu.vector_load %arg23[%get3A_500, %get3A_501] {strides = array<i32>} : memref<96x128xf32, #tpu.memory_space<vmem>>, vector<16xf32>,
        %get3A_503 = arith.index_cast %scan3A_390 : i32 to index
        %get3A_504 = arith.constant 96 : index
        %get3A_505 = tpu.vector_load %arg24[%get3A_503, %get3A_504] {strides = array<i32>} : memref<96x128xf32, #tpu.memory_space<vmem>>, vector<16xf32>,
        %add3A_506 = arith.addf %get3A_502, %get3A_505 : vector<16xf32>
        %get3A_507 = arith.index_cast %scan3A_390 : i32 to index
        %get3A_508 = arith.constant 96 : index
        %get3A_509 = tpu.vector_load %arg25[%get3A_507, %get3A_508] {strides = array<i32>} : memref<96x128xf32, #tpu.memory_space<vmem>>, vector<16xf32>,
        %add3A_510 = arith.addf %add3A_506, %get3A_509 : vector<16xf32>
        %mul3A_511 = arith.constant 0.00999999977 : f32
        %mul3A_512 = vector.broadcast %mul3A_511 : f32 to vector<16xf32>
        %mul3A_513 = arith.mulf %add3A_510, %mul3A_512 : vector<16xf32>
        %max3A_514 = arith.maximumf %add3A_510, %mul3A_513 : vector<16xf32>
        %swap3A_515 = arith.index_cast %scan3A_390 : i32 to index
        %swap3A_516 = arith.constant 96 : index
        %swap3A_517 = tpu.vector_load %arg23[%swap3A_515, %swap3A_516] {strides = array<i32>} : memref<96x128xf32, #tpu.memory_space<vmem>>, vector<16xf32>,
        tpu.vector_store %arg23[%swap3A_515, %swap3A_516], %max3A_514 {strides = array<i32>} : memref<96x128xf32, #tpu.memory_space<vmem>>, vector<16xf32>,
        %get3A_518 = arith.index_cast %scan3A_390 : i32 to index
        %get3A_519 = arith.constant 112 : index
        %get3A_520 = tpu.vector_load %arg23[%get3A_518, %get3A_519] {strides = array<i32>} : memref<96x128xf32, #tpu.memory_space<vmem>>, vector<16xf32>,
        %get3A_521 = arith.index_cast %scan3A_390 : i32 to index
        %get3A_522 = arith.constant 112 : index
        %get3A_523 = tpu.vector_load %arg24[%get3A_521, %get3A_522] {strides = array<i32>} : memref<96x128xf32, #tpu.memory_space<vmem>>, vector<16xf32>,
        %add3A_524 = arith.addf %get3A_520, %get3A_523 : vector<16xf32>
        %get3A_525 = arith.index_cast %scan3A_390 : i32 to index
        %get3A_526 = arith.constant 112 : index
        %get3A_527 = tpu.vector_load %arg25[%get3A_525, %get3A_526] {strides = array<i32>} : memref<96x128xf32, #tpu.memory_space<vmem>>, vector<16xf32>,
        %add3A_528 = arith.addf %add3A_524, %get3A_527 : vector<16xf32>
        %mul3A_529 = arith.constant 0.00999999977 : f32
        %mul3A_530 = vector.broadcast %mul3A_529 : f32 to vector<16xf32>
        %mul3A_531 = arith.mulf %add3A_528, %mul3A_530 : vector<16xf32>
        %max3A_532 = arith.maximumf %add3A_528, %mul3A_531 : vector<16xf32>
        %swap3A_533 = arith.index_cast %scan3A_390 : i32 to index
        %swap3A_534 = arith.constant 112 : index
        %swap3A_535 = tpu.vector_load %arg23[%swap3A_533, %swap3A_534] {strides = array<i32>} : memref<96x128xf32, #tpu.memory_space<vmem>>, vector<16xf32>,
        tpu.vector_store %arg23[%swap3A_533, %swap3A_534], %max3A_532 {strides = array<i32>} : memref<96x128xf32, #tpu.memory_space<vmem>>, vector<16xf32>,
        %scan3A_536 = arith.constant 0 : i32
        scf.yield %scan3A_536 : i32
      }
      %scan3A_374 = arith.constant 96 : i32
      %run_scoped3A = arith.constant 0 : i32
      "tpu.region"() ({
        %run_scoped3A_390 = tpu.sem_alloc : memref<!tpu.dma_semaphore, #tpu.memory_space<semaphore_mem>>
        %dma_start3A_391 = arith.constant 0 : i32
        %dma_start3A_392 = tpu.memref_slice %arg21[%run_scoped3A, %dma_start3A_391] : memref<1x96xi32, #tpu.memory_space<vmem>> -> memref<1x96xi32, #tpu.memory_space<vmem>>
        %dma_start3A_393 = tpu.memref_squeeze %dma_start3A_392 : memref<1x96xi32, #tpu.memory_space<vmem>> -> memref<96xi32, #tpu.memory_space<vmem>>
        %dma_start3A_394 = arith.constant 0 : i32
        %dma_start3A_395 = arith.constant 0 : i32
        %dma_start3A_396 = tpu.memref_slice %arg26[%dma_start3A_394, %dma_start3A_395] : memref<5008x128xf32, #tpu.memory_space<vmem_shared>> -> memref<5008x128xf32, #tpu.memory_space<vmem_shared>>
        tpu.enqueue_indirect_dma source(%arg23 : memref<96x128xf32, #tpu.memory_space<vmem>>) target(%dma_start3A_396 : memref<5008x128xf32, #tpu.memory_space<vmem_shared>>) offsets(%dma_start3A_393 : memref<96xi32, #tpu.memory_space<vmem>>) semaphore(%run_scoped3A_390 : memref<!tpu.dma_semaphore, #tpu.memory_space<semaphore_mem>>) {add = true}
        %dma_wait3A_397 = arith.constant 0 : i32
        %dma_wait3A_398 = tpu.memref_slice %arg21[%run_scoped3A, %dma_wait3A_397] : memref<1x96xi32, #tpu.memory_space<vmem>> -> memref<1x96xi32, #tpu.memory_space<vmem>>
        %dma_wait3A_399 = tpu.memref_squeeze %dma_wait3A_398 : memref<1x96xi32, #tpu.memory_space<vmem>> -> memref<96xi32, #tpu.memory_space<vmem>>
        %dma_wait3A_400 = arith.constant 0 : i32
        %dma_wait3A_401 = arith.constant 0 : i32
        %dma_wait3A_402 = tpu.memref_slice %arg26[%dma_wait3A_400, %dma_wait3A_401] : memref<5008x128xf32, #tpu.memory_space<vmem_shared>> -> memref<5008x128xf32, #tpu.memory_space<vmem_shared>>
        tpu.wait_indirect_dma semaphore(%run_scoped3A_390 : memref<!tpu.dma_semaphore, #tpu.memory_space<semaphore_mem>>) src(%arg23 : memref<96x128xf32, #tpu.memory_space<vmem>>) dst(%dma_wait3A_402 : memref<5008x128xf32, #tpu.memory_space<vmem_shared>>)
        tpu.yield
      }) : () -> ()
      %get3A_375 = arith.constant 96 : index
      %get3A_376 = tpu.vector_load %arg17[%get3A_375] {strides = array<i32>} : memref<256xi32, #tpu.memory_space<vmem>>, vector<16xi32>,
      %swap3A_377 = arith.constant 0 : index
      %swap3A_378 = tpu.vector_load %arg17[%swap3A_377] {strides = array<i32>} : memref<256xi32, #tpu.memory_space<vmem>>, vector<16xi32>,
      tpu.vector_store %arg17[%swap3A_377], %get3A_376 {strides = array<i32>} : memref<256xi32, #tpu.memory_space<vmem>>, vector<16xi32>,
      %get3A_379 = arith.constant 96 : index
      %get3A_380 = tpu.vector_load %arg18[%get3A_379] {strides = array<i32>} : memref<256xi32, #tpu.memory_space<vmem>>, vector<16xi32>,
      %swap3A_381 = arith.constant 0 : index
      %swap3A_382 = tpu.vector_load %arg18[%swap3A_381] {strides = array<i32>} : memref<256xi32, #tpu.memory_space<vmem>>, vector<16xi32>,
      tpu.vector_store %arg18[%swap3A_381], %get3A_380 {strides = array<i32>} : memref<256xi32, #tpu.memory_space<vmem>>, vector<16xi32>,
      %get3A_383 = arith.constant 96 : index
      %get3A_384 = tpu.vector_load %arg19[%get3A_383] {strides = array<i32>} : memref<256xi32, #tpu.memory_space<vmem>>, vector<16xi32>,
      %swap3A_385 = arith.constant 0 : index
      %swap3A_386 = tpu.vector_load %arg19[%swap3A_385] {strides = array<i32>} : memref<256xi32, #tpu.memory_space<vmem>>, vector<16xi32>,
      tpu.vector_store %arg19[%swap3A_385], %get3A_384 {strides = array<i32>} : memref<256xi32, #tpu.memory_space<vmem>>, vector<16xi32>,
      %sub3A_387 = arith.constant 96 : i32
      %sub3A_388 = arith.subi %while3A_183#1, %sub3A_387 : i32
      %max3A = arith.constant 0 : i32
      %max3A_389 = arith.maxsi %sub3A_388, %max3A : i32
      scf.yield %while3A_183#0, %max3A_389 : i32, i32
    }
    %barrier3A_105 = arith.constant 0 : index
    tpu.barrier barrier_id(%barrier3A_105)
    %lt3A_106 = arith.constant 5 : i32
    %lt3A_107 = arith.cmpi slt, %arg1, %lt3A_106 : i32
    %convert_element_type3A_108 = arith.extui %lt3A_107 : i1 to i32
    %cond3A_109 = arith.constant 0 : i32
    %cond3A_110 = arith.cmpi ne, %convert_element_type3A_108, %cond3A_109 : i32
    scf.if %cond3A_110 {
      %mul3A_180 = arith.constant 1000 : i32
      %mul3A_181 = arith.muli %arg1, %mul3A_180 : i32
      %mul3A_182 = arith.constant 10008 : i32
      %mul3A_183 = arith.muli %arg0, %mul3A_182 : i32
      %add3A_184 = arith.constant 0 : i32
      %add3A_185 = arith.addi %mul3A_183, %add3A_184 : i32
      %mul3A_186 = arith.constant 1000 : i32
      %mul3A_187 = arith.muli %arg1, %mul3A_186 : i32
      %add3A_188 = arith.addi %add3A_185, %mul3A_187 : i32
      "tpu.region"() ({
        %run_scoped3A = tpu.sem_alloc : memref<!tpu.dma_semaphore, #tpu.memory_space<semaphore_mem>>
        %dma_start3A = arith.constant 0 : i32
        %dma_start3A_189 = tpu.memref_slice %arg10[%add3A_188, %dma_start3A] : memref<20016x128xf32, #tpu.memory_space<hbm>> -> memref<1000x128xf32, #tpu.memory_space<hbm>>
        %dma_start3A_190 = arith.constant 0 : i32
        %dma_start3A_191 = tpu.memref_slice %arg26[%mul3A_181, %dma_start3A_190] : memref<5008x128xf32, #tpu.memory_space<vmem_shared>> -> memref<1000x128xf32, #tpu.memory_space<vmem_shared>>
        tpu.enqueue_dma source(%dma_start3A_191 : memref<1000x128xf32, #tpu.memory_space<vmem_shared>>) target(%dma_start3A_189 : memref<1000x128xf32, #tpu.memory_space<hbm>>) target_semaphore(%run_scoped3A : memref<!tpu.dma_semaphore, #tpu.memory_space<semaphore_mem>>)
        %dma_wait3A = arith.constant 0 : i32
        %dma_wait3A_192 = tpu.memref_slice %arg10[%add3A_188, %dma_wait3A] : memref<20016x128xf32, #tpu.memory_space<hbm>> -> memref<1000x128xf32, #tpu.memory_space<hbm>>
        %dma_wait3A_193 = arith.constant 0 : i32
        %dma_wait3A_194 = tpu.memref_slice %arg26[%mul3A_181, %dma_wait3A_193] : memref<5008x128xf32, #tpu.memory_space<vmem_shared>> -> memref<1000x128xf32, #tpu.memory_space<vmem_shared>>
        tpu.wait_dma2 semaphore(%run_scoped3A : memref<!tpu.dma_semaphore, #tpu.memory_space<semaphore_mem>>) src(%dma_wait3A_194 : memref<1000x128xf32, #tpu.memory_space<vmem_shared>>) dst(%dma_wait3A_192 : memref<1000x128xf32, #tpu.memory_space<hbm>>)
        tpu.yield
      }) : () -> ()
    } else {
    }
    %barrier3A_111 = arith.constant 0 : index
    tpu.barrier barrier_id(%barrier3A_111)
    %lt3A_112 = arith.constant 5 : i32
    %lt3A_113 = arith.cmpi slt, %arg1, %lt3A_112 : i32
    %convert_element_type3A_114 = arith.extui %lt3A_113 : i1 to i32
    %cond3A_115 = arith.constant 0 : i32
    %cond3A_116 = arith.cmpi ne, %convert_element_type3A_114, %cond3A_115 : i32
    scf.if %cond3A_116 {
      %mul3A_180 = arith.constant 1000 : i32
      %mul3A_181 = arith.muli %arg1, %mul3A_180 : i32
      "tpu.region"() ({
        %run_scoped3A = tpu.sem_alloc : memref<!tpu.dma_semaphore, #tpu.memory_space<semaphore_mem>>
        %dma_start3A = arith.constant 0 : i32
        %dma_start3A_182 = tpu.memref_slice %arg26[%mul3A_181, %dma_start3A] : memref<5008x128xf32, #tpu.memory_space<vmem_shared>> -> memref<1000x128xf32, #tpu.memory_space<vmem_shared>>
        tpu.enqueue_dma source(%arg9 : memref<1000x128xf32, #tpu.memory_space<hbm>>) target(%dma_start3A_182 : memref<1000x128xf32, #tpu.memory_space<vmem_shared>>) target_semaphore(%run_scoped3A : memref<!tpu.dma_semaphore, #tpu.memory_space<semaphore_mem>>)
        %dma_wait3A = arith.constant 0 : i32
        %dma_wait3A_183 = tpu.memref_slice %arg26[%mul3A_181, %dma_wait3A] : memref<5008x128xf32, #tpu.memory_space<vmem_shared>> -> memref<1000x128xf32, #tpu.memory_space<vmem_shared>>
        tpu.wait_dma2 semaphore(%run_scoped3A : memref<!tpu.dma_semaphore, #tpu.memory_space<semaphore_mem>>) src(%arg9 : memref<1000x128xf32, #tpu.memory_space<hbm>>) dst(%dma_wait3A_183 : memref<1000x128xf32, #tpu.memory_space<vmem_shared>>)
        tpu.yield
      }) : () -> ()
    } else {
    }
    %barrier3A_117 = arith.constant 0 : index
    tpu.barrier barrier_id(%barrier3A_117)
    %add3A_118 = arith.constant 5000 : i32
    %add3A_119 = arith.addi %add3A_118, %mul3A_0 : i32
    %while3A_120 = arith.constant 0 : i32
    %while3A_121 = arith.constant 0 : i32
    %while3A_122 = arith.subi %select_n3A, %while3A_120 : i32
    %while3A_123 = arith.addi %while3A_120, %while3A_122 : i32
    %while3A_124 = arith.constant 1 : i32
    %while3A_125 = arith.divsi %while3A_122, %while3A_124 : i32
    %while3A_126 = arith.muli %while3A_125, %while3A_124 : i32
    %while3A_127 = arith.addi %while3A_120, %while3A_126 : i32
    %while3A_128 = arith.constant 1 : i32
    %while3A_129 = scf.for %while3A_180 = %while3A_120 to %while3A_127 step %while3A_128 iter_args(%while3A_181 = %while3A_121) -> (i32)  : i32 {
      %mul3A_182 = arith.constant 16 : i32
      %mul3A_183 = arith.muli %while3A_180, %mul3A_182 : i32
      %get3A = arith.index_cast %mul3A_183 : i32 to index
      %get3A_184 = tpu.vector_load %arg15[%get3A] {strides = array<i32>} : memref<10032xi32, #tpu.memory_space<vmem>>, vector<16xi32>,
      %and3A_185 = arith.constant 16383 : i32
      %and3A_186 = vector.broadcast %and3A_185 : i32 to vector<16xi32>
      %and3A_187 = arith.andi %get3A_184, %and3A_186 : vector<16xi32>
      %sub3A_188 = arith.constant 5000 : i32
      %sub3A_189 = vector.broadcast %sub3A_188 : i32 to vector<16xi32>
      %sub3A_190 = arith.subi %and3A_187, %sub3A_189 : vector<16xi32>
      %ge3A = arith.constant 0 : i32
      %ge3A_191 = vector.broadcast %ge3A : i32 to vector<16xi32>
      %ge3A_192 = arith.cmpi sge, %sub3A_190, %ge3A_191 : vector<16xi32>
      %lt3A_193 = arith.constant 5000 : i32
      %lt3A_194 = vector.broadcast %lt3A_193 : i32 to vector<16xi32>
      %lt3A_195 = arith.cmpi slt, %sub3A_190, %lt3A_194 : vector<16xi32>
      %and3A_196 = arith.andi %ge3A_192, %lt3A_195 : vector<16xi1>
      %convert_element_type3A_197 = arith.extui %and3A_196 : vector<16xi1> to vector<16xi32>
      %reduce_sum3A = arith.constant true
      %reduce_sum3A_198 = vector.broadcast %reduce_sum3A : i1 to vector<16xi1>
      %reduce_sum3A_199 = tpu.scan <sum>, %convert_element_type3A_197 masked %reduce_sum3A_198 : vector<16xi32>, vector<16xi1> -> vector<16xi32>
      %reduce_sum3A_200 = vector.extract %reduce_sum3A_199[15] : i32 from vector<16xi32>
      %add3A_201 = arith.addi %while3A_181, %reduce_sum3A_200 : i32
      scf.yield %add3A_201 : i32
    }
    %while3A_130 = arith.constant 1 : i32
    %while3A_131 = scf.for %while3A_180 = %while3A_127 to %while3A_123 step %while3A_130 iter_args(%while3A_181 = %while3A_129) -> (i32)  : i32 {
      %mul3A_182 = arith.constant 16 : i32
      %mul3A_183 = arith.muli %while3A_180, %mul3A_182 : i32
      %get3A = arith.index_cast %mul3A_183 : i32 to index
      %get3A_184 = tpu.vector_load %arg15[%get3A] {strides = array<i32>} : memref<10032xi32, #tpu.memory_space<vmem>>, vector<16xi32>,
      %and3A_185 = arith.constant 16383 : i32
      %and3A_186 = vector.broadcast %and3A_185 : i32 to vector<16xi32>
      %and3A_187 = arith.andi %get3A_184, %and3A_186 : vector<16xi32>
      %sub3A_188 = arith.constant 5000 : i32
      %sub3A_189 = vector.broadcast %sub3A_188 : i32 to vector<16xi32>
      %sub3A_190 = arith.subi %and3A_187, %sub3A_189 : vector<16xi32>
      %ge3A = arith.constant 0 : i32
      %ge3A_191 = vector.broadcast %ge3A : i32 to vector<16xi32>
      %ge3A_192 = arith.cmpi sge, %sub3A_190, %ge3A_191 : vector<16xi32>
      %lt3A_193 = arith.constant 5000 : i32
      %lt3A_194 = vector.broadcast %lt3A_193 : i32 to vector<16xi32>
      %lt3A_195 = arith.cmpi slt, %sub3A_190, %lt3A_194 : vector<16xi32>
      %and3A_196 = arith.andi %ge3A_192, %lt3A_195 : vector<16xi1>
      %convert_element_type3A_197 = arith.extui %and3A_196 : vector<16xi1> to vector<16xi32>
      %reduce_sum3A = arith.constant true
      %reduce_sum3A_198 = vector.broadcast %reduce_sum3A : i1 to vector<16xi1>
      %reduce_sum3A_199 = tpu.scan <sum>, %convert_element_type3A_197 masked %reduce_sum3A_198 : vector<16xi32>, vector<16xi1> -> vector<16xi32>
      %reduce_sum3A_200 = vector.extract %reduce_sum3A_199[15] : i32 from vector<16xi32>
      %add3A_201 = arith.addi %while3A_181, %reduce_sum3A_200 : i32
      scf.yield %add3A_201 : i32
    }
    %add3A_132 = arith.constant 96 : i32
    %add3A_133 = arith.addi %while3A_131, %add3A_132 : i32
    %sub3A_134 = arith.constant 1 : i32
    %sub3A_135 = arith.subi %add3A_133, %sub3A_134 : i32
    %jit3A_136 = arith.constant 96 : i32
    %div3A_137 = arith.divsi %sub3A_135, %jit3A_136 : i32
    %sign3A_138 = arith.constant 0 : i32
    %sign3A_139 = arith.cmpi sgt, %sub3A_135, %sign3A_138 : i32
    %sign3A_140 = arith.extui %sign3A_139 : i1 to i32
    %sign3A_141 = arith.constant 0 : i32
    %sign3A_142 = arith.cmpi slt, %sub3A_135, %sign3A_141 : i32
    %sign3A_143 = arith.extui %sign3A_142 : i1 to i32
    %sign3A_144 = arith.subi %sign3A_140, %sign3A_143 : i32
    %sign3A_145 = arith.constant 0 : i32
    %sign3A_146 = arith.cmpi sgt, %jit3A_136, %sign3A_145 : i32
    %sign3A_147 = arith.extui %sign3A_146 : i1 to i32
    %sign3A_148 = arith.constant 0 : i32
    %sign3A_149 = arith.cmpi slt, %jit3A_136, %sign3A_148 : i32
    %sign3A_150 = arith.extui %sign3A_149 : i1 to i32
    %sign3A_151 = arith.subi %sign3A_147, %sign3A_150 : i32
    %ne3A_152 = arith.cmpi ne, %sign3A_144, %sign3A_151 : i32
    %rem3A_153 = arith.remsi %sub3A_135, %jit3A_136 : i32
    %ne3A_154 = arith.constant 0 : i32
    %ne3A_155 = arith.cmpi ne, %rem3A_153, %ne3A_154 : i32
    %and3A_156 = arith.andi %ne3A_152, %ne3A_155 : i1
    %sub3A_157 = arith.constant 1 : i32
    %sub3A_158 = arith.subi %div3A_137, %sub3A_157 : i32
    %select_n3A_159 = arith.select %and3A_156, %sub3A_158, %div3A_137 : i32
    %while3A_160 = arith.constant 0 : i32
    %while3A_161 = arith.constant 0 : i32
    %while3A_162 = arith.constant 0 : i32
    %while3A_163 = arith.subi %select_n3A_159, %while3A_160 : i32
    %while3A_164 = arith.addi %while3A_160, %while3A_163 : i32
    %while3A_165 = arith.constant 1 : i32
    %while3A_166 = arith.divsi %while3A_163, %while3A_165 : i32
    %while3A_167 = arith.muli %while3A_166, %while3A_165 : i32
    %while3A_168 = arith.addi %while3A_160, %while3A_167 : i32
    %while3A_169 = arith.constant 1 : i32
    %while3A_170:2 = scf.for %while3A_180 = %while3A_160 to %while3A_168 step %while3A_169 iter_args(%while3A_181 = %while3A_161, %while3A_182 = %while3A_162) -> (i32, i32)  : i32 {
      %while3A_183:2 = scf.while (%while3A_390 = %while3A_181, %while3A_391 = %while3A_182) : (i32, i32) -> (i32, i32) {
        %lt3A_392 = arith.constant 96 : i32
        %lt3A_393 = arith.cmpi slt, %while3A_391, %lt3A_392 : i32
        %lt3A_394 = arith.cmpi slt, %while3A_390, %select_n3A : i32
        %and3A_395 = arith.andi %lt3A_393, %lt3A_394 : i1
        scf.condition(%and3A_395) %while3A_390, %while3A_391 : i32, i32
      } do {
      ^bb0(%while3A_390: i32, %while3A_391: i32):
        %mul3A_392 = arith.constant 16 : i32
        %mul3A_393 = arith.muli %while3A_390, %mul3A_392 : i32
        %get3A_394 = arith.index_cast %mul3A_393 : i32 to index
        %get3A_395 = tpu.vector_load %arg15[%get3A_394] {strides = array<i32>} : memref<10032xi32, #tpu.memory_space<vmem>>, vector<16xi32>,
        %mul3A_396 = arith.constant 16 : i32
        %mul3A_397 = arith.muli %while3A_390, %mul3A_396 : i32
        %get3A_398 = arith.index_cast %mul3A_397 : i32 to index
        %get3A_399 = tpu.vector_load %arg16[%get3A_398] {strides = array<i32>} : memref<10032xi32, #tpu.memory_space<vmem>>, vector<16xi32>,
        %shift_right_arithmetic3A = arith.constant 14 : i32
        %shift_right_arithmetic3A_400 = vector.broadcast %shift_right_arithmetic3A : i32 to vector<16xi32>
        %shift_right_arithmetic3A_401 = arith.shrsi %get3A_395, %shift_right_arithmetic3A_400 : vector<16xi32>
        %and3A_402 = arith.constant 16383 : i32
        %and3A_403 = vector.broadcast %and3A_402 : i32 to vector<16xi32>
        %and3A_404 = arith.andi %get3A_395, %and3A_403 : vector<16xi32>
        %sub3A_405 = arith.constant 5000 : i32
        %sub3A_406 = vector.broadcast %sub3A_405 : i32 to vector<16xi32>
        %sub3A_407 = arith.subi %and3A_404, %sub3A_406 : vector<16xi32>
        %ge3A = arith.constant 0 : i32
        %ge3A_408 = vector.broadcast %ge3A : i32 to vector<16xi32>
        %ge3A_409 = arith.cmpi sge, %sub3A_407, %ge3A_408 : vector<16xi32>
        %lt3A_410 = arith.constant 5000 : i32
        %lt3A_411 = vector.broadcast %lt3A_410 : i32 to vector<16xi32>
        %lt3A_412 = arith.cmpi slt, %sub3A_407, %lt3A_411 : vector<16xi32>
        %and3A_413 = arith.andi %ge3A_409, %lt3A_412 : vector<16xi1>
        %add3A_414 = vector.broadcast %mul3A_0 : i32 to vector<16xi32>
        %add3A_415 = arith.addi %shift_right_arithmetic3A_401, %add3A_414 : vector<16xi32>
        %swap3A_416 = arith.index_cast %while3A_391 : i32 to index
        %swap3A_417 = tpu.vector_load %arg17[%swap3A_416] masked %and3A_413 {strides = array<i32>} : memref<256xi32, #tpu.memory_space<vmem>>, vector<16xi32>, vector<16xi1>
        tpu.vector_store %arg17[%swap3A_416], %add3A_415 masked %and3A_413 {strides = array<i32>} : memref<256xi32, #tpu.memory_space<vmem>>, vector<16xi32>, vector<16xi1>
        %swap3A_418 = arith.index_cast %while3A_391 : i32 to index
        %swap3A_419 = tpu.vector_load %arg18[%swap3A_418] masked %and3A_413 {strides = array<i32>} : memref<256xi32, #tpu.memory_space<vmem>>, vector<16xi32>, vector<16xi1>
        tpu.vector_store %arg18[%swap3A_418], %sub3A_407 masked %and3A_413 {strides = array<i32>} : memref<256xi32, #tpu.memory_space<vmem>>, vector<16xi32>, vector<16xi1>
        %swap3A_420 = arith.index_cast %while3A_391 : i32 to index
        %swap3A_421 = tpu.vector_load %arg19[%swap3A_420] masked %and3A_413 {strides = array<i32>} : memref<256xi32, #tpu.memory_space<vmem>>, vector<16xi32>, vector<16xi1>
        tpu.vector_store %arg19[%swap3A_420], %get3A_399 masked %and3A_413 {strides = array<i32>} : memref<256xi32, #tpu.memory_space<vmem>>, vector<16xi32>, vector<16xi1>
        %add3A_422 = arith.constant 1 : i32
        %add3A_423 = arith.addi %while3A_390, %add3A_422 : i32
        %convert_element_type3A_424 = arith.extui %and3A_413 : vector<16xi1> to vector<16xi32>
        %reduce_sum3A = arith.constant true
        %reduce_sum3A_425 = vector.broadcast %reduce_sum3A : i1 to vector<16xi1>
        %reduce_sum3A_426 = tpu.scan <sum>, %convert_element_type3A_424 masked %reduce_sum3A_425 : vector<16xi32>, vector<16xi1> -> vector<16xi32>
        %reduce_sum3A_427 = vector.extract %reduce_sum3A_426[15] : i32 from vector<16xi32>
        %add3A_428 = arith.addi %while3A_391, %reduce_sum3A_427 : i32
        scf.yield %add3A_423, %add3A_428 : i32, i32
      }
      %broadcast_in_dim3A_184 = vector.broadcast %mul3A_0 : i32 to vector<16xi32>
      %add3A_185 = arith.constant 0 : i32
      %add3A_186 = arith.addi %while3A_183#1, %add3A_185 : i32
      %swap3A_187 = arith.index_cast %add3A_186 : i32 to index
      %swap3A_188 = tpu.vector_load %arg17[%swap3A_187] {strides = array<i32>} : memref<256xi32, #tpu.memory_space<vmem>>, vector<16xi32>,
      tpu.vector_store %arg17[%swap3A_187], %broadcast_in_dim3A_184 {strides = array<i32>} : memref<256xi32, #tpu.memory_space<vmem>>, vector<16xi32>,
      %broadcast_in_dim3A_189 = arith.constant 5000 : i32
      %broadcast_in_dim3A_190 = vector.broadcast %broadcast_in_dim3A_189 : i32 to vector<16xi32>
      %add3A_191 = arith.constant 0 : i32
      %add3A_192 = arith.addi %while3A_183#1, %add3A_191 : i32
      %swap3A_193 = arith.index_cast %add3A_192 : i32 to index
      %swap3A_194 = tpu.vector_load %arg18[%swap3A_193] {strides = array<i32>} : memref<256xi32, #tpu.memory_space<vmem>>, vector<16xi32>,
      tpu.vector_store %arg18[%swap3A_193], %broadcast_in_dim3A_190 {strides = array<i32>} : memref<256xi32, #tpu.memory_space<vmem>>, vector<16xi32>,
      %broadcast_in_dim3A_195 = vector.broadcast %mul3A_2 : i32 to vector<16xi32>
      %add3A_196 = arith.constant 0 : i32
      %add3A_197 = arith.addi %while3A_183#1, %add3A_196 : i32
      %swap3A_198 = arith.index_cast %add3A_197 : i32 to index
      %swap3A_199 = tpu.vector_load %arg19[%swap3A_198] {strides = array<i32>} : memref<256xi32, #tpu.memory_space<vmem>>, vector<16xi32>,
      tpu.vector_store %arg19[%swap3A_198], %broadcast_in_dim3A_195 {strides = array<i32>} : memref<256xi32, #tpu.memory_space<vmem>>, vector<16xi32>,
      %broadcast_in_dim3A_200 = vector.broadcast %mul3A_0 : i32 to vector<16xi32>
      %add3A_201 = arith.constant 16 : i32
      %add3A_202 = arith.addi %while3A_183#1, %add3A_201 : i32
      %swap3A_203 = arith.index_cast %add3A_202 : i32 to index
      %swap3A_204 = tpu.vector_load %arg17[%swap3A_203] {strides = array<i32>} : memref<256xi32, #tpu.memory_space<vmem>>, vector<16xi32>,
      tpu.vector_store %arg17[%swap3A_203], %broadcast_in_dim3A_200 {strides = array<i32>} : memref<256xi32, #tpu.memory_space<vmem>>, vector<16xi32>,
      %broadcast_in_dim3A_205 = arith.constant 5000 : i32
      %broadcast_in_dim3A_206 = vector.broadcast %broadcast_in_dim3A_205 : i32 to vector<16xi32>
      %add3A_207 = arith.constant 16 : i32
      %add3A_208 = arith.addi %while3A_183#1, %add3A_207 : i32
      %swap3A_209 = arith.index_cast %add3A_208 : i32 to index
      %swap3A_210 = tpu.vector_load %arg18[%swap3A_209] {strides = array<i32>} : memref<256xi32, #tpu.memory_space<vmem>>, vector<16xi32>,
      tpu.vector_store %arg18[%swap3A_209], %broadcast_in_dim3A_206 {strides = array<i32>} : memref<256xi32, #tpu.memory_space<vmem>>, vector<16xi32>,
      %broadcast_in_dim3A_211 = vector.broadcast %mul3A_2 : i32 to vector<16xi32>
      %add3A_212 = arith.constant 16 : i32
      %add3A_213 = arith.addi %while3A_183#1, %add3A_212 : i32
      %swap3A_214 = arith.index_cast %add3A_213 : i32 to index
      %swap3A_215 = tpu.vector_load %arg19[%swap3A_214] {strides = array<i32>} : memref<256xi32, #tpu.memory_space<vmem>>, vector<16xi32>,
      tpu.vector_store %arg19[%swap3A_214], %broadcast_in_dim3A_211 {strides = array<i32>} : memref<256xi32, #tpu.memory_space<vmem>>, vector<16xi32>,
      %broadcast_in_dim3A_216 = vector.broadcast %mul3A_0 : i32 to vector<16xi32>
      %add3A_217 = arith.constant 32 : i32
      %add3A_218 = arith.addi %while3A_183#1, %add3A_217 : i32
      %swap3A_219 = arith.index_cast %add3A_218 : i32 to index
      %swap3A_220 = tpu.vector_load %arg17[%swap3A_219] {strides = array<i32>} : memref<256xi32, #tpu.memory_space<vmem>>, vector<16xi32>,
      tpu.vector_store %arg17[%swap3A_219], %broadcast_in_dim3A_216 {strides = array<i32>} : memref<256xi32, #tpu.memory_space<vmem>>, vector<16xi32>,
      %broadcast_in_dim3A_221 = arith.constant 5000 : i32
      %broadcast_in_dim3A_222 = vector.broadcast %broadcast_in_dim3A_221 : i32 to vector<16xi32>
      %add3A_223 = arith.constant 32 : i32
      %add3A_224 = arith.addi %while3A_183#1, %add3A_223 : i32
      %swap3A_225 = arith.index_cast %add3A_224 : i32 to index
      %swap3A_226 = tpu.vector_load %arg18[%swap3A_225] {strides = array<i32>} : memref<256xi32, #tpu.memory_space<vmem>>, vector<16xi32>,
      tpu.vector_store %arg18[%swap3A_225], %broadcast_in_dim3A_222 {strides = array<i32>} : memref<256xi32, #tpu.memory_space<vmem>>, vector<16xi32>,
      %broadcast_in_dim3A_227 = vector.broadcast %mul3A_2 : i32 to vector<16xi32>
      %add3A_228 = arith.constant 32 : i32
      %add3A_229 = arith.addi %while3A_183#1, %add3A_228 : i32
      %swap3A_230 = arith.index_cast %add3A_229 : i32 to index
      %swap3A_231 = tpu.vector_load %arg19[%swap3A_230] {strides = array<i32>} : memref<256xi32, #tpu.memory_space<vmem>>, vector<16xi32>,
      tpu.vector_store %arg19[%swap3A_230], %broadcast_in_dim3A_227 {strides = array<i32>} : memref<256xi32, #tpu.memory_space<vmem>>, vector<16xi32>,
      %broadcast_in_dim3A_232 = vector.broadcast %mul3A_0 : i32 to vector<16xi32>
      %add3A_233 = arith.constant 48 : i32
      %add3A_234 = arith.addi %while3A_183#1, %add3A_233 : i32
      %swap3A_235 = arith.index_cast %add3A_234 : i32 to index
      %swap3A_236 = tpu.vector_load %arg17[%swap3A_235] {strides = array<i32>} : memref<256xi32, #tpu.memory_space<vmem>>, vector<16xi32>,
      tpu.vector_store %arg17[%swap3A_235], %broadcast_in_dim3A_232 {strides = array<i32>} : memref<256xi32, #tpu.memory_space<vmem>>, vector<16xi32>,
      %broadcast_in_dim3A_237 = arith.constant 5000 : i32
      %broadcast_in_dim3A_238 = vector.broadcast %broadcast_in_dim3A_237 : i32 to vector<16xi32>
      %add3A_239 = arith.constant 48 : i32
      %add3A_240 = arith.addi %while3A_183#1, %add3A_239 : i32
      %swap3A_241 = arith.index_cast %add3A_240 : i32 to index
      %swap3A_242 = tpu.vector_load %arg18[%swap3A_241] {strides = array<i32>} : memref<256xi32, #tpu.memory_space<vmem>>, vector<16xi32>,
      tpu.vector_store %arg18[%swap3A_241], %broadcast_in_dim3A_238 {strides = array<i32>} : memref<256xi32, #tpu.memory_space<vmem>>, vector<16xi32>,
      %broadcast_in_dim3A_243 = vector.broadcast %mul3A_2 : i32 to vector<16xi32>
      %add3A_244 = arith.constant 48 : i32
      %add3A_245 = arith.addi %while3A_183#1, %add3A_244 : i32
      %swap3A_246 = arith.index_cast %add3A_245 : i32 to index
      %swap3A_247 = tpu.vector_load %arg19[%swap3A_246] {strides = array<i32>} : memref<256xi32, #tpu.memory_space<vmem>>, vector<16xi32>,
      tpu.vector_store %arg19[%swap3A_246], %broadcast_in_dim3A_243 {strides = array<i32>} : memref<256xi32, #tpu.memory_space<vmem>>, vector<16xi32>,
      %broadcast_in_dim3A_248 = vector.broadcast %mul3A_0 : i32 to vector<16xi32>
      %add3A_249 = arith.constant 64 : i32
      %add3A_250 = arith.addi %while3A_183#1, %add3A_249 : i32
      %swap3A_251 = arith.index_cast %add3A_250 : i32 to index
      %swap3A_252 = tpu.vector_load %arg17[%swap3A_251] {strides = array<i32>} : memref<256xi32, #tpu.memory_space<vmem>>, vector<16xi32>,
      tpu.vector_store %arg17[%swap3A_251], %broadcast_in_dim3A_248 {strides = array<i32>} : memref<256xi32, #tpu.memory_space<vmem>>, vector<16xi32>,
      %broadcast_in_dim3A_253 = arith.constant 5000 : i32
      %broadcast_in_dim3A_254 = vector.broadcast %broadcast_in_dim3A_253 : i32 to vector<16xi32>
      %add3A_255 = arith.constant 64 : i32
      %add3A_256 = arith.addi %while3A_183#1, %add3A_255 : i32
      %swap3A_257 = arith.index_cast %add3A_256 : i32 to index
      %swap3A_258 = tpu.vector_load %arg18[%swap3A_257] {strides = array<i32>} : memref<256xi32, #tpu.memory_space<vmem>>, vector<16xi32>,
      tpu.vector_store %arg18[%swap3A_257], %broadcast_in_dim3A_254 {strides = array<i32>} : memref<256xi32, #tpu.memory_space<vmem>>, vector<16xi32>,
      %broadcast_in_dim3A_259 = vector.broadcast %mul3A_2 : i32 to vector<16xi32>
      %add3A_260 = arith.constant 64 : i32
      %add3A_261 = arith.addi %while3A_183#1, %add3A_260 : i32
      %swap3A_262 = arith.index_cast %add3A_261 : i32 to index
      %swap3A_263 = tpu.vector_load %arg19[%swap3A_262] {strides = array<i32>} : memref<256xi32, #tpu.memory_space<vmem>>, vector<16xi32>,
      tpu.vector_store %arg19[%swap3A_262], %broadcast_in_dim3A_259 {strides = array<i32>} : memref<256xi32, #tpu.memory_space<vmem>>, vector<16xi32>,
      %broadcast_in_dim3A_264 = vector.broadcast %mul3A_0 : i32 to vector<16xi32>
      %add3A_265 = arith.constant 80 : i32
      %add3A_266 = arith.addi %while3A_183#1, %add3A_265 : i32
      %swap3A_267 = arith.index_cast %add3A_266 : i32 to index
      %swap3A_268 = tpu.vector_load %arg17[%swap3A_267] {strides = array<i32>} : memref<256xi32, #tpu.memory_space<vmem>>, vector<16xi32>,
      tpu.vector_store %arg17[%swap3A_267], %broadcast_in_dim3A_264 {strides = array<i32>} : memref<256xi32, #tpu.memory_space<vmem>>, vector<16xi32>,
      %broadcast_in_dim3A_269 = arith.constant 5000 : i32
      %broadcast_in_dim3A_270 = vector.broadcast %broadcast_in_dim3A_269 : i32 to vector<16xi32>
      %add3A_271 = arith.constant 80 : i32
      %add3A_272 = arith.addi %while3A_183#1, %add3A_271 : i32
      %swap3A_273 = arith.index_cast %add3A_272 : i32 to index
      %swap3A_274 = tpu.vector_load %arg18[%swap3A_273] {strides = array<i32>} : memref<256xi32, #tpu.memory_space<vmem>>, vector<16xi32>,
      tpu.vector_store %arg18[%swap3A_273], %broadcast_in_dim3A_270 {strides = array<i32>} : memref<256xi32, #tpu.memory_space<vmem>>, vector<16xi32>,
      %broadcast_in_dim3A_275 = vector.broadcast %mul3A_2 : i32 to vector<16xi32>
      %add3A_276 = arith.constant 80 : i32
      %add3A_277 = arith.addi %while3A_183#1, %add3A_276 : i32
      %swap3A_278 = arith.index_cast %add3A_277 : i32 to index
      %swap3A_279 = tpu.vector_load %arg19[%swap3A_278] {strides = array<i32>} : memref<256xi32, #tpu.memory_space<vmem>>, vector<16xi32>,
      tpu.vector_store %arg19[%swap3A_278], %broadcast_in_dim3A_275 {strides = array<i32>} : memref<256xi32, #tpu.memory_space<vmem>>, vector<16xi32>,
      %get3A = arith.constant 0 : index
      %get3A_280 = tpu.vector_load %arg18[%get3A] {strides = array<i32>} : memref<256xi32, #tpu.memory_space<vmem>>, vector<16xi32>,
      %swap3A_281 = arith.constant 0 : i32
      %swap3A_282 = arith.index_cast %swap3A_281 : i32 to index
      %swap3A_283 = arith.constant 0 : index
      %swap3A_284 = tpu.vector_load %arg21[%swap3A_282, %swap3A_283] {strides = array<i32>} : memref<1x96xi32, #tpu.memory_space<vmem>>, vector<16xi32>,
      tpu.vector_store %arg21[%swap3A_282, %swap3A_283], %get3A_280 {strides = array<i32>} : memref<1x96xi32, #tpu.memory_space<vmem>>, vector<16xi32>,
      %add3A_285 = vector.broadcast %add3A_119 : i32 to vector<16xi32>
      %add3A_286 = arith.addi %get3A_280, %add3A_285 : vector<16xi32>
      %swap3A_287 = arith.constant 0 : index
      %swap3A_288 = tpu.vector_load %arg20[%swap3A_287] {strides = array<i32>} : memref<96xi32, #tpu.memory_space<vmem>>, vector<16xi32>,
      tpu.vector_store %arg20[%swap3A_287], %add3A_286 {strides = array<i32>} : memref<96xi32, #tpu.memory_space<vmem>>, vector<16xi32>,
      %get3A_289 = arith.constant 16 : index
      %get3A_290 = tpu.vector_load %arg18[%get3A_289] {strides = array<i32>} : memref<256xi32, #tpu.memory_space<vmem>>, vector<16xi32>,
      %swap3A_291 = arith.constant 0 : i32
      %swap3A_292 = arith.index_cast %swap3A_291 : i32 to index
      %swap3A_293 = arith.constant 16 : index
      %swap3A_294 = tpu.vector_load %arg21[%swap3A_292, %swap3A_293] {strides = array<i32>} : memref<1x96xi32, #tpu.memory_space<vmem>>, vector<16xi32>,
      tpu.vector_store %arg21[%swap3A_292, %swap3A_293], %get3A_290 {strides = array<i32>} : memref<1x96xi32, #tpu.memory_space<vmem>>, vector<16xi32>,
      %add3A_295 = vector.broadcast %add3A_119 : i32 to vector<16xi32>
      %add3A_296 = arith.addi %get3A_290, %add3A_295 : vector<16xi32>
      %swap3A_297 = arith.constant 16 : index
      %swap3A_298 = tpu.vector_load %arg20[%swap3A_297] {strides = array<i32>} : memref<96xi32, #tpu.memory_space<vmem>>, vector<16xi32>,
      tpu.vector_store %arg20[%swap3A_297], %add3A_296 {strides = array<i32>} : memref<96xi32, #tpu.memory_space<vmem>>, vector<16xi32>,
      %get3A_299 = arith.constant 32 : index
      %get3A_300 = tpu.vector_load %arg18[%get3A_299] {strides = array<i32>} : memref<256xi32, #tpu.memory_space<vmem>>, vector<16xi32>,
      %swap3A_301 = arith.constant 0 : i32
      %swap3A_302 = arith.index_cast %swap3A_301 : i32 to index
      %swap3A_303 = arith.constant 32 : index
      %swap3A_304 = tpu.vector_load %arg21[%swap3A_302, %swap3A_303] {strides = array<i32>} : memref<1x96xi32, #tpu.memory_space<vmem>>, vector<16xi32>,
      tpu.vector_store %arg21[%swap3A_302, %swap3A_303], %get3A_300 {strides = array<i32>} : memref<1x96xi32, #tpu.memory_space<vmem>>, vector<16xi32>,
      %add3A_305 = vector.broadcast %add3A_119 : i32 to vector<16xi32>
      %add3A_306 = arith.addi %get3A_300, %add3A_305 : vector<16xi32>
      %swap3A_307 = arith.constant 32 : index
      %swap3A_308 = tpu.vector_load %arg20[%swap3A_307] {strides = array<i32>} : memref<96xi32, #tpu.memory_space<vmem>>, vector<16xi32>,
      tpu.vector_store %arg20[%swap3A_307], %add3A_306 {strides = array<i32>} : memref<96xi32, #tpu.memory_space<vmem>>, vector<16xi32>,
      %get3A_309 = arith.constant 48 : index
      %get3A_310 = tpu.vector_load %arg18[%get3A_309] {strides = array<i32>} : memref<256xi32, #tpu.memory_space<vmem>>, vector<16xi32>,
      %swap3A_311 = arith.constant 0 : i32
      %swap3A_312 = arith.index_cast %swap3A_311 : i32 to index
      %swap3A_313 = arith.constant 48 : index
      %swap3A_314 = tpu.vector_load %arg21[%swap3A_312, %swap3A_313] {strides = array<i32>} : memref<1x96xi32, #tpu.memory_space<vmem>>, vector<16xi32>,
      tpu.vector_store %arg21[%swap3A_312, %swap3A_313], %get3A_310 {strides = array<i32>} : memref<1x96xi32, #tpu.memory_space<vmem>>, vector<16xi32>,
      %add3A_315 = vector.broadcast %add3A_119 : i32 to vector<16xi32>
      %add3A_316 = arith.addi %get3A_310, %add3A_315 : vector<16xi32>
      %swap3A_317 = arith.constant 48 : index
      %swap3A_318 = tpu.vector_load %arg20[%swap3A_317] {strides = array<i32>} : memref<96xi32, #tpu.memory_space<vmem>>, vector<16xi32>,
      tpu.vector_store %arg20[%swap3A_317], %add3A_316 {strides = array<i32>} : memref<96xi32, #tpu.memory_space<vmem>>, vector<16xi32>,
      %get3A_319 = arith.constant 64 : index
      %get3A_320 = tpu.vector_load %arg18[%get3A_319] {strides = array<i32>} : memref<256xi32, #tpu.memory_space<vmem>>, vector<16xi32>,
      %swap3A_321 = arith.constant 0 : i32
      %swap3A_322 = arith.index_cast %swap3A_321 : i32 to index
      %swap3A_323 = arith.constant 64 : index
      %swap3A_324 = tpu.vector_load %arg21[%swap3A_322, %swap3A_323] {strides = array<i32>} : memref<1x96xi32, #tpu.memory_space<vmem>>, vector<16xi32>,
      tpu.vector_store %arg21[%swap3A_322, %swap3A_323], %get3A_320 {strides = array<i32>} : memref<1x96xi32, #tpu.memory_space<vmem>>, vector<16xi32>,
      %add3A_325 = vector.broadcast %add3A_119 : i32 to vector<16xi32>
      %add3A_326 = arith.addi %get3A_320, %add3A_325 : vector<16xi32>
      %swap3A_327 = arith.constant 64 : index
      %swap3A_328 = tpu.vector_load %arg20[%swap3A_327] {strides = array<i32>} : memref<96xi32, #tpu.memory_space<vmem>>, vector<16xi32>,
      tpu.vector_store %arg20[%swap3A_327], %add3A_326 {strides = array<i32>} : memref<96xi32, #tpu.memory_space<vmem>>, vector<16xi32>,
      %get3A_329 = arith.constant 80 : index
      %get3A_330 = tpu.vector_load %arg18[%get3A_329] {strides = array<i32>} : memref<256xi32, #tpu.memory_space<vmem>>, vector<16xi32>,
      %swap3A_331 = arith.constant 0 : i32
      %swap3A_332 = arith.index_cast %swap3A_331 : i32 to index
      %swap3A_333 = arith.constant 80 : index
      %swap3A_334 = tpu.vector_load %arg21[%swap3A_332, %swap3A_333] {strides = array<i32>} : memref<1x96xi32, #tpu.memory_space<vmem>>, vector<16xi32>,
      tpu.vector_store %arg21[%swap3A_332, %swap3A_333], %get3A_330 {strides = array<i32>} : memref<1x96xi32, #tpu.memory_space<vmem>>, vector<16xi32>,
      %add3A_335 = vector.broadcast %add3A_119 : i32 to vector<16xi32>
      %add3A_336 = arith.addi %get3A_330, %add3A_335 : vector<16xi32>
      %swap3A_337 = arith.constant 80 : index
      %swap3A_338 = tpu.vector_load %arg20[%swap3A_337] {strides = array<i32>} : memref<96xi32, #tpu.memory_space<vmem>>, vector<16xi32>,
      tpu.vector_store %arg20[%swap3A_337], %add3A_336 {strides = array<i32>} : memref<96xi32, #tpu.memory_space<vmem>>, vector<16xi32>,
      %dma_start3A = arith.constant 0 : i32
      %dma_start3A_339 = tpu.memref_slice %arg17[%dma_start3A] : memref<256xi32, #tpu.memory_space<vmem>> -> memref<96xi32, #tpu.memory_space<vmem>>
      %dma_start3A_340 = arith.constant 0 : i32
      %dma_start3A_341 = arith.constant 0 : i32
      %dma_start3A_342 = tpu.memref_slice %arg5[%dma_start3A_340, %dma_start3A_341] : memref<20016x128xf32, #tpu.memory_space<hbm>> -> memref<20016x128xf32, #tpu.memory_space<hbm>>
      tpu.enqueue_indirect_dma source(%dma_start3A_342 : memref<20016x128xf32, #tpu.memory_space<hbm>>) target(%arg23 : memref<96x128xf32, #tpu.memory_space<vmem>>) offsets(%dma_start3A_339 : memref<96xi32, #tpu.memory_space<vmem>>) semaphore(%arg27 : memref<!tpu.dma_semaphore, #tpu.memory_space<semaphore_mem>>)
      %dma_start3A_343 = arith.constant 0 : i32
      %dma_start3A_344 = arith.constant 0 : i32
      %dma_start3A_345 = tpu.memref_slice %arg6[%dma_start3A_343, %dma_start3A_344] : memref<20016x128xf32, #tpu.memory_space<hbm>> -> memref<20016x128xf32, #tpu.memory_space<hbm>>
      tpu.enqueue_indirect_dma source(%dma_start3A_345 : memref<20016x128xf32, #tpu.memory_space<hbm>>) target(%arg24 : memref<96x128xf32, #tpu.memory_space<vmem>>) offsets(%arg20 : memref<96xi32, #tpu.memory_space<vmem>>) semaphore(%arg28 : memref<!tpu.dma_semaphore, #tpu.memory_space<semaphore_mem>>)
      %eq3A_346 = arith.constant 0 : i32
      %eq3A_347 = arith.cmpi eq, %arg0, %eq3A_346 : i32
      %convert_element_type3A_348 = arith.extui %eq3A_347 : i1 to i32
      %cond3A_349 = arith.constant 0 : i32
      %cond3A_350 = arith.cmpi ne, %convert_element_type3A_348, %cond3A_349 : i32
      scf.if %cond3A_350 {
        %dma_start3A_390 = arith.constant 0 : i32
        %dma_start3A_391 = tpu.memref_slice %arg19[%dma_start3A_390] : memref<256xi32, #tpu.memory_space<vmem>> -> memref<96xi32, #tpu.memory_space<vmem>>
        %dma_start3A_392 = arith.constant 0 : i32
        %dma_start3A_393 = arith.constant 0 : i32
        %dma_start3A_394 = tpu.memref_slice %arg7[%dma_start3A_392, %dma_start3A_393] : memref<160000x128xf32, #tpu.memory_space<hbm>> -> memref<160000x128xf32, #tpu.memory_space<hbm>>
        tpu.enqueue_indirect_dma source(%dma_start3A_394 : memref<160000x128xf32, #tpu.memory_space<hbm>>) target(%arg25 : memref<96x128xf32, #tpu.memory_space<vmem>>) offsets(%dma_start3A_391 : memref<96xi32, #tpu.memory_space<vmem>>) semaphore(%arg29 : memref<!tpu.dma_semaphore, #tpu.memory_space<semaphore_mem>>)
      } else {
      }
      %eq3A_351 = arith.constant 1 : i32
      %eq3A_352 = arith.cmpi eq, %arg0, %eq3A_351 : i32
      %convert_element_type3A_353 = arith.extui %eq3A_352 : i1 to i32
      %cond3A_354 = arith.constant 0 : i32
      %cond3A_355 = arith.cmpi ne, %convert_element_type3A_353, %cond3A_354 : i32
      scf.if %cond3A_355 {
        %dma_start3A_390 = arith.constant 0 : i32
        %dma_start3A_391 = tpu.memref_slice %arg19[%dma_start3A_390] : memref<256xi32, #tpu.memory_space<vmem>> -> memref<96xi32, #tpu.memory_space<vmem>>
        %dma_start3A_392 = arith.constant 0 : i32
        %dma_start3A_393 = arith.constant 0 : i32
        %dma_start3A_394 = tpu.memref_slice %arg8[%dma_start3A_392, %dma_start3A_393] : memref<160000x128xf32, #tpu.memory_space<hbm>> -> memref<160000x128xf32, #tpu.memory_space<hbm>>
        tpu.enqueue_indirect_dma source(%dma_start3A_394 : memref<160000x128xf32, #tpu.memory_space<hbm>>) target(%arg25 : memref<96x128xf32, #tpu.memory_space<vmem>>) offsets(%dma_start3A_391 : memref<96xi32, #tpu.memory_space<vmem>>) semaphore(%arg29 : memref<!tpu.dma_semaphore, #tpu.memory_space<semaphore_mem>>)
      } else {
      }
      %dma_wait3A = arith.constant 0 : i32
      %dma_wait3A_356 = tpu.memref_slice %arg17[%dma_wait3A] : memref<256xi32, #tpu.memory_space<vmem>> -> memref<96xi32, #tpu.memory_space<vmem>>
      %dma_wait3A_357 = arith.constant 0 : i32
      %dma_wait3A_358 = arith.constant 0 : i32
      %dma_wait3A_359 = tpu.memref_slice %arg5[%dma_wait3A_357, %dma_wait3A_358] : memref<20016x128xf32, #tpu.memory_space<hbm>> -> memref<20016x128xf32, #tpu.memory_space<hbm>>
      tpu.wait_indirect_dma semaphore(%arg27 : memref<!tpu.dma_semaphore, #tpu.memory_space<semaphore_mem>>) src(%dma_wait3A_359 : memref<20016x128xf32, #tpu.memory_space<hbm>>) dst(%arg23 : memref<96x128xf32, #tpu.memory_space<vmem>>)
      %dma_wait3A_360 = arith.constant 0 : i32
      %dma_wait3A_361 = arith.constant 0 : i32
      %dma_wait3A_362 = tpu.memref_slice %arg6[%dma_wait3A_360, %dma_wait3A_361] : memref<20016x128xf32, #tpu.memory_space<hbm>> -> memref<20016x128xf32, #tpu.memory_space<hbm>>
      tpu.wait_indirect_dma semaphore(%arg28 : memref<!tpu.dma_semaphore, #tpu.memory_space<semaphore_mem>>) src(%dma_wait3A_362 : memref<20016x128xf32, #tpu.memory_space<hbm>>) dst(%arg24 : memref<96x128xf32, #tpu.memory_space<vmem>>)
      %dma_wait3A_363 = arith.constant 0 : i32
      %dma_wait3A_364 = tpu.memref_slice %arg19[%dma_wait3A_363] : memref<256xi32, #tpu.memory_space<vmem>> -> memref<96xi32, #tpu.memory_space<vmem>>
      %dma_wait3A_365 = arith.constant 0 : i32
      %dma_wait3A_366 = arith.constant 0 : i32
      %dma_wait3A_367 = tpu.memref_slice %arg7[%dma_wait3A_365, %dma_wait3A_366] : memref<160000x128xf32, #tpu.memory_space<hbm>> -> memref<160000x128xf32, #tpu.memory_space<hbm>>
      tpu.wait_indirect_dma semaphore(%arg29 : memref<!tpu.dma_semaphore, #tpu.memory_space<semaphore_mem>>) src(%dma_wait3A_367 : memref<160000x128xf32, #tpu.memory_space<hbm>>) dst(%arg25 : memref<96x128xf32, #tpu.memory_space<vmem>>)
      %scan3A_368 = arith.constant 0 : i32
      %scan3A_369 = arith.constant 0 : i32
      %scan3A_370 = arith.constant 96 : i32
      %scan3A_371 = arith.addi %scan3A_369, %scan3A_370 : i32
      %scan3A_372 = arith.constant 1 : i32
      %scan3A_373 = scf.for %scan3A_390 = %scan3A_369 to %scan3A_371 step %scan3A_372 iter_args(%scan3A_391 = %scan3A_368) -> (i32)  : i32 {
        %get3A_392 = arith.index_cast %scan3A_390 : i32 to index
        %get3A_393 = arith.constant 0 : index
        %get3A_394 = tpu.vector_load %arg23[%get3A_392, %get3A_393] {strides = array<i32>} : memref<96x128xf32, #tpu.memory_space<vmem>>, vector<16xf32>,
        %get3A_395 = arith.index_cast %scan3A_390 : i32 to index
        %get3A_396 = arith.constant 0 : index
        %get3A_397 = tpu.vector_load %arg24[%get3A_395, %get3A_396] {strides = array<i32>} : memref<96x128xf32, #tpu.memory_space<vmem>>, vector<16xf32>,
        %add3A_398 = arith.addf %get3A_394, %get3A_397 : vector<16xf32>
        %get3A_399 = arith.index_cast %scan3A_390 : i32 to index
        %get3A_400 = arith.constant 0 : index
        %get3A_401 = tpu.vector_load %arg25[%get3A_399, %get3A_400] {strides = array<i32>} : memref<96x128xf32, #tpu.memory_space<vmem>>, vector<16xf32>,
        %add3A_402 = arith.addf %add3A_398, %get3A_401 : vector<16xf32>
        %mul3A_403 = arith.constant 0.00999999977 : f32
        %mul3A_404 = vector.broadcast %mul3A_403 : f32 to vector<16xf32>
        %mul3A_405 = arith.mulf %add3A_402, %mul3A_404 : vector<16xf32>
        %max3A_406 = arith.maximumf %add3A_402, %mul3A_405 : vector<16xf32>
        %swap3A_407 = arith.index_cast %scan3A_390 : i32 to index
        %swap3A_408 = arith.constant 0 : index
        %swap3A_409 = tpu.vector_load %arg23[%swap3A_407, %swap3A_408] {strides = array<i32>} : memref<96x128xf32, #tpu.memory_space<vmem>>, vector<16xf32>,
        tpu.vector_store %arg23[%swap3A_407, %swap3A_408], %max3A_406 {strides = array<i32>} : memref<96x128xf32, #tpu.memory_space<vmem>>, vector<16xf32>,
        %get3A_410 = arith.index_cast %scan3A_390 : i32 to index
        %get3A_411 = arith.constant 16 : index
        %get3A_412 = tpu.vector_load %arg23[%get3A_410, %get3A_411] {strides = array<i32>} : memref<96x128xf32, #tpu.memory_space<vmem>>, vector<16xf32>,
        %get3A_413 = arith.index_cast %scan3A_390 : i32 to index
        %get3A_414 = arith.constant 16 : index
        %get3A_415 = tpu.vector_load %arg24[%get3A_413, %get3A_414] {strides = array<i32>} : memref<96x128xf32, #tpu.memory_space<vmem>>, vector<16xf32>,
        %add3A_416 = arith.addf %get3A_412, %get3A_415 : vector<16xf32>
        %get3A_417 = arith.index_cast %scan3A_390 : i32 to index
        %get3A_418 = arith.constant 16 : index
        %get3A_419 = tpu.vector_load %arg25[%get3A_417, %get3A_418] {strides = array<i32>} : memref<96x128xf32, #tpu.memory_space<vmem>>, vector<16xf32>,
        %add3A_420 = arith.addf %add3A_416, %get3A_419 : vector<16xf32>
        %mul3A_421 = arith.constant 0.00999999977 : f32
        %mul3A_422 = vector.broadcast %mul3A_421 : f32 to vector<16xf32>
        %mul3A_423 = arith.mulf %add3A_420, %mul3A_422 : vector<16xf32>
        %max3A_424 = arith.maximumf %add3A_420, %mul3A_423 : vector<16xf32>
        %swap3A_425 = arith.index_cast %scan3A_390 : i32 to index
        %swap3A_426 = arith.constant 16 : index
        %swap3A_427 = tpu.vector_load %arg23[%swap3A_425, %swap3A_426] {strides = array<i32>} : memref<96x128xf32, #tpu.memory_space<vmem>>, vector<16xf32>,
        tpu.vector_store %arg23[%swap3A_425, %swap3A_426], %max3A_424 {strides = array<i32>} : memref<96x128xf32, #tpu.memory_space<vmem>>, vector<16xf32>,
        %get3A_428 = arith.index_cast %scan3A_390 : i32 to index
        %get3A_429 = arith.constant 32 : index
        %get3A_430 = tpu.vector_load %arg23[%get3A_428, %get3A_429] {strides = array<i32>} : memref<96x128xf32, #tpu.memory_space<vmem>>, vector<16xf32>,
        %get3A_431 = arith.index_cast %scan3A_390 : i32 to index
        %get3A_432 = arith.constant 32 : index
        %get3A_433 = tpu.vector_load %arg24[%get3A_431, %get3A_432] {strides = array<i32>} : memref<96x128xf32, #tpu.memory_space<vmem>>, vector<16xf32>,
        %add3A_434 = arith.addf %get3A_430, %get3A_433 : vector<16xf32>
        %get3A_435 = arith.index_cast %scan3A_390 : i32 to index
        %get3A_436 = arith.constant 32 : index
        %get3A_437 = tpu.vector_load %arg25[%get3A_435, %get3A_436] {strides = array<i32>} : memref<96x128xf32, #tpu.memory_space<vmem>>, vector<16xf32>,
        %add3A_438 = arith.addf %add3A_434, %get3A_437 : vector<16xf32>
        %mul3A_439 = arith.constant 0.00999999977 : f32
        %mul3A_440 = vector.broadcast %mul3A_439 : f32 to vector<16xf32>
        %mul3A_441 = arith.mulf %add3A_438, %mul3A_440 : vector<16xf32>
        %max3A_442 = arith.maximumf %add3A_438, %mul3A_441 : vector<16xf32>
        %swap3A_443 = arith.index_cast %scan3A_390 : i32 to index
        %swap3A_444 = arith.constant 32 : index
        %swap3A_445 = tpu.vector_load %arg23[%swap3A_443, %swap3A_444] {strides = array<i32>} : memref<96x128xf32, #tpu.memory_space<vmem>>, vector<16xf32>,
        tpu.vector_store %arg23[%swap3A_443, %swap3A_444], %max3A_442 {strides = array<i32>} : memref<96x128xf32, #tpu.memory_space<vmem>>, vector<16xf32>,
        %get3A_446 = arith.index_cast %scan3A_390 : i32 to index
        %get3A_447 = arith.constant 48 : index
        %get3A_448 = tpu.vector_load %arg23[%get3A_446, %get3A_447] {strides = array<i32>} : memref<96x128xf32, #tpu.memory_space<vmem>>, vector<16xf32>,
        %get3A_449 = arith.index_cast %scan3A_390 : i32 to index
        %get3A_450 = arith.constant 48 : index
        %get3A_451 = tpu.vector_load %arg24[%get3A_449, %get3A_450] {strides = array<i32>} : memref<96x128xf32, #tpu.memory_space<vmem>>, vector<16xf32>,
        %add3A_452 = arith.addf %get3A_448, %get3A_451 : vector<16xf32>
        %get3A_453 = arith.index_cast %scan3A_390 : i32 to index
        %get3A_454 = arith.constant 48 : index
        %get3A_455 = tpu.vector_load %arg25[%get3A_453, %get3A_454] {strides = array<i32>} : memref<96x128xf32, #tpu.memory_space<vmem>>, vector<16xf32>,
        %add3A_456 = arith.addf %add3A_452, %get3A_455 : vector<16xf32>
        %mul3A_457 = arith.constant 0.00999999977 : f32
        %mul3A_458 = vector.broadcast %mul3A_457 : f32 to vector<16xf32>
        %mul3A_459 = arith.mulf %add3A_456, %mul3A_458 : vector<16xf32>
        %max3A_460 = arith.maximumf %add3A_456, %mul3A_459 : vector<16xf32>
        %swap3A_461 = arith.index_cast %scan3A_390 : i32 to index
        %swap3A_462 = arith.constant 48 : index
        %swap3A_463 = tpu.vector_load %arg23[%swap3A_461, %swap3A_462] {strides = array<i32>} : memref<96x128xf32, #tpu.memory_space<vmem>>, vector<16xf32>,
        tpu.vector_store %arg23[%swap3A_461, %swap3A_462], %max3A_460 {strides = array<i32>} : memref<96x128xf32, #tpu.memory_space<vmem>>, vector<16xf32>,
        %get3A_464 = arith.index_cast %scan3A_390 : i32 to index
        %get3A_465 = arith.constant 64 : index
        %get3A_466 = tpu.vector_load %arg23[%get3A_464, %get3A_465] {strides = array<i32>} : memref<96x128xf32, #tpu.memory_space<vmem>>, vector<16xf32>,
        %get3A_467 = arith.index_cast %scan3A_390 : i32 to index
        %get3A_468 = arith.constant 64 : index
        %get3A_469 = tpu.vector_load %arg24[%get3A_467, %get3A_468] {strides = array<i32>} : memref<96x128xf32, #tpu.memory_space<vmem>>, vector<16xf32>,
        %add3A_470 = arith.addf %get3A_466, %get3A_469 : vector<16xf32>
        %get3A_471 = arith.index_cast %scan3A_390 : i32 to index
        %get3A_472 = arith.constant 64 : index
        %get3A_473 = tpu.vector_load %arg25[%get3A_471, %get3A_472] {strides = array<i32>} : memref<96x128xf32, #tpu.memory_space<vmem>>, vector<16xf32>,
        %add3A_474 = arith.addf %add3A_470, %get3A_473 : vector<16xf32>
        %mul3A_475 = arith.constant 0.00999999977 : f32
        %mul3A_476 = vector.broadcast %mul3A_475 : f32 to vector<16xf32>
        %mul3A_477 = arith.mulf %add3A_474, %mul3A_476 : vector<16xf32>
        %max3A_478 = arith.maximumf %add3A_474, %mul3A_477 : vector<16xf32>
        %swap3A_479 = arith.index_cast %scan3A_390 : i32 to index
        %swap3A_480 = arith.constant 64 : index
        %swap3A_481 = tpu.vector_load %arg23[%swap3A_479, %swap3A_480] {strides = array<i32>} : memref<96x128xf32, #tpu.memory_space<vmem>>, vector<16xf32>,
        tpu.vector_store %arg23[%swap3A_479, %swap3A_480], %max3A_478 {strides = array<i32>} : memref<96x128xf32, #tpu.memory_space<vmem>>, vector<16xf32>,
        %get3A_482 = arith.index_cast %scan3A_390 : i32 to index
        %get3A_483 = arith.constant 80 : index
        %get3A_484 = tpu.vector_load %arg23[%get3A_482, %get3A_483] {strides = array<i32>} : memref<96x128xf32, #tpu.memory_space<vmem>>, vector<16xf32>,
        %get3A_485 = arith.index_cast %scan3A_390 : i32 to index
        %get3A_486 = arith.constant 80 : index
        %get3A_487 = tpu.vector_load %arg24[%get3A_485, %get3A_486] {strides = array<i32>} : memref<96x128xf32, #tpu.memory_space<vmem>>, vector<16xf32>,
        %add3A_488 = arith.addf %get3A_484, %get3A_487 : vector<16xf32>
        %get3A_489 = arith.index_cast %scan3A_390 : i32 to index
        %get3A_490 = arith.constant 80 : index
        %get3A_491 = tpu.vector_load %arg25[%get3A_489, %get3A_490] {strides = array<i32>} : memref<96x128xf32, #tpu.memory_space<vmem>>, vector<16xf32>,
        %add3A_492 = arith.addf %add3A_488, %get3A_491 : vector<16xf32>
        %mul3A_493 = arith.constant 0.00999999977 : f32
        %mul3A_494 = vector.broadcast %mul3A_493 : f32 to vector<16xf32>
        %mul3A_495 = arith.mulf %add3A_492, %mul3A_494 : vector<16xf32>
        %max3A_496 = arith.maximumf %add3A_492, %mul3A_495 : vector<16xf32>
        %swap3A_497 = arith.index_cast %scan3A_390 : i32 to index
        %swap3A_498 = arith.constant 80 : index
        %swap3A_499 = tpu.vector_load %arg23[%swap3A_497, %swap3A_498] {strides = array<i32>} : memref<96x128xf32, #tpu.memory_space<vmem>>, vector<16xf32>,
        tpu.vector_store %arg23[%swap3A_497, %swap3A_498], %max3A_496 {strides = array<i32>} : memref<96x128xf32, #tpu.memory_space<vmem>>, vector<16xf32>,
        %get3A_500 = arith.index_cast %scan3A_390 : i32 to index
        %get3A_501 = arith.constant 96 : index
        %get3A_502 = tpu.vector_load %arg23[%get3A_500, %get3A_501] {strides = array<i32>} : memref<96x128xf32, #tpu.memory_space<vmem>>, vector<16xf32>,
        %get3A_503 = arith.index_cast %scan3A_390 : i32 to index
        %get3A_504 = arith.constant 96 : index
        %get3A_505 = tpu.vector_load %arg24[%get3A_503, %get3A_504] {strides = array<i32>} : memref<96x128xf32, #tpu.memory_space<vmem>>, vector<16xf32>,
        %add3A_506 = arith.addf %get3A_502, %get3A_505 : vector<16xf32>
        %get3A_507 = arith.index_cast %scan3A_390 : i32 to index
        %get3A_508 = arith.constant 96 : index
        %get3A_509 = tpu.vector_load %arg25[%get3A_507, %get3A_508] {strides = array<i32>} : memref<96x128xf32, #tpu.memory_space<vmem>>, vector<16xf32>,
        %add3A_510 = arith.addf %add3A_506, %get3A_509 : vector<16xf32>
        %mul3A_511 = arith.constant 0.00999999977 : f32
        %mul3A_512 = vector.broadcast %mul3A_511 : f32 to vector<16xf32>
        %mul3A_513 = arith.mulf %add3A_510, %mul3A_512 : vector<16xf32>
        %max3A_514 = arith.maximumf %add3A_510, %mul3A_513 : vector<16xf32>
        %swap3A_515 = arith.index_cast %scan3A_390 : i32 to index
        %swap3A_516 = arith.constant 96 : index
        %swap3A_517 = tpu.vector_load %arg23[%swap3A_515, %swap3A_516] {strides = array<i32>} : memref<96x128xf32, #tpu.memory_space<vmem>>, vector<16xf32>,
        tpu.vector_store %arg23[%swap3A_515, %swap3A_516], %max3A_514 {strides = array<i32>} : memref<96x128xf32, #tpu.memory_space<vmem>>, vector<16xf32>,
        %get3A_518 = arith.index_cast %scan3A_390 : i32 to index
        %get3A_519 = arith.constant 112 : index
        %get3A_520 = tpu.vector_load %arg23[%get3A_518, %get3A_519] {strides = array<i32>} : memref<96x128xf32, #tpu.memory_space<vmem>>, vector<16xf32>,
        %get3A_521 = arith.index_cast %scan3A_390 : i32 to index
        %get3A_522 = arith.constant 112 : index
        %get3A_523 = tpu.vector_load %arg24[%get3A_521, %get3A_522] {strides = array<i32>} : memref<96x128xf32, #tpu.memory_space<vmem>>, vector<16xf32>,
        %add3A_524 = arith.addf %get3A_520, %get3A_523 : vector<16xf32>
        %get3A_525 = arith.index_cast %scan3A_390 : i32 to index
        %get3A_526 = arith.constant 112 : index
        %get3A_527 = tpu.vector_load %arg25[%get3A_525, %get3A_526] {strides = array<i32>} : memref<96x128xf32, #tpu.memory_space<vmem>>, vector<16xf32>,
        %add3A_528 = arith.addf %add3A_524, %get3A_527 : vector<16xf32>
        %mul3A_529 = arith.constant 0.00999999977 : f32
        %mul3A_530 = vector.broadcast %mul3A_529 : f32 to vector<16xf32>
        %mul3A_531 = arith.mulf %add3A_528, %mul3A_530 : vector<16xf32>
        %max3A_532 = arith.maximumf %add3A_528, %mul3A_531 : vector<16xf32>
        %swap3A_533 = arith.index_cast %scan3A_390 : i32 to index
        %swap3A_534 = arith.constant 112 : index
        %swap3A_535 = tpu.vector_load %arg23[%swap3A_533, %swap3A_534] {strides = array<i32>} : memref<96x128xf32, #tpu.memory_space<vmem>>, vector<16xf32>,
        tpu.vector_store %arg23[%swap3A_533, %swap3A_534], %max3A_532 {strides = array<i32>} : memref<96x128xf32, #tpu.memory_space<vmem>>, vector<16xf32>,
        %scan3A_536 = arith.constant 0 : i32
        scf.yield %scan3A_536 : i32
      }
      %scan3A_374 = arith.constant 96 : i32
      %run_scoped3A = arith.constant 0 : i32
      "tpu.region"() ({
        %run_scoped3A_390 = tpu.sem_alloc : memref<!tpu.dma_semaphore, #tpu.memory_space<semaphore_mem>>
        %dma_start3A_391 = arith.constant 0 : i32
        %dma_start3A_392 = tpu.memref_slice %arg21[%run_scoped3A, %dma_start3A_391] : memref<1x96xi32, #tpu.memory_space<vmem>> -> memref<1x96xi32, #tpu.memory_space<vmem>>
        %dma_start3A_393 = tpu.memref_squeeze %dma_start3A_392 : memref<1x96xi32, #tpu.memory_space<vmem>> -> memref<96xi32, #tpu.memory_space<vmem>>
        %dma_start3A_394 = arith.constant 0 : i32
        %dma_start3A_395 = arith.constant 0 : i32
        %dma_start3A_396 = tpu.memref_slice %arg26[%dma_start3A_394, %dma_start3A_395] : memref<5008x128xf32, #tpu.memory_space<vmem_shared>> -> memref<5008x128xf32, #tpu.memory_space<vmem_shared>>
        tpu.enqueue_indirect_dma source(%arg23 : memref<96x128xf32, #tpu.memory_space<vmem>>) target(%dma_start3A_396 : memref<5008x128xf32, #tpu.memory_space<vmem_shared>>) offsets(%dma_start3A_393 : memref<96xi32, #tpu.memory_space<vmem>>) semaphore(%run_scoped3A_390 : memref<!tpu.dma_semaphore, #tpu.memory_space<semaphore_mem>>) {add = true}
        %dma_wait3A_397 = arith.constant 0 : i32
        %dma_wait3A_398 = tpu.memref_slice %arg21[%run_scoped3A, %dma_wait3A_397] : memref<1x96xi32, #tpu.memory_space<vmem>> -> memref<1x96xi32, #tpu.memory_space<vmem>>
        %dma_wait3A_399 = tpu.memref_squeeze %dma_wait3A_398 : memref<1x96xi32, #tpu.memory_space<vmem>> -> memref<96xi32, #tpu.memory_space<vmem>>
        %dma_wait3A_400 = arith.constant 0 : i32
        %dma_wait3A_401 = arith.constant 0 : i32
        %dma_wait3A_402 = tpu.memref_slice %arg26[%dma_wait3A_400, %dma_wait3A_401] : memref<5008x128xf32, #tpu.memory_space<vmem_shared>> -> memref<5008x128xf32, #tpu.memory_space<vmem_shared>>
        tpu.wait_indirect_dma semaphore(%run_scoped3A_390 : memref<!tpu.dma_semaphore, #tpu.memory_space<semaphore_mem>>) src(%arg23 : memref<96x128xf32, #tpu.memory_space<vmem>>) dst(%dma_wait3A_402 : memref<5008x128xf32, #tpu.memory_space<vmem_shared>>)
        tpu.yield
      }) : () -> ()
      %get3A_375 = arith.constant 96 : index
      %get3A_376 = tpu.vector_load %arg17[%get3A_375] {strides = array<i32>} : memref<256xi32, #tpu.memory_space<vmem>>, vector<16xi32>,
      %swap3A_377 = arith.constant 0 : index
      %swap3A_378 = tpu.vector_load %arg17[%swap3A_377] {strides = array<i32>} : memref<256xi32, #tpu.memory_space<vmem>>, vector<16xi32>,
      tpu.vector_store %arg17[%swap3A_377], %get3A_376 {strides = array<i32>} : memref<256xi32, #tpu.memory_space<vmem>>, vector<16xi32>,
      %get3A_379 = arith.constant 96 : index
      %get3A_380 = tpu.vector_load %arg18[%get3A_379] {strides = array<i32>} : memref<256xi32, #tpu.memory_space<vmem>>, vector<16xi32>,
      %swap3A_381 = arith.constant 0 : index
      %swap3A_382 = tpu.vector_load %arg18[%swap3A_381] {strides = array<i32>} : memref<256xi32, #tpu.memory_space<vmem>>, vector<16xi32>,
      tpu.vector_store %arg18[%swap3A_381], %get3A_380 {strides = array<i32>} : memref<256xi32, #tpu.memory_space<vmem>>, vector<16xi32>,
      %get3A_383 = arith.constant 96 : index
      %get3A_384 = tpu.vector_load %arg19[%get3A_383] {strides = array<i32>} : memref<256xi32, #tpu.memory_space<vmem>>, vector<16xi32>,
      %swap3A_385 = arith.constant 0 : index
      %swap3A_386 = tpu.vector_load %arg19[%swap3A_385] {strides = array<i32>} : memref<256xi32, #tpu.memory_space<vmem>>, vector<16xi32>,
      tpu.vector_store %arg19[%swap3A_385], %get3A_384 {strides = array<i32>} : memref<256xi32, #tpu.memory_space<vmem>>, vector<16xi32>,
      %sub3A_387 = arith.constant 96 : i32
      %sub3A_388 = arith.subi %while3A_183#1, %sub3A_387 : i32
      %max3A = arith.constant 0 : i32
      %max3A_389 = arith.maxsi %sub3A_388, %max3A : i32
      scf.yield %while3A_183#0, %max3A_389 : i32, i32
    }
    %while3A_171 = arith.constant 1 : i32
    %while3A_172:2 = scf.for %while3A_180 = %while3A_168 to %while3A_164 step %while3A_171 iter_args(%while3A_181 = %while3A_170#0, %while3A_182 = %while3A_170#1) -> (i32, i32)  : i32 {
      %while3A_183:2 = scf.while (%while3A_390 = %while3A_181, %while3A_391 = %while3A_182) : (i32, i32) -> (i32, i32) {
        %lt3A_392 = arith.constant 96 : i32
        %lt3A_393 = arith.cmpi slt, %while3A_391, %lt3A_392 : i32
        %lt3A_394 = arith.cmpi slt, %while3A_390, %select_n3A : i32
        %and3A_395 = arith.andi %lt3A_393, %lt3A_394 : i1
        scf.condition(%and3A_395) %while3A_390, %while3A_391 : i32, i32
      } do {
      ^bb0(%while3A_390: i32, %while3A_391: i32):
        %mul3A_392 = arith.constant 16 : i32
        %mul3A_393 = arith.muli %while3A_390, %mul3A_392 : i32
        %get3A_394 = arith.index_cast %mul3A_393 : i32 to index
        %get3A_395 = tpu.vector_load %arg15[%get3A_394] {strides = array<i32>} : memref<10032xi32, #tpu.memory_space<vmem>>, vector<16xi32>,
        %mul3A_396 = arith.constant 16 : i32
        %mul3A_397 = arith.muli %while3A_390, %mul3A_396 : i32
        %get3A_398 = arith.index_cast %mul3A_397 : i32 to index
        %get3A_399 = tpu.vector_load %arg16[%get3A_398] {strides = array<i32>} : memref<10032xi32, #tpu.memory_space<vmem>>, vector<16xi32>,
        %shift_right_arithmetic3A = arith.constant 14 : i32
        %shift_right_arithmetic3A_400 = vector.broadcast %shift_right_arithmetic3A : i32 to vector<16xi32>
        %shift_right_arithmetic3A_401 = arith.shrsi %get3A_395, %shift_right_arithmetic3A_400 : vector<16xi32>
        %and3A_402 = arith.constant 16383 : i32
        %and3A_403 = vector.broadcast %and3A_402 : i32 to vector<16xi32>
        %and3A_404 = arith.andi %get3A_395, %and3A_403 : vector<16xi32>
        %sub3A_405 = arith.constant 5000 : i32
        %sub3A_406 = vector.broadcast %sub3A_405 : i32 to vector<16xi32>
        %sub3A_407 = arith.subi %and3A_404, %sub3A_406 : vector<16xi32>
        %ge3A = arith.constant 0 : i32
        %ge3A_408 = vector.broadcast %ge3A : i32 to vector<16xi32>
        %ge3A_409 = arith.cmpi sge, %sub3A_407, %ge3A_408 : vector<16xi32>
        %lt3A_410 = arith.constant 5000 : i32
        %lt3A_411 = vector.broadcast %lt3A_410 : i32 to vector<16xi32>
        %lt3A_412 = arith.cmpi slt, %sub3A_407, %lt3A_411 : vector<16xi32>
        %and3A_413 = arith.andi %ge3A_409, %lt3A_412 : vector<16xi1>
        %add3A_414 = vector.broadcast %mul3A_0 : i32 to vector<16xi32>
        %add3A_415 = arith.addi %shift_right_arithmetic3A_401, %add3A_414 : vector<16xi32>
        %swap3A_416 = arith.index_cast %while3A_391 : i32 to index
        %swap3A_417 = tpu.vector_load %arg17[%swap3A_416] masked %and3A_413 {strides = array<i32>} : memref<256xi32, #tpu.memory_space<vmem>>, vector<16xi32>, vector<16xi1>
        tpu.vector_store %arg17[%swap3A_416], %add3A_415 masked %and3A_413 {strides = array<i32>} : memref<256xi32, #tpu.memory_space<vmem>>, vector<16xi32>, vector<16xi1>
        %swap3A_418 = arith.index_cast %while3A_391 : i32 to index
        %swap3A_419 = tpu.vector_load %arg18[%swap3A_418] masked %and3A_413 {strides = array<i32>} : memref<256xi32, #tpu.memory_space<vmem>>, vector<16xi32>, vector<16xi1>
        tpu.vector_store %arg18[%swap3A_418], %sub3A_407 masked %and3A_413 {strides = array<i32>} : memref<256xi32, #tpu.memory_space<vmem>>, vector<16xi32>, vector<16xi1>
        %swap3A_420 = arith.index_cast %while3A_391 : i32 to index
        %swap3A_421 = tpu.vector_load %arg19[%swap3A_420] masked %and3A_413 {strides = array<i32>} : memref<256xi32, #tpu.memory_space<vmem>>, vector<16xi32>, vector<16xi1>
        tpu.vector_store %arg19[%swap3A_420], %get3A_399 masked %and3A_413 {strides = array<i32>} : memref<256xi32, #tpu.memory_space<vmem>>, vector<16xi32>, vector<16xi1>
        %add3A_422 = arith.constant 1 : i32
        %add3A_423 = arith.addi %while3A_390, %add3A_422 : i32
        %convert_element_type3A_424 = arith.extui %and3A_413 : vector<16xi1> to vector<16xi32>
        %reduce_sum3A = arith.constant true
        %reduce_sum3A_425 = vector.broadcast %reduce_sum3A : i1 to vector<16xi1>
        %reduce_sum3A_426 = tpu.scan <sum>, %convert_element_type3A_424 masked %reduce_sum3A_425 : vector<16xi32>, vector<16xi1> -> vector<16xi32>
        %reduce_sum3A_427 = vector.extract %reduce_sum3A_426[15] : i32 from vector<16xi32>
        %add3A_428 = arith.addi %while3A_391, %reduce_sum3A_427 : i32
        scf.yield %add3A_423, %add3A_428 : i32, i32
      }
      %broadcast_in_dim3A_184 = vector.broadcast %mul3A_0 : i32 to vector<16xi32>
      %add3A_185 = arith.constant 0 : i32
      %add3A_186 = arith.addi %while3A_183#1, %add3A_185 : i32
      %swap3A_187 = arith.index_cast %add3A_186 : i32 to index
      %swap3A_188 = tpu.vector_load %arg17[%swap3A_187] {strides = array<i32>} : memref<256xi32, #tpu.memory_space<vmem>>, vector<16xi32>,
      tpu.vector_store %arg17[%swap3A_187], %broadcast_in_dim3A_184 {strides = array<i32>} : memref<256xi32, #tpu.memory_space<vmem>>, vector<16xi32>,
      %broadcast_in_dim3A_189 = arith.constant 5000 : i32
      %broadcast_in_dim3A_190 = vector.broadcast %broadcast_in_dim3A_189 : i32 to vector<16xi32>
      %add3A_191 = arith.constant 0 : i32
      %add3A_192 = arith.addi %while3A_183#1, %add3A_191 : i32
      %swap3A_193 = arith.index_cast %add3A_192 : i32 to index
      %swap3A_194 = tpu.vector_load %arg18[%swap3A_193] {strides = array<i32>} : memref<256xi32, #tpu.memory_space<vmem>>, vector<16xi32>,
      tpu.vector_store %arg18[%swap3A_193], %broadcast_in_dim3A_190 {strides = array<i32>} : memref<256xi32, #tpu.memory_space<vmem>>, vector<16xi32>,
      %broadcast_in_dim3A_195 = vector.broadcast %mul3A_2 : i32 to vector<16xi32>
      %add3A_196 = arith.constant 0 : i32
      %add3A_197 = arith.addi %while3A_183#1, %add3A_196 : i32
      %swap3A_198 = arith.index_cast %add3A_197 : i32 to index
      %swap3A_199 = tpu.vector_load %arg19[%swap3A_198] {strides = array<i32>} : memref<256xi32, #tpu.memory_space<vmem>>, vector<16xi32>,
      tpu.vector_store %arg19[%swap3A_198], %broadcast_in_dim3A_195 {strides = array<i32>} : memref<256xi32, #tpu.memory_space<vmem>>, vector<16xi32>,
      %broadcast_in_dim3A_200 = vector.broadcast %mul3A_0 : i32 to vector<16xi32>
      %add3A_201 = arith.constant 16 : i32
      %add3A_202 = arith.addi %while3A_183#1, %add3A_201 : i32
      %swap3A_203 = arith.index_cast %add3A_202 : i32 to index
      %swap3A_204 = tpu.vector_load %arg17[%swap3A_203] {strides = array<i32>} : memref<256xi32, #tpu.memory_space<vmem>>, vector<16xi32>,
      tpu.vector_store %arg17[%swap3A_203], %broadcast_in_dim3A_200 {strides = array<i32>} : memref<256xi32, #tpu.memory_space<vmem>>, vector<16xi32>,
      %broadcast_in_dim3A_205 = arith.constant 5000 : i32
      %broadcast_in_dim3A_206 = vector.broadcast %broadcast_in_dim3A_205 : i32 to vector<16xi32>
      %add3A_207 = arith.constant 16 : i32
      %add3A_208 = arith.addi %while3A_183#1, %add3A_207 : i32
      %swap3A_209 = arith.index_cast %add3A_208 : i32 to index
      %swap3A_210 = tpu.vector_load %arg18[%swap3A_209] {strides = array<i32>} : memref<256xi32, #tpu.memory_space<vmem>>, vector<16xi32>,
      tpu.vector_store %arg18[%swap3A_209], %broadcast_in_dim3A_206 {strides = array<i32>} : memref<256xi32, #tpu.memory_space<vmem>>, vector<16xi32>,
      %broadcast_in_dim3A_211 = vector.broadcast %mul3A_2 : i32 to vector<16xi32>
      %add3A_212 = arith.constant 16 : i32
      %add3A_213 = arith.addi %while3A_183#1, %add3A_212 : i32
      %swap3A_214 = arith.index_cast %add3A_213 : i32 to index
      %swap3A_215 = tpu.vector_load %arg19[%swap3A_214] {strides = array<i32>} : memref<256xi32, #tpu.memory_space<vmem>>, vector<16xi32>,
      tpu.vector_store %arg19[%swap3A_214], %broadcast_in_dim3A_211 {strides = array<i32>} : memref<256xi32, #tpu.memory_space<vmem>>, vector<16xi32>,
      %broadcast_in_dim3A_216 = vector.broadcast %mul3A_0 : i32 to vector<16xi32>
      %add3A_217 = arith.constant 32 : i32
      %add3A_218 = arith.addi %while3A_183#1, %add3A_217 : i32
      %swap3A_219 = arith.index_cast %add3A_218 : i32 to index
      %swap3A_220 = tpu.vector_load %arg17[%swap3A_219] {strides = array<i32>} : memref<256xi32, #tpu.memory_space<vmem>>, vector<16xi32>,
      tpu.vector_store %arg17[%swap3A_219], %broadcast_in_dim3A_216 {strides = array<i32>} : memref<256xi32, #tpu.memory_space<vmem>>, vector<16xi32>,
      %broadcast_in_dim3A_221 = arith.constant 5000 : i32
      %broadcast_in_dim3A_222 = vector.broadcast %broadcast_in_dim3A_221 : i32 to vector<16xi32>
      %add3A_223 = arith.constant 32 : i32
      %add3A_224 = arith.addi %while3A_183#1, %add3A_223 : i32
      %swap3A_225 = arith.index_cast %add3A_224 : i32 to index
      %swap3A_226 = tpu.vector_load %arg18[%swap3A_225] {strides = array<i32>} : memref<256xi32, #tpu.memory_space<vmem>>, vector<16xi32>,
      tpu.vector_store %arg18[%swap3A_225], %broadcast_in_dim3A_222 {strides = array<i32>} : memref<256xi32, #tpu.memory_space<vmem>>, vector<16xi32>,
      %broadcast_in_dim3A_227 = vector.broadcast %mul3A_2 : i32 to vector<16xi32>
      %add3A_228 = arith.constant 32 : i32
      %add3A_229 = arith.addi %while3A_183#1, %add3A_228 : i32
      %swap3A_230 = arith.index_cast %add3A_229 : i32 to index
      %swap3A_231 = tpu.vector_load %arg19[%swap3A_230] {strides = array<i32>} : memref<256xi32, #tpu.memory_space<vmem>>, vector<16xi32>,
      tpu.vector_store %arg19[%swap3A_230], %broadcast_in_dim3A_227 {strides = array<i32>} : memref<256xi32, #tpu.memory_space<vmem>>, vector<16xi32>,
      %broadcast_in_dim3A_232 = vector.broadcast %mul3A_0 : i32 to vector<16xi32>
      %add3A_233 = arith.constant 48 : i32
      %add3A_234 = arith.addi %while3A_183#1, %add3A_233 : i32
      %swap3A_235 = arith.index_cast %add3A_234 : i32 to index
      %swap3A_236 = tpu.vector_load %arg17[%swap3A_235] {strides = array<i32>} : memref<256xi32, #tpu.memory_space<vmem>>, vector<16xi32>,
      tpu.vector_store %arg17[%swap3A_235], %broadcast_in_dim3A_232 {strides = array<i32>} : memref<256xi32, #tpu.memory_space<vmem>>, vector<16xi32>,
      %broadcast_in_dim3A_237 = arith.constant 5000 : i32
      %broadcast_in_dim3A_238 = vector.broadcast %broadcast_in_dim3A_237 : i32 to vector<16xi32>
      %add3A_239 = arith.constant 48 : i32
      %add3A_240 = arith.addi %while3A_183#1, %add3A_239 : i32
      %swap3A_241 = arith.index_cast %add3A_240 : i32 to index
      %swap3A_242 = tpu.vector_load %arg18[%swap3A_241] {strides = array<i32>} : memref<256xi32, #tpu.memory_space<vmem>>, vector<16xi32>,
      tpu.vector_store %arg18[%swap3A_241], %broadcast_in_dim3A_238 {strides = array<i32>} : memref<256xi32, #tpu.memory_space<vmem>>, vector<16xi32>,
      %broadcast_in_dim3A_243 = vector.broadcast %mul3A_2 : i32 to vector<16xi32>
      %add3A_244 = arith.constant 48 : i32
      %add3A_245 = arith.addi %while3A_183#1, %add3A_244 : i32
      %swap3A_246 = arith.index_cast %add3A_245 : i32 to index
      %swap3A_247 = tpu.vector_load %arg19[%swap3A_246] {strides = array<i32>} : memref<256xi32, #tpu.memory_space<vmem>>, vector<16xi32>,
      tpu.vector_store %arg19[%swap3A_246], %broadcast_in_dim3A_243 {strides = array<i32>} : memref<256xi32, #tpu.memory_space<vmem>>, vector<16xi32>,
      %broadcast_in_dim3A_248 = vector.broadcast %mul3A_0 : i32 to vector<16xi32>
      %add3A_249 = arith.constant 64 : i32
      %add3A_250 = arith.addi %while3A_183#1, %add3A_249 : i32
      %swap3A_251 = arith.index_cast %add3A_250 : i32 to index
      %swap3A_252 = tpu.vector_load %arg17[%swap3A_251] {strides = array<i32>} : memref<256xi32, #tpu.memory_space<vmem>>, vector<16xi32>,
      tpu.vector_store %arg17[%swap3A_251], %broadcast_in_dim3A_248 {strides = array<i32>} : memref<256xi32, #tpu.memory_space<vmem>>, vector<16xi32>,
      %broadcast_in_dim3A_253 = arith.constant 5000 : i32
      %broadcast_in_dim3A_254 = vector.broadcast %broadcast_in_dim3A_253 : i32 to vector<16xi32>
      %add3A_255 = arith.constant 64 : i32
      %add3A_256 = arith.addi %while3A_183#1, %add3A_255 : i32
      %swap3A_257 = arith.index_cast %add3A_256 : i32 to index
      %swap3A_258 = tpu.vector_load %arg18[%swap3A_257] {strides = array<i32>} : memref<256xi32, #tpu.memory_space<vmem>>, vector<16xi32>,
      tpu.vector_store %arg18[%swap3A_257], %broadcast_in_dim3A_254 {strides = array<i32>} : memref<256xi32, #tpu.memory_space<vmem>>, vector<16xi32>,
      %broadcast_in_dim3A_259 = vector.broadcast %mul3A_2 : i32 to vector<16xi32>
      %add3A_260 = arith.constant 64 : i32
      %add3A_261 = arith.addi %while3A_183#1, %add3A_260 : i32
      %swap3A_262 = arith.index_cast %add3A_261 : i32 to index
      %swap3A_263 = tpu.vector_load %arg19[%swap3A_262] {strides = array<i32>} : memref<256xi32, #tpu.memory_space<vmem>>, vector<16xi32>,
      tpu.vector_store %arg19[%swap3A_262], %broadcast_in_dim3A_259 {strides = array<i32>} : memref<256xi32, #tpu.memory_space<vmem>>, vector<16xi32>,
      %broadcast_in_dim3A_264 = vector.broadcast %mul3A_0 : i32 to vector<16xi32>
      %add3A_265 = arith.constant 80 : i32
      %add3A_266 = arith.addi %while3A_183#1, %add3A_265 : i32
      %swap3A_267 = arith.index_cast %add3A_266 : i32 to index
      %swap3A_268 = tpu.vector_load %arg17[%swap3A_267] {strides = array<i32>} : memref<256xi32, #tpu.memory_space<vmem>>, vector<16xi32>,
      tpu.vector_store %arg17[%swap3A_267], %broadcast_in_dim3A_264 {strides = array<i32>} : memref<256xi32, #tpu.memory_space<vmem>>, vector<16xi32>,
      %broadcast_in_dim3A_269 = arith.constant 5000 : i32
      %broadcast_in_dim3A_270 = vector.broadcast %broadcast_in_dim3A_269 : i32 to vector<16xi32>
      %add3A_271 = arith.constant 80 : i32
      %add3A_272 = arith.addi %while3A_183#1, %add3A_271 : i32
      %swap3A_273 = arith.index_cast %add3A_272 : i32 to index
      %swap3A_274 = tpu.vector_load %arg18[%swap3A_273] {strides = array<i32>} : memref<256xi32, #tpu.memory_space<vmem>>, vector<16xi32>,
      tpu.vector_store %arg18[%swap3A_273], %broadcast_in_dim3A_270 {strides = array<i32>} : memref<256xi32, #tpu.memory_space<vmem>>, vector<16xi32>,
      %broadcast_in_dim3A_275 = vector.broadcast %mul3A_2 : i32 to vector<16xi32>
      %add3A_276 = arith.constant 80 : i32
      %add3A_277 = arith.addi %while3A_183#1, %add3A_276 : i32
      %swap3A_278 = arith.index_cast %add3A_277 : i32 to index
      %swap3A_279 = tpu.vector_load %arg19[%swap3A_278] {strides = array<i32>} : memref<256xi32, #tpu.memory_space<vmem>>, vector<16xi32>,
      tpu.vector_store %arg19[%swap3A_278], %broadcast_in_dim3A_275 {strides = array<i32>} : memref<256xi32, #tpu.memory_space<vmem>>, vector<16xi32>,
      %get3A = arith.constant 0 : index
      %get3A_280 = tpu.vector_load %arg18[%get3A] {strides = array<i32>} : memref<256xi32, #tpu.memory_space<vmem>>, vector<16xi32>,
      %swap3A_281 = arith.constant 0 : i32
      %swap3A_282 = arith.index_cast %swap3A_281 : i32 to index
      %swap3A_283 = arith.constant 0 : index
      %swap3A_284 = tpu.vector_load %arg21[%swap3A_282, %swap3A_283] {strides = array<i32>} : memref<1x96xi32, #tpu.memory_space<vmem>>, vector<16xi32>,
      tpu.vector_store %arg21[%swap3A_282, %swap3A_283], %get3A_280 {strides = array<i32>} : memref<1x96xi32, #tpu.memory_space<vmem>>, vector<16xi32>,
      %add3A_285 = vector.broadcast %add3A_119 : i32 to vector<16xi32>
      %add3A_286 = arith.addi %get3A_280, %add3A_285 : vector<16xi32>
      %swap3A_287 = arith.constant 0 : index
      %swap3A_288 = tpu.vector_load %arg20[%swap3A_287] {strides = array<i32>} : memref<96xi32, #tpu.memory_space<vmem>>, vector<16xi32>,
      tpu.vector_store %arg20[%swap3A_287], %add3A_286 {strides = array<i32>} : memref<96xi32, #tpu.memory_space<vmem>>, vector<16xi32>,
      %get3A_289 = arith.constant 16 : index
      %get3A_290 = tpu.vector_load %arg18[%get3A_289] {strides = array<i32>} : memref<256xi32, #tpu.memory_space<vmem>>, vector<16xi32>,
      %swap3A_291 = arith.constant 0 : i32
      %swap3A_292 = arith.index_cast %swap3A_291 : i32 to index
      %swap3A_293 = arith.constant 16 : index
      %swap3A_294 = tpu.vector_load %arg21[%swap3A_292, %swap3A_293] {strides = array<i32>} : memref<1x96xi32, #tpu.memory_space<vmem>>, vector<16xi32>,
      tpu.vector_store %arg21[%swap3A_292, %swap3A_293], %get3A_290 {strides = array<i32>} : memref<1x96xi32, #tpu.memory_space<vmem>>, vector<16xi32>,
      %add3A_295 = vector.broadcast %add3A_119 : i32 to vector<16xi32>
      %add3A_296 = arith.addi %get3A_290, %add3A_295 : vector<16xi32>
      %swap3A_297 = arith.constant 16 : index
      %swap3A_298 = tpu.vector_load %arg20[%swap3A_297] {strides = array<i32>} : memref<96xi32, #tpu.memory_space<vmem>>, vector<16xi32>,
      tpu.vector_store %arg20[%swap3A_297], %add3A_296 {strides = array<i32>} : memref<96xi32, #tpu.memory_space<vmem>>, vector<16xi32>,
      %get3A_299 = arith.constant 32 : index
      %get3A_300 = tpu.vector_load %arg18[%get3A_299] {strides = array<i32>} : memref<256xi32, #tpu.memory_space<vmem>>, vector<16xi32>,
      %swap3A_301 = arith.constant 0 : i32
      %swap3A_302 = arith.index_cast %swap3A_301 : i32 to index
      %swap3A_303 = arith.constant 32 : index
      %swap3A_304 = tpu.vector_load %arg21[%swap3A_302, %swap3A_303] {strides = array<i32>} : memref<1x96xi32, #tpu.memory_space<vmem>>, vector<16xi32>,
      tpu.vector_store %arg21[%swap3A_302, %swap3A_303], %get3A_300 {strides = array<i32>} : memref<1x96xi32, #tpu.memory_space<vmem>>, vector<16xi32>,
      %add3A_305 = vector.broadcast %add3A_119 : i32 to vector<16xi32>
      %add3A_306 = arith.addi %get3A_300, %add3A_305 : vector<16xi32>
      %swap3A_307 = arith.constant 32 : index
      %swap3A_308 = tpu.vector_load %arg20[%swap3A_307] {strides = array<i32>} : memref<96xi32, #tpu.memory_space<vmem>>, vector<16xi32>,
      tpu.vector_store %arg20[%swap3A_307], %add3A_306 {strides = array<i32>} : memref<96xi32, #tpu.memory_space<vmem>>, vector<16xi32>,
      %get3A_309 = arith.constant 48 : index
      %get3A_310 = tpu.vector_load %arg18[%get3A_309] {strides = array<i32>} : memref<256xi32, #tpu.memory_space<vmem>>, vector<16xi32>,
      %swap3A_311 = arith.constant 0 : i32
      %swap3A_312 = arith.index_cast %swap3A_311 : i32 to index
      %swap3A_313 = arith.constant 48 : index
      %swap3A_314 = tpu.vector_load %arg21[%swap3A_312, %swap3A_313] {strides = array<i32>} : memref<1x96xi32, #tpu.memory_space<vmem>>, vector<16xi32>,
      tpu.vector_store %arg21[%swap3A_312, %swap3A_313], %get3A_310 {strides = array<i32>} : memref<1x96xi32, #tpu.memory_space<vmem>>, vector<16xi32>,
      %add3A_315 = vector.broadcast %add3A_119 : i32 to vector<16xi32>
      %add3A_316 = arith.addi %get3A_310, %add3A_315 : vector<16xi32>
      %swap3A_317 = arith.constant 48 : index
      %swap3A_318 = tpu.vector_load %arg20[%swap3A_317] {strides = array<i32>} : memref<96xi32, #tpu.memory_space<vmem>>, vector<16xi32>,
      tpu.vector_store %arg20[%swap3A_317], %add3A_316 {strides = array<i32>} : memref<96xi32, #tpu.memory_space<vmem>>, vector<16xi32>,
      %get3A_319 = arith.constant 64 : index
      %get3A_320 = tpu.vector_load %arg18[%get3A_319] {strides = array<i32>} : memref<256xi32, #tpu.memory_space<vmem>>, vector<16xi32>,
      %swap3A_321 = arith.constant 0 : i32
      %swap3A_322 = arith.index_cast %swap3A_321 : i32 to index
      %swap3A_323 = arith.constant 64 : index
      %swap3A_324 = tpu.vector_load %arg21[%swap3A_322, %swap3A_323] {strides = array<i32>} : memref<1x96xi32, #tpu.memory_space<vmem>>, vector<16xi32>,
      tpu.vector_store %arg21[%swap3A_322, %swap3A_323], %get3A_320 {strides = array<i32>} : memref<1x96xi32, #tpu.memory_space<vmem>>, vector<16xi32>,
      %add3A_325 = vector.broadcast %add3A_119 : i32 to vector<16xi32>
      %add3A_326 = arith.addi %get3A_320, %add3A_325 : vector<16xi32>
      %swap3A_327 = arith.constant 64 : index
      %swap3A_328 = tpu.vector_load %arg20[%swap3A_327] {strides = array<i32>} : memref<96xi32, #tpu.memory_space<vmem>>, vector<16xi32>,
      tpu.vector_store %arg20[%swap3A_327], %add3A_326 {strides = array<i32>} : memref<96xi32, #tpu.memory_space<vmem>>, vector<16xi32>,
      %get3A_329 = arith.constant 80 : index
      %get3A_330 = tpu.vector_load %arg18[%get3A_329] {strides = array<i32>} : memref<256xi32, #tpu.memory_space<vmem>>, vector<16xi32>,
      %swap3A_331 = arith.constant 0 : i32
      %swap3A_332 = arith.index_cast %swap3A_331 : i32 to index
      %swap3A_333 = arith.constant 80 : index
      %swap3A_334 = tpu.vector_load %arg21[%swap3A_332, %swap3A_333] {strides = array<i32>} : memref<1x96xi32, #tpu.memory_space<vmem>>, vector<16xi32>,
      tpu.vector_store %arg21[%swap3A_332, %swap3A_333], %get3A_330 {strides = array<i32>} : memref<1x96xi32, #tpu.memory_space<vmem>>, vector<16xi32>,
      %add3A_335 = vector.broadcast %add3A_119 : i32 to vector<16xi32>
      %add3A_336 = arith.addi %get3A_330, %add3A_335 : vector<16xi32>
      %swap3A_337 = arith.constant 80 : index
      %swap3A_338 = tpu.vector_load %arg20[%swap3A_337] {strides = array<i32>} : memref<96xi32, #tpu.memory_space<vmem>>, vector<16xi32>,
      tpu.vector_store %arg20[%swap3A_337], %add3A_336 {strides = array<i32>} : memref<96xi32, #tpu.memory_space<vmem>>, vector<16xi32>,
      %dma_start3A = arith.constant 0 : i32
      %dma_start3A_339 = tpu.memref_slice %arg17[%dma_start3A] : memref<256xi32, #tpu.memory_space<vmem>> -> memref<96xi32, #tpu.memory_space<vmem>>
      %dma_start3A_340 = arith.constant 0 : i32
      %dma_start3A_341 = arith.constant 0 : i32
      %dma_start3A_342 = tpu.memref_slice %arg5[%dma_start3A_340, %dma_start3A_341] : memref<20016x128xf32, #tpu.memory_space<hbm>> -> memref<20016x128xf32, #tpu.memory_space<hbm>>
      tpu.enqueue_indirect_dma source(%dma_start3A_342 : memref<20016x128xf32, #tpu.memory_space<hbm>>) target(%arg23 : memref<96x128xf32, #tpu.memory_space<vmem>>) offsets(%dma_start3A_339 : memref<96xi32, #tpu.memory_space<vmem>>) semaphore(%arg27 : memref<!tpu.dma_semaphore, #tpu.memory_space<semaphore_mem>>)
      %dma_start3A_343 = arith.constant 0 : i32
      %dma_start3A_344 = arith.constant 0 : i32
      %dma_start3A_345 = tpu.memref_slice %arg6[%dma_start3A_343, %dma_start3A_344] : memref<20016x128xf32, #tpu.memory_space<hbm>> -> memref<20016x128xf32, #tpu.memory_space<hbm>>
      tpu.enqueue_indirect_dma source(%dma_start3A_345 : memref<20016x128xf32, #tpu.memory_space<hbm>>) target(%arg24 : memref<96x128xf32, #tpu.memory_space<vmem>>) offsets(%arg20 : memref<96xi32, #tpu.memory_space<vmem>>) semaphore(%arg28 : memref<!tpu.dma_semaphore, #tpu.memory_space<semaphore_mem>>)
      %eq3A_346 = arith.constant 0 : i32
      %eq3A_347 = arith.cmpi eq, %arg0, %eq3A_346 : i32
      %convert_element_type3A_348 = arith.extui %eq3A_347 : i1 to i32
      %cond3A_349 = arith.constant 0 : i32
      %cond3A_350 = arith.cmpi ne, %convert_element_type3A_348, %cond3A_349 : i32
      scf.if %cond3A_350 {
        %dma_start3A_390 = arith.constant 0 : i32
        %dma_start3A_391 = tpu.memref_slice %arg19[%dma_start3A_390] : memref<256xi32, #tpu.memory_space<vmem>> -> memref<96xi32, #tpu.memory_space<vmem>>
        %dma_start3A_392 = arith.constant 0 : i32
        %dma_start3A_393 = arith.constant 0 : i32
        %dma_start3A_394 = tpu.memref_slice %arg7[%dma_start3A_392, %dma_start3A_393] : memref<160000x128xf32, #tpu.memory_space<hbm>> -> memref<160000x128xf32, #tpu.memory_space<hbm>>
        tpu.enqueue_indirect_dma source(%dma_start3A_394 : memref<160000x128xf32, #tpu.memory_space<hbm>>) target(%arg25 : memref<96x128xf32, #tpu.memory_space<vmem>>) offsets(%dma_start3A_391 : memref<96xi32, #tpu.memory_space<vmem>>) semaphore(%arg29 : memref<!tpu.dma_semaphore, #tpu.memory_space<semaphore_mem>>)
      } else {
      }
      %eq3A_351 = arith.constant 1 : i32
      %eq3A_352 = arith.cmpi eq, %arg0, %eq3A_351 : i32
      %convert_element_type3A_353 = arith.extui %eq3A_352 : i1 to i32
      %cond3A_354 = arith.constant 0 : i32
      %cond3A_355 = arith.cmpi ne, %convert_element_type3A_353, %cond3A_354 : i32
      scf.if %cond3A_355 {
        %dma_start3A_390 = arith.constant 0 : i32
        %dma_start3A_391 = tpu.memref_slice %arg19[%dma_start3A_390] : memref<256xi32, #tpu.memory_space<vmem>> -> memref<96xi32, #tpu.memory_space<vmem>>
        %dma_start3A_392 = arith.constant 0 : i32
        %dma_start3A_393 = arith.constant 0 : i32
        %dma_start3A_394 = tpu.memref_slice %arg8[%dma_start3A_392, %dma_start3A_393] : memref<160000x128xf32, #tpu.memory_space<hbm>> -> memref<160000x128xf32, #tpu.memory_space<hbm>>
        tpu.enqueue_indirect_dma source(%dma_start3A_394 : memref<160000x128xf32, #tpu.memory_space<hbm>>) target(%arg25 : memref<96x128xf32, #tpu.memory_space<vmem>>) offsets(%dma_start3A_391 : memref<96xi32, #tpu.memory_space<vmem>>) semaphore(%arg29 : memref<!tpu.dma_semaphore, #tpu.memory_space<semaphore_mem>>)
      } else {
      }
      %dma_wait3A = arith.constant 0 : i32
      %dma_wait3A_356 = tpu.memref_slice %arg17[%dma_wait3A] : memref<256xi32, #tpu.memory_space<vmem>> -> memref<96xi32, #tpu.memory_space<vmem>>
      %dma_wait3A_357 = arith.constant 0 : i32
      %dma_wait3A_358 = arith.constant 0 : i32
      %dma_wait3A_359 = tpu.memref_slice %arg5[%dma_wait3A_357, %dma_wait3A_358] : memref<20016x128xf32, #tpu.memory_space<hbm>> -> memref<20016x128xf32, #tpu.memory_space<hbm>>
      tpu.wait_indirect_dma semaphore(%arg27 : memref<!tpu.dma_semaphore, #tpu.memory_space<semaphore_mem>>) src(%dma_wait3A_359 : memref<20016x128xf32, #tpu.memory_space<hbm>>) dst(%arg23 : memref<96x128xf32, #tpu.memory_space<vmem>>)
      %dma_wait3A_360 = arith.constant 0 : i32
      %dma_wait3A_361 = arith.constant 0 : i32
      %dma_wait3A_362 = tpu.memref_slice %arg6[%dma_wait3A_360, %dma_wait3A_361] : memref<20016x128xf32, #tpu.memory_space<hbm>> -> memref<20016x128xf32, #tpu.memory_space<hbm>>
      tpu.wait_indirect_dma semaphore(%arg28 : memref<!tpu.dma_semaphore, #tpu.memory_space<semaphore_mem>>) src(%dma_wait3A_362 : memref<20016x128xf32, #tpu.memory_space<hbm>>) dst(%arg24 : memref<96x128xf32, #tpu.memory_space<vmem>>)
      %dma_wait3A_363 = arith.constant 0 : i32
      %dma_wait3A_364 = tpu.memref_slice %arg19[%dma_wait3A_363] : memref<256xi32, #tpu.memory_space<vmem>> -> memref<96xi32, #tpu.memory_space<vmem>>
      %dma_wait3A_365 = arith.constant 0 : i32
      %dma_wait3A_366 = arith.constant 0 : i32
      %dma_wait3A_367 = tpu.memref_slice %arg7[%dma_wait3A_365, %dma_wait3A_366] : memref<160000x128xf32, #tpu.memory_space<hbm>> -> memref<160000x128xf32, #tpu.memory_space<hbm>>
      tpu.wait_indirect_dma semaphore(%arg29 : memref<!tpu.dma_semaphore, #tpu.memory_space<semaphore_mem>>) src(%dma_wait3A_367 : memref<160000x128xf32, #tpu.memory_space<hbm>>) dst(%arg25 : memref<96x128xf32, #tpu.memory_space<vmem>>)
      %scan3A_368 = arith.constant 0 : i32
      %scan3A_369 = arith.constant 0 : i32
      %scan3A_370 = arith.constant 96 : i32
      %scan3A_371 = arith.addi %scan3A_369, %scan3A_370 : i32
      %scan3A_372 = arith.constant 1 : i32
      %scan3A_373 = scf.for %scan3A_390 = %scan3A_369 to %scan3A_371 step %scan3A_372 iter_args(%scan3A_391 = %scan3A_368) -> (i32)  : i32 {
        %get3A_392 = arith.index_cast %scan3A_390 : i32 to index
        %get3A_393 = arith.constant 0 : index
        %get3A_394 = tpu.vector_load %arg23[%get3A_392, %get3A_393] {strides = array<i32>} : memref<96x128xf32, #tpu.memory_space<vmem>>, vector<16xf32>,
        %get3A_395 = arith.index_cast %scan3A_390 : i32 to index
        %get3A_396 = arith.constant 0 : index
        %get3A_397 = tpu.vector_load %arg24[%get3A_395, %get3A_396] {strides = array<i32>} : memref<96x128xf32, #tpu.memory_space<vmem>>, vector<16xf32>,
        %add3A_398 = arith.addf %get3A_394, %get3A_397 : vector<16xf32>
        %get3A_399 = arith.index_cast %scan3A_390 : i32 to index
        %get3A_400 = arith.constant 0 : index
        %get3A_401 = tpu.vector_load %arg25[%get3A_399, %get3A_400] {strides = array<i32>} : memref<96x128xf32, #tpu.memory_space<vmem>>, vector<16xf32>,
        %add3A_402 = arith.addf %add3A_398, %get3A_401 : vector<16xf32>
        %mul3A_403 = arith.constant 0.00999999977 : f32
        %mul3A_404 = vector.broadcast %mul3A_403 : f32 to vector<16xf32>
        %mul3A_405 = arith.mulf %add3A_402, %mul3A_404 : vector<16xf32>
        %max3A_406 = arith.maximumf %add3A_402, %mul3A_405 : vector<16xf32>
        %swap3A_407 = arith.index_cast %scan3A_390 : i32 to index
        %swap3A_408 = arith.constant 0 : index
        %swap3A_409 = tpu.vector_load %arg23[%swap3A_407, %swap3A_408] {strides = array<i32>} : memref<96x128xf32, #tpu.memory_space<vmem>>, vector<16xf32>,
        tpu.vector_store %arg23[%swap3A_407, %swap3A_408], %max3A_406 {strides = array<i32>} : memref<96x128xf32, #tpu.memory_space<vmem>>, vector<16xf32>,
        %get3A_410 = arith.index_cast %scan3A_390 : i32 to index
        %get3A_411 = arith.constant 16 : index
        %get3A_412 = tpu.vector_load %arg23[%get3A_410, %get3A_411] {strides = array<i32>} : memref<96x128xf32, #tpu.memory_space<vmem>>, vector<16xf32>,
        %get3A_413 = arith.index_cast %scan3A_390 : i32 to index
        %get3A_414 = arith.constant 16 : index
        %get3A_415 = tpu.vector_load %arg24[%get3A_413, %get3A_414] {strides = array<i32>} : memref<96x128xf32, #tpu.memory_space<vmem>>, vector<16xf32>,
        %add3A_416 = arith.addf %get3A_412, %get3A_415 : vector<16xf32>
        %get3A_417 = arith.index_cast %scan3A_390 : i32 to index
        %get3A_418 = arith.constant 16 : index
        %get3A_419 = tpu.vector_load %arg25[%get3A_417, %get3A_418] {strides = array<i32>} : memref<96x128xf32, #tpu.memory_space<vmem>>, vector<16xf32>,
        %add3A_420 = arith.addf %add3A_416, %get3A_419 : vector<16xf32>
        %mul3A_421 = arith.constant 0.00999999977 : f32
        %mul3A_422 = vector.broadcast %mul3A_421 : f32 to vector<16xf32>
        %mul3A_423 = arith.mulf %add3A_420, %mul3A_422 : vector<16xf32>
        %max3A_424 = arith.maximumf %add3A_420, %mul3A_423 : vector<16xf32>
        %swap3A_425 = arith.index_cast %scan3A_390 : i32 to index
        %swap3A_426 = arith.constant 16 : index
        %swap3A_427 = tpu.vector_load %arg23[%swap3A_425, %swap3A_426] {strides = array<i32>} : memref<96x128xf32, #tpu.memory_space<vmem>>, vector<16xf32>,
        tpu.vector_store %arg23[%swap3A_425, %swap3A_426], %max3A_424 {strides = array<i32>} : memref<96x128xf32, #tpu.memory_space<vmem>>, vector<16xf32>,
        %get3A_428 = arith.index_cast %scan3A_390 : i32 to index
        %get3A_429 = arith.constant 32 : index
        %get3A_430 = tpu.vector_load %arg23[%get3A_428, %get3A_429] {strides = array<i32>} : memref<96x128xf32, #tpu.memory_space<vmem>>, vector<16xf32>,
        %get3A_431 = arith.index_cast %scan3A_390 : i32 to index
        %get3A_432 = arith.constant 32 : index
        %get3A_433 = tpu.vector_load %arg24[%get3A_431, %get3A_432] {strides = array<i32>} : memref<96x128xf32, #tpu.memory_space<vmem>>, vector<16xf32>,
        %add3A_434 = arith.addf %get3A_430, %get3A_433 : vector<16xf32>
        %get3A_435 = arith.index_cast %scan3A_390 : i32 to index
        %get3A_436 = arith.constant 32 : index
        %get3A_437 = tpu.vector_load %arg25[%get3A_435, %get3A_436] {strides = array<i32>} : memref<96x128xf32, #tpu.memory_space<vmem>>, vector<16xf32>,
        %add3A_438 = arith.addf %add3A_434, %get3A_437 : vector<16xf32>
        %mul3A_439 = arith.constant 0.00999999977 : f32
        %mul3A_440 = vector.broadcast %mul3A_439 : f32 to vector<16xf32>
        %mul3A_441 = arith.mulf %add3A_438, %mul3A_440 : vector<16xf32>
        %max3A_442 = arith.maximumf %add3A_438, %mul3A_441 : vector<16xf32>
        %swap3A_443 = arith.index_cast %scan3A_390 : i32 to index
        %swap3A_444 = arith.constant 32 : index
        %swap3A_445 = tpu.vector_load %arg23[%swap3A_443, %swap3A_444] {strides = array<i32>} : memref<96x128xf32, #tpu.memory_space<vmem>>, vector<16xf32>,
        tpu.vector_store %arg23[%swap3A_443, %swap3A_444], %max3A_442 {strides = array<i32>} : memref<96x128xf32, #tpu.memory_space<vmem>>, vector<16xf32>,
        %get3A_446 = arith.index_cast %scan3A_390 : i32 to index
        %get3A_447 = arith.constant 48 : index
        %get3A_448 = tpu.vector_load %arg23[%get3A_446, %get3A_447] {strides = array<i32>} : memref<96x128xf32, #tpu.memory_space<vmem>>, vector<16xf32>,
        %get3A_449 = arith.index_cast %scan3A_390 : i32 to index
        %get3A_450 = arith.constant 48 : index
        %get3A_451 = tpu.vector_load %arg24[%get3A_449, %get3A_450] {strides = array<i32>} : memref<96x128xf32, #tpu.memory_space<vmem>>, vector<16xf32>,
        %add3A_452 = arith.addf %get3A_448, %get3A_451 : vector<16xf32>
        %get3A_453 = arith.index_cast %scan3A_390 : i32 to index
        %get3A_454 = arith.constant 48 : index
        %get3A_455 = tpu.vector_load %arg25[%get3A_453, %get3A_454] {strides = array<i32>} : memref<96x128xf32, #tpu.memory_space<vmem>>, vector<16xf32>,
        %add3A_456 = arith.addf %add3A_452, %get3A_455 : vector<16xf32>
        %mul3A_457 = arith.constant 0.00999999977 : f32
        %mul3A_458 = vector.broadcast %mul3A_457 : f32 to vector<16xf32>
        %mul3A_459 = arith.mulf %add3A_456, %mul3A_458 : vector<16xf32>
        %max3A_460 = arith.maximumf %add3A_456, %mul3A_459 : vector<16xf32>
        %swap3A_461 = arith.index_cast %scan3A_390 : i32 to index
        %swap3A_462 = arith.constant 48 : index
        %swap3A_463 = tpu.vector_load %arg23[%swap3A_461, %swap3A_462] {strides = array<i32>} : memref<96x128xf32, #tpu.memory_space<vmem>>, vector<16xf32>,
        tpu.vector_store %arg23[%swap3A_461, %swap3A_462], %max3A_460 {strides = array<i32>} : memref<96x128xf32, #tpu.memory_space<vmem>>, vector<16xf32>,
        %get3A_464 = arith.index_cast %scan3A_390 : i32 to index
        %get3A_465 = arith.constant 64 : index
        %get3A_466 = tpu.vector_load %arg23[%get3A_464, %get3A_465] {strides = array<i32>} : memref<96x128xf32, #tpu.memory_space<vmem>>, vector<16xf32>,
        %get3A_467 = arith.index_cast %scan3A_390 : i32 to index
        %get3A_468 = arith.constant 64 : index
        %get3A_469 = tpu.vector_load %arg24[%get3A_467, %get3A_468] {strides = array<i32>} : memref<96x128xf32, #tpu.memory_space<vmem>>, vector<16xf32>,
        %add3A_470 = arith.addf %get3A_466, %get3A_469 : vector<16xf32>
        %get3A_471 = arith.index_cast %scan3A_390 : i32 to index
        %get3A_472 = arith.constant 64 : index
        %get3A_473 = tpu.vector_load %arg25[%get3A_471, %get3A_472] {strides = array<i32>} : memref<96x128xf32, #tpu.memory_space<vmem>>, vector<16xf32>,
        %add3A_474 = arith.addf %add3A_470, %get3A_473 : vector<16xf32>
        %mul3A_475 = arith.constant 0.00999999977 : f32
        %mul3A_476 = vector.broadcast %mul3A_475 : f32 to vector<16xf32>
        %mul3A_477 = arith.mulf %add3A_474, %mul3A_476 : vector<16xf32>
        %max3A_478 = arith.maximumf %add3A_474, %mul3A_477 : vector<16xf32>
        %swap3A_479 = arith.index_cast %scan3A_390 : i32 to index
        %swap3A_480 = arith.constant 64 : index
        %swap3A_481 = tpu.vector_load %arg23[%swap3A_479, %swap3A_480] {strides = array<i32>} : memref<96x128xf32, #tpu.memory_space<vmem>>, vector<16xf32>,
        tpu.vector_store %arg23[%swap3A_479, %swap3A_480], %max3A_478 {strides = array<i32>} : memref<96x128xf32, #tpu.memory_space<vmem>>, vector<16xf32>,
        %get3A_482 = arith.index_cast %scan3A_390 : i32 to index
        %get3A_483 = arith.constant 80 : index
        %get3A_484 = tpu.vector_load %arg23[%get3A_482, %get3A_483] {strides = array<i32>} : memref<96x128xf32, #tpu.memory_space<vmem>>, vector<16xf32>,
        %get3A_485 = arith.index_cast %scan3A_390 : i32 to index
        %get3A_486 = arith.constant 80 : index
        %get3A_487 = tpu.vector_load %arg24[%get3A_485, %get3A_486] {strides = array<i32>} : memref<96x128xf32, #tpu.memory_space<vmem>>, vector<16xf32>,
        %add3A_488 = arith.addf %get3A_484, %get3A_487 : vector<16xf32>
        %get3A_489 = arith.index_cast %scan3A_390 : i32 to index
        %get3A_490 = arith.constant 80 : index
        %get3A_491 = tpu.vector_load %arg25[%get3A_489, %get3A_490] {strides = array<i32>} : memref<96x128xf32, #tpu.memory_space<vmem>>, vector<16xf32>,
        %add3A_492 = arith.addf %add3A_488, %get3A_491 : vector<16xf32>
        %mul3A_493 = arith.constant 0.00999999977 : f32
        %mul3A_494 = vector.broadcast %mul3A_493 : f32 to vector<16xf32>
        %mul3A_495 = arith.mulf %add3A_492, %mul3A_494 : vector<16xf32>
        %max3A_496 = arith.maximumf %add3A_492, %mul3A_495 : vector<16xf32>
        %swap3A_497 = arith.index_cast %scan3A_390 : i32 to index
        %swap3A_498 = arith.constant 80 : index
        %swap3A_499 = tpu.vector_load %arg23[%swap3A_497, %swap3A_498] {strides = array<i32>} : memref<96x128xf32, #tpu.memory_space<vmem>>, vector<16xf32>,
        tpu.vector_store %arg23[%swap3A_497, %swap3A_498], %max3A_496 {strides = array<i32>} : memref<96x128xf32, #tpu.memory_space<vmem>>, vector<16xf32>,
        %get3A_500 = arith.index_cast %scan3A_390 : i32 to index
        %get3A_501 = arith.constant 96 : index
        %get3A_502 = tpu.vector_load %arg23[%get3A_500, %get3A_501] {strides = array<i32>} : memref<96x128xf32, #tpu.memory_space<vmem>>, vector<16xf32>,
        %get3A_503 = arith.index_cast %scan3A_390 : i32 to index
        %get3A_504 = arith.constant 96 : index
        %get3A_505 = tpu.vector_load %arg24[%get3A_503, %get3A_504] {strides = array<i32>} : memref<96x128xf32, #tpu.memory_space<vmem>>, vector<16xf32>,
        %add3A_506 = arith.addf %get3A_502, %get3A_505 : vector<16xf32>
        %get3A_507 = arith.index_cast %scan3A_390 : i32 to index
        %get3A_508 = arith.constant 96 : index
        %get3A_509 = tpu.vector_load %arg25[%get3A_507, %get3A_508] {strides = array<i32>} : memref<96x128xf32, #tpu.memory_space<vmem>>, vector<16xf32>,
        %add3A_510 = arith.addf %add3A_506, %get3A_509 : vector<16xf32>
        %mul3A_511 = arith.constant 0.00999999977 : f32
        %mul3A_512 = vector.broadcast %mul3A_511 : f32 to vector<16xf32>
        %mul3A_513 = arith.mulf %add3A_510, %mul3A_512 : vector<16xf32>
        %max3A_514 = arith.maximumf %add3A_510, %mul3A_513 : vector<16xf32>
        %swap3A_515 = arith.index_cast %scan3A_390 : i32 to index
        %swap3A_516 = arith.constant 96 : index
        %swap3A_517 = tpu.vector_load %arg23[%swap3A_515, %swap3A_516] {strides = array<i32>} : memref<96x128xf32, #tpu.memory_space<vmem>>, vector<16xf32>,
        tpu.vector_store %arg23[%swap3A_515, %swap3A_516], %max3A_514 {strides = array<i32>} : memref<96x128xf32, #tpu.memory_space<vmem>>, vector<16xf32>,
        %get3A_518 = arith.index_cast %scan3A_390 : i32 to index
        %get3A_519 = arith.constant 112 : index
        %get3A_520 = tpu.vector_load %arg23[%get3A_518, %get3A_519] {strides = array<i32>} : memref<96x128xf32, #tpu.memory_space<vmem>>, vector<16xf32>,
        %get3A_521 = arith.index_cast %scan3A_390 : i32 to index
        %get3A_522 = arith.constant 112 : index
        %get3A_523 = tpu.vector_load %arg24[%get3A_521, %get3A_522] {strides = array<i32>} : memref<96x128xf32, #tpu.memory_space<vmem>>, vector<16xf32>,
        %add3A_524 = arith.addf %get3A_520, %get3A_523 : vector<16xf32>
        %get3A_525 = arith.index_cast %scan3A_390 : i32 to index
        %get3A_526 = arith.constant 112 : index
        %get3A_527 = tpu.vector_load %arg25[%get3A_525, %get3A_526] {strides = array<i32>} : memref<96x128xf32, #tpu.memory_space<vmem>>, vector<16xf32>,
        %add3A_528 = arith.addf %add3A_524, %get3A_527 : vector<16xf32>
        %mul3A_529 = arith.constant 0.00999999977 : f32
        %mul3A_530 = vector.broadcast %mul3A_529 : f32 to vector<16xf32>
        %mul3A_531 = arith.mulf %add3A_528, %mul3A_530 : vector<16xf32>
        %max3A_532 = arith.maximumf %add3A_528, %mul3A_531 : vector<16xf32>
        %swap3A_533 = arith.index_cast %scan3A_390 : i32 to index
        %swap3A_534 = arith.constant 112 : index
        %swap3A_535 = tpu.vector_load %arg23[%swap3A_533, %swap3A_534] {strides = array<i32>} : memref<96x128xf32, #tpu.memory_space<vmem>>, vector<16xf32>,
        tpu.vector_store %arg23[%swap3A_533, %swap3A_534], %max3A_532 {strides = array<i32>} : memref<96x128xf32, #tpu.memory_space<vmem>>, vector<16xf32>,
        %scan3A_536 = arith.constant 0 : i32
        scf.yield %scan3A_536 : i32
      }
      %scan3A_374 = arith.constant 96 : i32
      %run_scoped3A = arith.constant 0 : i32
      "tpu.region"() ({
        %run_scoped3A_390 = tpu.sem_alloc : memref<!tpu.dma_semaphore, #tpu.memory_space<semaphore_mem>>
        %dma_start3A_391 = arith.constant 0 : i32
        %dma_start3A_392 = tpu.memref_slice %arg21[%run_scoped3A, %dma_start3A_391] : memref<1x96xi32, #tpu.memory_space<vmem>> -> memref<1x96xi32, #tpu.memory_space<vmem>>
        %dma_start3A_393 = tpu.memref_squeeze %dma_start3A_392 : memref<1x96xi32, #tpu.memory_space<vmem>> -> memref<96xi32, #tpu.memory_space<vmem>>
        %dma_start3A_394 = arith.constant 0 : i32
        %dma_start3A_395 = arith.constant 0 : i32
        %dma_start3A_396 = tpu.memref_slice %arg26[%dma_start3A_394, %dma_start3A_395] : memref<5008x128xf32, #tpu.memory_space<vmem_shared>> -> memref<5008x128xf32, #tpu.memory_space<vmem_shared>>
        tpu.enqueue_indirect_dma source(%arg23 : memref<96x128xf32, #tpu.memory_space<vmem>>) target(%dma_start3A_396 : memref<5008x128xf32, #tpu.memory_space<vmem_shared>>) offsets(%dma_start3A_393 : memref<96xi32, #tpu.memory_space<vmem>>) semaphore(%run_scoped3A_390 : memref<!tpu.dma_semaphore, #tpu.memory_space<semaphore_mem>>) {add = true}
        %dma_wait3A_397 = arith.constant 0 : i32
        %dma_wait3A_398 = tpu.memref_slice %arg21[%run_scoped3A, %dma_wait3A_397] : memref<1x96xi32, #tpu.memory_space<vmem>> -> memref<1x96xi32, #tpu.memory_space<vmem>>
        %dma_wait3A_399 = tpu.memref_squeeze %dma_wait3A_398 : memref<1x96xi32, #tpu.memory_space<vmem>> -> memref<96xi32, #tpu.memory_space<vmem>>
        %dma_wait3A_400 = arith.constant 0 : i32
        %dma_wait3A_401 = arith.constant 0 : i32
        %dma_wait3A_402 = tpu.memref_slice %arg26[%dma_wait3A_400, %dma_wait3A_401] : memref<5008x128xf32, #tpu.memory_space<vmem_shared>> -> memref<5008x128xf32, #tpu.memory_space<vmem_shared>>
        tpu.wait_indirect_dma semaphore(%run_scoped3A_390 : memref<!tpu.dma_semaphore, #tpu.memory_space<semaphore_mem>>) src(%arg23 : memref<96x128xf32, #tpu.memory_space<vmem>>) dst(%dma_wait3A_402 : memref<5008x128xf32, #tpu.memory_space<vmem_shared>>)
        tpu.yield
      }) : () -> ()
      %get3A_375 = arith.constant 96 : index
      %get3A_376 = tpu.vector_load %arg17[%get3A_375] {strides = array<i32>} : memref<256xi32, #tpu.memory_space<vmem>>, vector<16xi32>,
      %swap3A_377 = arith.constant 0 : index
      %swap3A_378 = tpu.vector_load %arg17[%swap3A_377] {strides = array<i32>} : memref<256xi32, #tpu.memory_space<vmem>>, vector<16xi32>,
      tpu.vector_store %arg17[%swap3A_377], %get3A_376 {strides = array<i32>} : memref<256xi32, #tpu.memory_space<vmem>>, vector<16xi32>,
      %get3A_379 = arith.constant 96 : index
      %get3A_380 = tpu.vector_load %arg18[%get3A_379] {strides = array<i32>} : memref<256xi32, #tpu.memory_space<vmem>>, vector<16xi32>,
      %swap3A_381 = arith.constant 0 : index
      %swap3A_382 = tpu.vector_load %arg18[%swap3A_381] {strides = array<i32>} : memref<256xi32, #tpu.memory_space<vmem>>, vector<16xi32>,
      tpu.vector_store %arg18[%swap3A_381], %get3A_380 {strides = array<i32>} : memref<256xi32, #tpu.memory_space<vmem>>, vector<16xi32>,
      %get3A_383 = arith.constant 96 : index
      %get3A_384 = tpu.vector_load %arg19[%get3A_383] {strides = array<i32>} : memref<256xi32, #tpu.memory_space<vmem>>, vector<16xi32>,
      %swap3A_385 = arith.constant 0 : index
      %swap3A_386 = tpu.vector_load %arg19[%swap3A_385] {strides = array<i32>} : memref<256xi32, #tpu.memory_space<vmem>>, vector<16xi32>,
      tpu.vector_store %arg19[%swap3A_385], %get3A_384 {strides = array<i32>} : memref<256xi32, #tpu.memory_space<vmem>>, vector<16xi32>,
      %sub3A_387 = arith.constant 96 : i32
      %sub3A_388 = arith.subi %while3A_183#1, %sub3A_387 : i32
      %max3A = arith.constant 0 : i32
      %max3A_389 = arith.maxsi %sub3A_388, %max3A : i32
      scf.yield %while3A_183#0, %max3A_389 : i32, i32
    }
    %barrier3A_173 = arith.constant 0 : index
    tpu.barrier barrier_id(%barrier3A_173)
    %lt3A_174 = arith.constant 5 : i32
    %lt3A_175 = arith.cmpi slt, %arg1, %lt3A_174 : i32
    %convert_element_type3A_176 = arith.extui %lt3A_175 : i1 to i32
    %cond3A_177 = arith.constant 0 : i32
    %cond3A_178 = arith.cmpi ne, %convert_element_type3A_176, %cond3A_177 : i32
    scf.if %cond3A_178 {
      %mul3A_180 = arith.constant 1000 : i32
      %mul3A_181 = arith.muli %arg1, %mul3A_180 : i32
      %mul3A_182 = arith.constant 10008 : i32
      %mul3A_183 = arith.muli %arg0, %mul3A_182 : i32
      %add3A_184 = arith.constant 5000 : i32
      %add3A_185 = arith.addi %mul3A_183, %add3A_184 : i32
      %mul3A_186 = arith.constant 1000 : i32
      %mul3A_187 = arith.muli %arg1, %mul3A_186 : i32
      %add3A_188 = arith.addi %add3A_185, %mul3A_187 : i32
      "tpu.region"() ({
        %run_scoped3A = tpu.sem_alloc : memref<!tpu.dma_semaphore, #tpu.memory_space<semaphore_mem>>
        %dma_start3A = arith.constant 0 : i32
        %dma_start3A_189 = tpu.memref_slice %arg10[%add3A_188, %dma_start3A] : memref<20016x128xf32, #tpu.memory_space<hbm>> -> memref<1000x128xf32, #tpu.memory_space<hbm>>
        %dma_start3A_190 = arith.constant 0 : i32
        %dma_start3A_191 = tpu.memref_slice %arg26[%mul3A_181, %dma_start3A_190] : memref<5008x128xf32, #tpu.memory_space<vmem_shared>> -> memref<1000x128xf32, #tpu.memory_space<vmem_shared>>
        tpu.enqueue_dma source(%dma_start3A_191 : memref<1000x128xf32, #tpu.memory_space<vmem_shared>>) target(%dma_start3A_189 : memref<1000x128xf32, #tpu.memory_space<hbm>>) target_semaphore(%run_scoped3A : memref<!tpu.dma_semaphore, #tpu.memory_space<semaphore_mem>>)
        %dma_wait3A = arith.constant 0 : i32
        %dma_wait3A_192 = tpu.memref_slice %arg10[%add3A_188, %dma_wait3A] : memref<20016x128xf32, #tpu.memory_space<hbm>> -> memref<1000x128xf32, #tpu.memory_space<hbm>>
        %dma_wait3A_193 = arith.constant 0 : i32
        %dma_wait3A_194 = tpu.memref_slice %arg26[%mul3A_181, %dma_wait3A_193] : memref<5008x128xf32, #tpu.memory_space<vmem_shared>> -> memref<1000x128xf32, #tpu.memory_space<vmem_shared>>
        tpu.wait_dma2 semaphore(%run_scoped3A : memref<!tpu.dma_semaphore, #tpu.memory_space<semaphore_mem>>) src(%dma_wait3A_194 : memref<1000x128xf32, #tpu.memory_space<vmem_shared>>) dst(%dma_wait3A_192 : memref<1000x128xf32, #tpu.memory_space<hbm>>)
        tpu.yield
      }) : () -> ()
    } else {
    }
    %barrier3A_179 = arith.constant 0 : index
    tpu.barrier barrier_id(%barrier3A_179)
    return
  }
}

module attributes {stable_mosaic.version = 14 : i64} {
  func.func @_mm_node_body(%arg0: i32, %arg1: memref<400x256xf32, #tpu.memory_space<vmem>>, %arg2: memref<256x768xf32, #tpu.memory_space<vmem>>, %arg3: memref<2x400x128xf32, #tpu.memory_space<vmem>>, %arg4: memref<2x400x128xf32, #tpu.memory_space<vmem>>, %arg5: memref<400x256xf32, #tpu.memory_space<vmem>>) attributes {dimension_semantics = [#tpu.dimension_semantics<arbitrary>], iteration_bounds = array<i64: 25>, scalar_prefetch = 0 : i64, scratch_operands = 0 : i64, tpu.core_type = #tpu.core_type<tc>, window_params = [{transform_indices = @transform_0, window_bounds = array<i64: 400, 256>}, {pipeline_mode = #tpu.pipeline_mode<synchronous>, transform_indices = @transform_1, window_bounds = array<i64: 256, 768>}, {transform_indices = @transform_2, window_bounds = array<i64: 2, 400, 128>}, {transform_indices = @transform_3, window_bounds = array<i64: 2, 400, 128>}, {transform_indices = @transform_4, window_bounds = array<i64: 400, 256>}]} {
    %get3A = arith.constant 0 : index
    %get3A_0 = arith.constant 0 : index
    %get3A_1 = vector.load %arg1[%get3A, %get3A_0] : memref<400x256xf32, #tpu.memory_space<vmem>>, vector<400x256xf32>
    %get3A_2 = arith.constant 0 : index
    %get3A_3 = arith.constant 0 : index
    %get3A_4 = vector.load %arg2[%get3A_2, %get3A_3] : memref<256x768xf32, #tpu.memory_space<vmem>>, vector<256x768xf32>
    %dot_general3A = arith.constant dense<0.000000e+00> : vector<400x768xf32>
    %dot_general3A_5 = tpu.matmul %get3A_1, %get3A_4, %dot_general3A {dimension_numbers = #tpu.dot_dimension_numbers<[1], [0], [0], [1], [0, 0, 1, 1], [], []>, transpose_lhs_hint = false} : vector<400x256xf32>, vector<256x768xf32>, vector<400x768xf32> -> vector<400x768xf32>
    %slice3A = vector.extract_strided_slice %dot_general3A_5 {offsets = [0, 0], sizes = [400, 128], strides = [1, 1]} : vector<400x768xf32> to vector<400x128xf32>
    %swap3A = arith.constant 0 : index
    %swap3A_6 = arith.constant 0 : index
    %swap3A_7 = arith.constant 0 : index
    %swap3A_8 = vector.load %arg3[%swap3A, %swap3A_6, %swap3A_7] : memref<2x400x128xf32, #tpu.memory_space<vmem>>, vector<1x400x128xf32>
    %swap3A_9 = vector.shape_cast %swap3A_8 : vector<1x400x128xf32> to vector<400x128xf32>
    %swap3A_10 = vector.shape_cast %slice3A : vector<400x128xf32> to vector<1x400x128xf32>
    tpu.vector_store %arg3[%swap3A, %swap3A_6, %swap3A_7], %swap3A_10 {strides = array<i32>} : memref<2x400x128xf32, #tpu.memory_space<vmem>>, vector<1x400x128xf32>,
    %slice3A_11 = vector.extract_strided_slice %dot_general3A_5 {offsets = [0, 128], sizes = [400, 128], strides = [1, 1]} : vector<400x768xf32> to vector<400x128xf32>
    %swap3A_12 = arith.constant 1 : index
    %swap3A_13 = arith.constant 0 : index
    %swap3A_14 = arith.constant 0 : index
    %swap3A_15 = vector.load %arg3[%swap3A_12, %swap3A_13, %swap3A_14] : memref<2x400x128xf32, #tpu.memory_space<vmem>>, vector<1x400x128xf32>
    %swap3A_16 = vector.shape_cast %swap3A_15 : vector<1x400x128xf32> to vector<400x128xf32>
    %swap3A_17 = vector.shape_cast %slice3A_11 : vector<400x128xf32> to vector<1x400x128xf32>
    tpu.vector_store %arg3[%swap3A_12, %swap3A_13, %swap3A_14], %swap3A_17 {strides = array<i32>} : memref<2x400x128xf32, #tpu.memory_space<vmem>>, vector<1x400x128xf32>,
    %slice3A_18 = vector.extract_strided_slice %dot_general3A_5 {offsets = [0, 256], sizes = [400, 128], strides = [1, 1]} : vector<400x768xf32> to vector<400x128xf32>
    %swap3A_19 = arith.constant 0 : index
    %swap3A_20 = arith.constant 0 : index
    %swap3A_21 = arith.constant 0 : index
    %swap3A_22 = vector.load %arg4[%swap3A_19, %swap3A_20, %swap3A_21] : memref<2x400x128xf32, #tpu.memory_space<vmem>>, vector<1x400x128xf32>
    %swap3A_23 = vector.shape_cast %swap3A_22 : vector<1x400x128xf32> to vector<400x128xf32>
    %swap3A_24 = vector.shape_cast %slice3A_18 : vector<400x128xf32> to vector<1x400x128xf32>
    tpu.vector_store %arg4[%swap3A_19, %swap3A_20, %swap3A_21], %swap3A_24 {strides = array<i32>} : memref<2x400x128xf32, #tpu.memory_space<vmem>>, vector<1x400x128xf32>,
    %slice3A_25 = vector.extract_strided_slice %dot_general3A_5 {offsets = [0, 384], sizes = [400, 128], strides = [1, 1]} : vector<400x768xf32> to vector<400x128xf32>
    %swap3A_26 = arith.constant 1 : index
    %swap3A_27 = arith.constant 0 : index
    %swap3A_28 = arith.constant 0 : index
    %swap3A_29 = vector.load %arg4[%swap3A_26, %swap3A_27, %swap3A_28] : memref<2x400x128xf32, #tpu.memory_space<vmem>>, vector<1x400x128xf32>
    %swap3A_30 = vector.shape_cast %swap3A_29 : vector<1x400x128xf32> to vector<400x128xf32>
    %swap3A_31 = vector.shape_cast %slice3A_25 : vector<400x128xf32> to vector<1x400x128xf32>
    tpu.vector_store %arg4[%swap3A_26, %swap3A_27, %swap3A_28], %swap3A_31 {strides = array<i32>} : memref<2x400x128xf32, #tpu.memory_space<vmem>>, vector<1x400x128xf32>,
    %slice3A_32 = vector.extract_strided_slice %dot_general3A_5 {offsets = [0, 512], sizes = [400, 256], strides = [1, 1]} : vector<400x768xf32> to vector<400x256xf32>
    %swap3A_33 = arith.constant 0 : index
    %swap3A_34 = arith.constant 0 : index
    %swap3A_35 = vector.load %arg5[%swap3A_33, %swap3A_34] : memref<400x256xf32, #tpu.memory_space<vmem>>, vector<400x256xf32>
    tpu.vector_store %arg5[%swap3A_33, %swap3A_34], %slice3A_32 {strides = array<i32>} : memref<400x256xf32, #tpu.memory_space<vmem>>, vector<400x256xf32>,
    return
  }
  func.func @transform_0(%arg0: i32) -> (i32, i32) {
    %c0_i32 = arith.constant 0 : i32
    %c0_i32_0 = arith.constant 0 : i32
    return %arg0, %c0_i32 : i32, i32
  }
  func.func @transform_1(%arg0: i32) -> (i32, i32) {
    %c0_i32 = arith.constant 0 : i32
    %c0_i32_0 = arith.constant 0 : i32
    %c0_i32_1 = arith.constant 0 : i32
    return %c0_i32, %c0_i32_0 : i32, i32
  }
  func.func @transform_2(%arg0: i32) -> (i32, i32, i32) {
    %c0_i32 = arith.constant 0 : i32
    %c0_i32_0 = arith.constant 0 : i32
    %c0_i32_1 = arith.constant 0 : i32
    return %c0_i32, %arg0, %c0_i32_0 : i32, i32, i32
  }
  func.func @transform_3(%arg0: i32) -> (i32, i32, i32) {
    %c0_i32 = arith.constant 0 : i32
    %c0_i32_0 = arith.constant 0 : i32
    %c0_i32_1 = arith.constant 0 : i32
    return %c0_i32, %arg0, %c0_i32_0 : i32, i32, i32
  }
  func.func @transform_4(%arg0: i32) -> (i32, i32) {
    %c0_i32 = arith.constant 0 : i32
    %c0_i32_0 = arith.constant 0 : i32
    return %arg0, %c0_i32 : i32, i32
  }
}

module attributes {stable_mosaic.version = 14 : i64} {
  func.func @_mm_edge_body(%arg0: i32, %arg1: memref<16x3200xf32, #tpu.memory_space<vmem>>, %arg2: memref<16x256xf32, #tpu.memory_space<vmem>>, %arg3: memref<3200x128xf32, #tpu.memory_space<vmem>>, %arg4: memref<3200x128xf32, #tpu.memory_space<vmem>>) attributes {dimension_semantics = [#tpu.dimension_semantics<arbitrary>], iteration_bounds = array<i64: 50>, scalar_prefetch = 0 : i64, scratch_operands = 0 : i64, tpu.core_type = #tpu.core_type<tc>, window_params = [{transform_indices = @transform_0, window_bounds = array<i64: 16, 3200>}, {pipeline_mode = #tpu.pipeline_mode<synchronous>, transform_indices = @transform_1, window_bounds = array<i64: 16, 256>}, {transform_indices = @transform_2, window_bounds = array<i64: 3200, 128>}, {transform_indices = @transform_3, window_bounds = array<i64: 3200, 128>}]} {
    %get3A = arith.constant 0 : index
    %get3A_0 = arith.constant 0 : index
    %get3A_1 = vector.load %arg1[%get3A, %get3A_0] : memref<16x3200xf32, #tpu.memory_space<vmem>>, vector<16x3200xf32>
    %get3A_2 = arith.constant 0 : index
    %get3A_3 = arith.constant 0 : index
    %get3A_4 = vector.load %arg2[%get3A_2, %get3A_3] : memref<16x256xf32, #tpu.memory_space<vmem>>, vector<16x256xf32>
    %dot_general3A = arith.constant dense<0.000000e+00> : vector<3200x256xf32>
    %dot_general3A_5 = tpu.matmul %get3A_1, %get3A_4, %dot_general3A {dimension_numbers = #tpu.dot_dimension_numbers<[0], [0], [1], [1], [0, 1, 1, 1], [], []>, transpose_lhs_hint = false} : vector<16x3200xf32>, vector<16x256xf32>, vector<3200x256xf32> -> vector<3200x256xf32>
    %slice3A = vector.extract_strided_slice %dot_general3A_5 {offsets = [0, 0], sizes = [3200, 128], strides = [1, 1]} : vector<3200x256xf32> to vector<3200x128xf32>
    %swap3A = arith.constant 0 : index
    %swap3A_6 = arith.constant 0 : index
    %swap3A_7 = vector.load %arg3[%swap3A, %swap3A_6] : memref<3200x128xf32, #tpu.memory_space<vmem>>, vector<3200x128xf32>
    tpu.vector_store %arg3[%swap3A, %swap3A_6], %slice3A {strides = array<i32>} : memref<3200x128xf32, #tpu.memory_space<vmem>>, vector<3200x128xf32>,
    %slice3A_8 = vector.extract_strided_slice %dot_general3A_5 {offsets = [0, 128], sizes = [3200, 128], strides = [1, 1]} : vector<3200x256xf32> to vector<3200x128xf32>
    %swap3A_9 = arith.constant 0 : index
    %swap3A_10 = arith.constant 0 : index
    %swap3A_11 = vector.load %arg4[%swap3A_9, %swap3A_10] : memref<3200x128xf32, #tpu.memory_space<vmem>>, vector<3200x128xf32>
    tpu.vector_store %arg4[%swap3A_9, %swap3A_10], %slice3A_8 {strides = array<i32>} : memref<3200x128xf32, #tpu.memory_space<vmem>>, vector<3200x128xf32>,
    return
  }
  func.func @transform_0(%arg0: i32) -> (i32, i32) {
    %c0_i32 = arith.constant 0 : i32
    %c0_i32_0 = arith.constant 0 : i32
    return %c0_i32, %arg0 : i32, i32
  }
  func.func @transform_1(%arg0: i32) -> (i32, i32) {
    %c0_i32 = arith.constant 0 : i32
    %c0_i32_0 = arith.constant 0 : i32
    %c0_i32_1 = arith.constant 0 : i32
    return %c0_i32, %c0_i32_0 : i32, i32
  }
  func.func @transform_2(%arg0: i32) -> (i32, i32) {
    %c0_i32 = arith.constant 0 : i32
    %c0_i32_0 = arith.constant 0 : i32
    return %arg0, %c0_i32 : i32, i32
  }
  func.func @transform_3(%arg0: i32) -> (i32, i32) {
    %c0_i32 = arith.constant 0 : i32
    %c0_i32_0 = arith.constant 0 : i32
    return %arg0, %c0_i32 : i32, i32
  }
}

module attributes {stable_mosaic.version = 14 : i64} {
  func.func @_recv_red_body(%arg0: i32, %arg1: memref<16x10240xf32, #tpu.memory_space<vmem>>, %arg2: memref<10240x1xf32, #tpu.memory_space<vmem>>) attributes {dimension_semantics = [#tpu.dimension_semantics<arbitrary>], iteration_bounds = array<i64: 1>, scalar_prefetch = 0 : i64, scratch_operands = 0 : i64, tpu.core_type = #tpu.core_type<tc>, window_params = [{pipeline_mode = #tpu.pipeline_mode<synchronous>, transform_indices = @transform_0, window_bounds = array<i64: 16, 10240>}, {pipeline_mode = #tpu.pipeline_mode<synchronous>, transform_indices = @transform_1, window_bounds = array<i64: 10240, 1>}]} {
    %get3A = arith.constant 0 : index
    %get3A_0 = arith.constant 0 : index
    %get3A_1 = vector.load %arg1[%get3A, %get3A_0] : memref<16x10240xf32, #tpu.memory_space<vmem>>, vector<16x10240xf32>
    %reduce_max3A = arith.constant dense<0xFF800000> : vector<10240xf32>
    %reduce_max3A_2 = vector.multi_reduction <maximumf>, %get3A_1, %reduce_max3A [0] : vector<16x10240xf32> to vector<10240xf32>
    %broadcast_in_dim3A = vector.shape_cast %reduce_max3A_2 : vector<10240xf32> to vector<10240x1xf32>
    %swap3A = arith.constant 0 : index
    %swap3A_3 = arith.constant 0 : index
    %swap3A_4 = vector.load %arg2[%swap3A, %swap3A_3] : memref<10240x1xf32, #tpu.memory_space<vmem>>, vector<10240x1xf32>
    tpu.vector_store %arg2[%swap3A, %swap3A_3], %broadcast_in_dim3A {strides = array<i32>} : memref<10240x1xf32, #tpu.memory_space<vmem>>, vector<10240x1xf32>,
    return
  }
  func.func @transform_0(%arg0: i32) -> (i32, i32) {
    %c0_i32 = arith.constant 0 : i32
    %c0_i32_0 = arith.constant 0 : i32
    %c0_i32_1 = arith.constant 0 : i32
    return %c0_i32, %c0_i32_0 : i32, i32
  }
  func.func @transform_1(%arg0: i32) -> (i32, i32) {
    %c0_i32 = arith.constant 0 : i32
    %c0_i32_0 = arith.constant 0 : i32
    %c0_i32_1 = arith.constant 0 : i32
    return %c0_i32, %c0_i32_0 : i32, i32
  }
}

module attributes {stable_mosaic.version = 14 : i64} {
  func.func @_node_out_body(%arg0: i32, %arg1: memref<400x256xf32, #tpu.memory_space<vmem>>, %arg2: memref<1x400x128xf32, #tpu.memory_space<vmem>>, %arg3: memref<1x400x128xf32, #tpu.memory_space<vmem>>, %arg4: memref<256x256xf32, #tpu.memory_space<vmem>>, %arg5: memref<400x1xf32, #tpu.memory_space<vmem>>, %arg6: memref<400x256xf32, #tpu.memory_space<vmem>>) attributes {dimension_semantics = [#tpu.dimension_semantics<arbitrary>], iteration_bounds = array<i64: 25>, scalar_prefetch = 0 : i64, scratch_operands = 0 : i64, tpu.core_type = #tpu.core_type<tc>, window_params = [{transform_indices = @transform_0, window_bounds = array<i64: 400, 256>}, {transform_indices = @transform_1, window_bounds = array<i64: 1, 400, 128>}, {transform_indices = @transform_2, window_bounds = array<i64: 1, 400, 128>}, {pipeline_mode = #tpu.pipeline_mode<synchronous>, transform_indices = @transform_3, window_bounds = array<i64: 256, 256>}, {transform_indices = @transform_4, window_bounds = array<i64: 400, 1>}, {transform_indices = @transform_5, window_bounds = array<i64: 400, 256>}]} {
    %get3A = arith.constant 0 : index
    %get3A_0 = arith.constant 0 : index
    %get3A_1 = vector.load %arg1[%get3A, %get3A_0] : memref<400x256xf32, #tpu.memory_space<vmem>>, vector<400x256xf32>
    %get3A_2 = arith.constant 0 : index
    %get3A_3 = arith.constant 0 : index
    %get3A_4 = arith.constant 0 : index
    %get3A_5 = vector.load %arg2[%get3A_2, %get3A_3, %get3A_4] : memref<1x400x128xf32, #tpu.memory_space<vmem>>, vector<1x400x128xf32>
    %get3A_6 = vector.shape_cast %get3A_5 : vector<1x400x128xf32> to vector<400x128xf32>
    %get3A_7 = arith.constant 0 : index
    %get3A_8 = arith.constant 0 : index
    %get3A_9 = vector.load %arg4[%get3A_7, %get3A_8] : memref<256x256xf32, #tpu.memory_space<vmem>>, vector<128x256xf32>
    %dot_general3A = arith.constant dense<0.000000e+00> : vector<400x256xf32>
    %dot_general3A_10 = tpu.matmul %get3A_6, %get3A_9, %dot_general3A {dimension_numbers = #tpu.dot_dimension_numbers<[1], [0], [0], [1], [0, 0, 1, 1], [], []>, transpose_lhs_hint = false} : vector<400x128xf32>, vector<128x256xf32>, vector<400x256xf32> -> vector<400x256xf32>
    %add3A = arith.addf %get3A_1, %dot_general3A_10 : vector<400x256xf32>
    %get3A_11 = arith.constant 0 : index
    %get3A_12 = arith.constant 0 : index
    %get3A_13 = arith.constant 0 : index
    %get3A_14 = vector.load %arg3[%get3A_11, %get3A_12, %get3A_13] : memref<1x400x128xf32, #tpu.memory_space<vmem>>, vector<1x400x128xf32>
    %get3A_15 = vector.shape_cast %get3A_14 : vector<1x400x128xf32> to vector<400x128xf32>
    %get3A_16 = arith.constant 128 : index
    %get3A_17 = arith.constant 0 : index
    %get3A_18 = vector.load %arg4[%get3A_16, %get3A_17] : memref<256x256xf32, #tpu.memory_space<vmem>>, vector<128x256xf32>
    %dot_general3A_19 = arith.constant dense<0.000000e+00> : vector<400x256xf32>
    %dot_general3A_20 = tpu.matmul %get3A_15, %get3A_18, %dot_general3A_19 {dimension_numbers = #tpu.dot_dimension_numbers<[1], [0], [0], [1], [0, 0, 1, 1], [], []>, transpose_lhs_hint = false} : vector<400x128xf32>, vector<128x256xf32>, vector<400x256xf32> -> vector<400x256xf32>
    %add3A_21 = arith.addf %add3A, %dot_general3A_20 : vector<400x256xf32>
    %mul3A = arith.constant 0.00999999977 : f32
    %mul3A_22 = vector.broadcast %mul3A : f32 to vector<400x256xf32>
    %mul3A_23 = arith.mulf %add3A_21, %mul3A_22 : vector<400x256xf32>
    %max3A = arith.maximumf %add3A_21, %mul3A_23 : vector<400x256xf32>
    %get3A_24 = arith.constant 0 : index
    %get3A_25 = arith.constant 0 : index
    %get3A_26 = vector.load %arg5[%get3A_24, %get3A_25] : memref<400x1xf32, #tpu.memory_space<vmem>>, vector<400x1xf32>
    %gt3A = arith.constant 0.000000e+00 : f32
    %gt3A_27 = vector.broadcast %gt3A : f32 to vector<400x1xf32>
    %gt3A_28 = arith.cmpf ogt, %get3A_26, %gt3A_27 : vector<400x1xf32>
    %jit3A = arith.constant 0.000000e+00 : f32
    %broadcast_in_dim3A = vector.shape_cast %gt3A_28 : vector<400x1xi1> to vector<400x1xi1>
    %broadcast_in_dim3A_29 = vector.broadcast %broadcast_in_dim3A : vector<400x1xi1> to vector<400x256xi1>
    %broadcast_in_dim3A_30 = vector.broadcast %jit3A : f32 to vector<400x256xf32>
    %select_n3A = arith.select %broadcast_in_dim3A_29, %max3A, %broadcast_in_dim3A_30 : vector<400x256xi1>, vector<400x256xf32>
    %swap3A = arith.constant 0 : index
    %swap3A_31 = arith.constant 0 : index
    %swap3A_32 = vector.load %arg6[%swap3A, %swap3A_31] : memref<400x256xf32, #tpu.memory_space<vmem>>, vector<400x256xf32>
    tpu.vector_store %arg6[%swap3A, %swap3A_31], %select_n3A {strides = array<i32>} : memref<400x256xf32, #tpu.memory_space<vmem>>, vector<400x256xf32>,
    return
  }
  func.func @transform_0(%arg0: i32) -> (i32, i32) {
    %c0_i32 = arith.constant 0 : i32
    %c0_i32_0 = arith.constant 0 : i32
    return %arg0, %c0_i32 : i32, i32
  }
  func.func @transform_1(%arg0: i32) -> (i32, i32, i32) {
    %c0_i32 = arith.constant 0 : i32
    %c0_i32_0 = arith.constant 0 : i32
    %c0_i32_1 = arith.constant 0 : i32
    return %c0_i32, %arg0, %c0_i32_0 : i32, i32, i32
  }
  func.func @transform_2(%arg0: i32) -> (i32, i32, i32) {
    %c1_i32 = arith.constant 1 : i32
    %c0_i32 = arith.constant 0 : i32
    %c0_i32_0 = arith.constant 0 : i32
    return %c1_i32, %arg0, %c0_i32 : i32, i32, i32
  }
  func.func @transform_3(%arg0: i32) -> (i32, i32) {
    %c0_i32 = arith.constant 0 : i32
    %c0_i32_0 = arith.constant 0 : i32
    %c0_i32_1 = arith.constant 0 : i32
    return %c0_i32, %c0_i32_0 : i32, i32
  }
  func.func @transform_4(%arg0: i32) -> (i32, i32) {
    %c0_i32 = arith.constant 0 : i32
    %c0_i32_0 = arith.constant 0 : i32
    return %arg0, %c0_i32 : i32, i32
  }
  func.func @transform_5(%arg0: i32) -> (i32, i32) {
    %c0_i32 = arith.constant 0 : i32
    %c0_i32_0 = arith.constant 0 : i32
    return %arg0, %c0_i32 : i32, i32
  }
}

</mosaic_0001>

<sc_bundles>
// kernel: kernel.7.cloned.1.call-start
scs
__scs_entry_jumppad:
0x0: {  	(pc) =	sbr.rel $0x88, $3  }
0x1: {  	(tag) =	ssettag $0x0;
	lr =	simm.s32 $0x1  }
0x2: {  	[smem:$0x3F9B] =	sst lr;
	_ =	strace $0xD0000000  }
0x3: {  	_ = 	snop  }
0x4: {  	_ = 	snop  }
0x5: {  	_ = 	snop  }
0x6: {  	_ = 	snop  }
0x7: {  	_ = 	snop  }
__scs_overlays_trampoline_lowered:
0x8: {  	[smem:$0x3FAA] =	sst s0  }
0x9: {  	[smem:$0x3FAB] =	sst s1  }
0xa: {  	[smem:$0x3FAC] =	sst s2  }
0xb: {  	[smem:$0x3FAD] =	sst s3  }
0xc: {  	[smem:$0x3FAE] =	sst s4  }
0xd: {  	[smem:$0x3FAF] =	sst s5  }
0xe: {  	[smem:$0x3FB0] =	sst s6  }
0xf: {  	[smem:$0x3FB1] =	sst s7  }
0x10: {  	[smem:$0x3FB2] =	sst s8  }
0x11: {  	[smem:$0x3FB3] =	sst s9;
	s0 =	simm.s32 @!p0 $0x0  }
0x12: {  	s1 =	sld [smem:$0x3F99];
	s0 =	simm.s32 @p0 $0x1  }
0x13: {  	[smem:$0x3FB4] =	sst s0;
	s0 =	simm.s32 @!p1 $0x0  }
0x14: {  	s2 =	sld [smem:$0x3F98];
	s0 =	simm.s32 @p1 $0x1  }
0x15: {  	[smem:$0x3FB5] =	sst s0;
	s0 =	simm.s32 @!p2 $0x0  }
0x16: {  	s3 =	sld [smem:$0x3FDB];
	s0 =	simm.s32 @p2 $0x1  }
0x17: {  	s4 =	simm.s32 $0x1BF5;
	[smem:$0x3FB7] =	sst s0  }
0x18: {  	s0 =	sld [smem:$0x3F9A];
	_ =	swait.ge [sflag:s4], $0x0  }
0x19: {  	s7 =	sld [smem:$0x3F9B]  }
0x1a: {  	s8 =	sadd.s32 $0xFFFFE003, lr  }
0x1b: {  	s9 =	sadd.s32 $0xFFFFFEF7, lr;
	s5 =	simm.s32 $0xFFFFFFFF;
	p2 =	slt.u32 s8, $0xFFFFF086  }
0x1c: {  	p1 =	slt.u32 s9, $0xF7A;
	s5 =	simm.s32 @!p2 $0x0  }
0x1d: {  	s5 =	simm.s32 @p1 $0x1;
	p0 =	seq.s32 s7, s2  }
0x1e: {  	s7 =	smul.u32 @!p0 $0xF7A, s2;
	p2 =	seq.s32 @!p0 s5, $0x0  }
0x1f: {  	s9 =	smul.u32 $0xF7A, s1;
	s8 =	simm.s32 @!p0 $0x1BF5;
	p2 =	por !p2, p0  }
0x20: {  	[sflag:s8] =	ssyncset.s32 @!p0 $0xFFFFF086;
	s6 =	sadd.s32 @!p0 s3, s7;
	s7 =	simm.s32 @!p0 $0x108  }
0x21: {  	s3 =	sadd.s32 s3, s9;
	s6 =	sadd.s32 @!p0 $0x88, s6;
	s7 =	simm.s32 @p2 $0x1082  }
0x22: {  	[simem:s7], [sflag:s8] =	dma.local @!p0 [hbm:s6], $0xF7A  }
0x23: {  	s9 =	sor.u32 $0xD0000000, s2;
	s6 =	simm.s32 $0x108;
	_ =	swait.ge @!p0 [sflag:s8], $0x0  }
0x24: {  	s3 =	sadd.s32 $0x88, s3;
	s6 =	simm.s32 @!p1 $0x1082;
	[sflag:s4] =	ssyncset.s32 $0xFFFFF086  }
0x25: {  	[simem:s6], [sflag:s4] =	dma.local [hbm:s3], $0xF7A  }
0x26: {  	[smem:$0x3F9B] =	sst s1;
	(tag) =	ssettag s2;
	_ =	strace s9  }
0x27: {  	s1 =	sld [smem:$0x3FAB]  }
0x28: {  	s2 =	sld [smem:$0x3FAC]  }
0x29: {  	s4 =	sld [smem:$0x3FAE]  }
0x2a: {  	p0 =	seq.s32 s5, $0x0;
	s5 =	sld [smem:$0x3FAF]  }
0x2b: {  	s6 =	sld [smem:$0x3FB0]  }
0x2c: {  	s7 =	sld [smem:$0x3FB1]  }
0x2d: {  	s3 =	simm.s32 $0x108;
	s8 =	sld [smem:$0x3FB2]  }
0x2e: {  	s3 =	simm.s32 @!p0 $0x1082;
	s9 =	sld [smem:$0x3FB3]  }
0x2f: {  	lr =	sadd.s32 s0, s3;
	s0 =	sld [smem:$0x3FAA]  }
0x30: {  	s3 =	sld [smem:$0x3FAD]  }
0x31: {  	[smem:$0x3FB6] =	sst s10  }
0x32: {  	s10 =	sld [smem:$0x3FB4];
	_ =	sdelay $0x3  }
0x33: {  	p0 =	seq.s32 s10, $0x1;
	s10 =	sld [smem:$0x3FB6];
	_ =	sdelay $0x3  }
0x34: {  	[smem:$0x3FB6] =	sst s10  }
0x35: {  	s10 =	sld [smem:$0x3FB5];
	_ =	sdelay $0x3  }
0x36: {  	p1 =	seq.s32 s10, $0x1;
	s10 =	sld [smem:$0x3FB6];
	_ =	sdelay $0x3  }
0x37: {  	[smem:$0x3FB6] =	sst s10  }
0x38: {  	s10 =	sld [smem:$0x3FB7]  }
0x39: {  	_ = 	snop;
	(pc) =	sbr.ind lr, $3  }
0x3a: {  	_ = 	snop  }
0x3b: {  	_ = 	snop  }
0x3c: {  	p2 =	seq.s32 s10, $0x1;
	s10 =	sld [smem:$0x3FB6]  }
0x3d: {  	_ =	shalt  }
0x3e: {  	_ =	shalt  }
0x3f: {  	_ =	shalt  }
0x40: {  	_ =	shalt  }
0x41: {  	_ =	shalt  }
0x42: {  	_ =	shalt  }
0x43: {  	_ =	shalt  }
0x44: {  	_ =	shalt  }
0x45: {  	_ =	shalt  }
0x46: {  	_ =	shalt  }
0x47: {  	_ =	shalt  }
0x48: {  	_ =	shalt  }
0x49: {  	_ =	shalt  }
0x4a: {  	_ =	shalt  }
0x4b: {  	_ =	shalt  }
0x4c: {  	_ =	shalt  }
0x4d: {  	_ =	shalt  }
0x4e: {  	_ =	shalt  }
0x4f: {  	_ =	shalt  }
0x50: {  	_ =	shalt  }
0x51: {  	_ =	shalt  }
0x52: {  	_ =	shalt  }
0x53: {  	_ =	shalt  }
0x54: {  	_ =	shalt  }
0x55: {  	_ =	shalt  }
0x56: {  	_ =	shalt  }
0x57: {  	_ =	shalt  }
0x58: {  	_ =	shalt  }
0x59: {  	_ =	shalt  }
0x5a: {  	_ =	shalt  }
0x5b: {  	_ =	shalt  }
0x5c: {  	_ =	shalt  }
0x5d: {  	_ =	shalt  }
0x5e: {  	_ =	shalt  }
0x5f: {  	_ =	shalt  }
0x60: {  	_ =	shalt  }
0x61: {  	_ =	shalt  }
0x62: {  	_ =	shalt  }
0x63: {  	_ =	shalt  }
0x64: {  	_ =	shalt  }
0x65: {  	_ =	shalt  }
0x66: {  	_ =	shalt  }
0x67: {  	_ =	shalt  }
0x68: {  	_ =	shalt  }
0x69: {  	_ =	shalt  }
0x6a: {  	_ =	shalt  }
0x6b: {  	_ =	shalt  }
0x6c: {  	_ =	shalt  }
0x6d: {  	_ =	shalt  }
0x6e: {  	_ =	shalt  }
0x6f: {  	_ =	shalt  }
0x70: {  	_ =	shalt  }
0x71: {  	_ =	shalt  }
0x72: {  	_ =	shalt  }
0x73: {  	_ =	shalt  }
0x74: {  	_ =	shalt  }
0x75: {  	_ =	shalt  }
0x76: {  	_ =	shalt  }
0x77: {  	_ =	shalt  }
0x78: {  	_ =	shalt  }
0x79: {  	_ =	shalt  }
0x7a: {  	_ =	shalt  }
0x7b: {  	_ =	shalt  }
0x7c: {  	_ =	shalt  }
0x7d: {  	_ =	shalt  }
0x7e: {  	_ =	shalt  }
0x7f: {  	_ =	shalt  }
0x80: {  	_ =	shalt  }
0x81: {  	_ =	shalt  }
0x82: {  	_ =	shalt  }
0x83: {  	_ =	shalt  }
0x84: {  	_ =	shalt  }
0x85: {  	_ =	shalt  }
0x86: {  	_ =	shalt  }
0x87: {  	_ =	shalt  }
.Lfunc_end0:
.L_simem_size_0:
called_computation_lowered:
.L_overlay_start_0:
0x88: {  	s2 =	sld [smem:$0x3FD9]  }
0x89: {  	s3 =	sld [smem:$0x3FFE];
	_ =	sdelay $0x1  }
0x8a: {  	s1 =	srdreg.scid  }
0x8b: {  	s0 =	sand.u32 $0x1, s1  }
0x8c: {  	s16 =	sshll.u32 s0, $0xA;
	s2 =	sadd.s32 s3, s2  }
0x8d: {  	s2 =	sadd.s32 s2, s16  }
0x8e: {  	[smem:$0x3FC2] =	sst s2  }
0x8f: {  	_ = 	snop  }
0x90: {  	(tm) =	ssettm $0x1  }
0x91: {  	s17 =	sld [smem:$0x3FFB];
	_ =	sdelay $0x3  }
0x92: {  	_ =	strace s17  }
0x93: {  	s2 =	sld [smem:$0x3FFC];
	_ =	sdelay $0x3  }
0x94: {  	_ =	strace s2  }
0x95: {  	s2 =	sld [smem:$0x3FFD];
	_ =	sdelay $0x3  }
0x96: {  	_ =	strace s2  }
0x97: {  	_ =	strace $0x8FFFFFFF  }
0x98: {  	s18 =	sld [smem:$0x3FDB];
	_ =	sdelay $0x1  }
0x99: {  	s19 =	simm.s32 $_scs_section_size  }
0x9a: {  	s4 =	simm.s32 $_size__tile_overlayer_lowered;
	s5 =	simm.s32 $_tile_overlayer_lowered  }
0x9b: {  	s22 =	simm.s32 $0x1BFF;
	s21 =	sshll.u32 s5, $0x1;
	s2 =	sadd.s32 s19, s18  }
0x9c: {  	s6 =	simm.s32 $0x0;
	s20 =	sshll.u32 s4, $0x1;
	s4 =	sadd.s32 s21, s2  }
0x9d: {  	[timem:s6], [sflag:s22] =	dma.local [hbm:s4], s20  }
0x9e: {  	_ =	swait.ge [sflag:s22], s20  }
0x9f: {  	s3 =	ssub.s32 $0x0, s20;
	[sflag:s22] =	ssyncset.done $0x0  }
0xa0: {  	[sflag:s22] =	ssyncadd.s32 s3;
	_ =	sdelay $0x1  }
0xa1: {  	s23 =	simm.s32 $0x1B8B  }
0xa2: {  	_ =	swait.ge [sflag:s23], $0x1  }
0xa3: {  	[sflag:s23] =	ssyncset.done $0x0  }
0xa4: {  	s25 =	simm.s32 $0x1B8E;
	s24 =	sld [smem:$0x3FFE];
	[sflag:s23] =	ssyncadd.s32 $0xFFFFFFFF  }
0xa5: {  	s26 =	simm.s32 $execute0_lowered;
	[smem:$0x3FD2] =	sst s25  }
0xa6: {  	s4 =	sshll.u32 s26, $0x1;
	_ =	strace $0x80000046;
	[dreg:$0x1] =	wrdreg $0xFFFFFFFF  }
0xa7: {  	s28 =	simm.s32 $_size_execute0_lowered;
	s2 =	sadd.s32 s2, s4;
	[dreg:$0x0] =	wrdreg $0x0  }
0xa8: {  	s4 =	sshll.u32 s28, $0x1;
	[dreg:$0x2] =	wrdreg s2  }
0xa9: {  	[dreg:$0x3] =	wrdreg s4  }
0xaa: {  	[dreg:$0x4] =	wrdreg $0xC0  }
0xab: {  	_ =	task [dreg:s6], $0x5FFFF  }
0xac: {  	[dreg:$0x1] =	wrdreg $0xFFFFFFFF  }
0xad: {  	[dreg:$0x0] =	wrdreg $0x60  }
0xae: {  	[dreg:$0x2] =	wrdreg s24  }
0xaf: {  	[dreg:$0x3] =	wrdreg $0x11D800  }
0xb0: {  	[dreg:$0x4] =	wrdreg $0x9  }
0xb1: {  	_ =	task.clear_ibuf [dreg:s6], $0x5FFFF;
	_ =	strace $0x90000046  }
0xb2: {  	s29 =	simm.s32 $0x9;
	_ =	strace $0x80000048  }
0xb3: {  	_ =	swait.ge [sflag:s29], $0x1  }
0xb4: {  	[sflag:s29] =	ssyncadd.s32 $0xFFFFFFFF  }
0xb5: {  	_ =	strace $0x90000048  }
0xb6: {  	_ =	sfence  }
0xb7: {  	s30 =	sld [smem:$0x0];
	_ =	sdelay $0x2  }
0xb8: {  	s31 =	sshll.u32 s1, $0xD;
	s1 =	sshrl.u32 s1, $0x2  }
0xb9: {  	s3 =	sand.u32 $0x4000, s31;
	s1 =	sadd.s32 s1, s30  }
0xba: {  	s0 =	sor.u32 s3, s0;
	s1 =	sshll.u32 s1, $0x11  }
0xbb: {  	s0 =	sor.u32 s1, s0  }
0xbc: {  	s0 =	sadd.s32 $0x8F2B, s0  }
0xbd: {  	[sflag:s0] =	ssyncadd.remote.s32 $0x1  }
0xbe: {  	_ =	sfence.sel $0xFFFF  }
0xbf: {  	[dreg:$0x0] =	wrdreg $0xFFFFFFFF;
	(pc) =	sbr.abs _section_cstart, $3  }
0xc0: {  	[dreg:$0x1] =	wrdreg $0xFFFFFFFF  }
0xc1: {  	_ =	task.clear_ibuf [dreg:s6], $0x2FFFF;
	_ =	strace $0x9FFFFFFF  }
0xc2: {  	(tm) =	ssettm $0x7FFFFFFF  }
0xc3: {  	_ =	shalt  }
tec
execute0_lowered:
.L_overlay_start_1:
0x0: {  	(tag) =	ssettag $0x1  }
0x1: {  	s0 =	rddreg [dreg:$0x0]  }
0x2: {  	s1 =	rddreg [dreg:$0x1];
	s3 =	simm.s32 $0x0  }
0x3: {  	s21 =	stileid.u32;
	s2 =	srdreg.scid;
	s16 =	simm.s32 $0xA9400  }
0x4: {  	s17 =	simm.s32 $0x4;
	s18 =	simm.s32 $0x280;
	s19 =	simm.s32 $0xA80  }
0x5: {  	s28 =	simm.s32 $0x6380;
	s29 =	simm.s32 $0xED80;
	s30 =	simm.s32 $0x2  }
0x6: {  	s31 =	simm.s32 $0x3;
	[smem:$0x7FF] =	sst s3;
	s4 =	sadd.s32 $0x7A00, s0  }
0x7: {  	s6 =	smul.u32 $0x500, s21;
	s2 =	sand.u32 $0x1, s2;
	s5 =	sadd.s32 $0x2A00, s0  }
0x8: {  	s7 =	sadd.s32 $0xCA00, s0;
	s10 =	sadd.s32 $0x58B400, s0;
	s15 =	smul.u32 $0x7D000, s21  }
0x9: {  	s8 =	sadd.s32 $0x5B000, s0;
	s13 =	sadd.s32 $0x594400, s0;
	s20 =	smul.u32 $0x3E8, s21  }
0xa: {  	p1 =	sgt.u32 s21, $0x4;
	_ =	strace $0x80000047;
	s9 =	smul.u32 $0x2718, s2  }
0xb: {  	[dreg:$0x3] =	wrdreg s7;
	s7 =	sadd.s32 $0xCC00, s0;
	s11 =	smul.u32 $0x27100, s2  }
0xc: {  	[dreg:$0x4] =	wrdreg s10;
	s12 =	ssub.s32 $0x2, s2;
	s10 =	smul.u32 $0x2710, s21  }
0xd: {  	p0 =	seq.s32 s2, $0x0;
	s21 =	simm.s32 $0x1;
	s14 =	sshrl.u32 s12, $0x1  }
0xe: {  	s6 =	sadd.s32 s6, s0;
	s22 =	sshrl.u32 s15, $0x2;
	s16 =	simm.s32 @!p0 $0x31A400  }
0xf: {  	p0 =	sne.s32 s2, $0x0;
	s12 =	ssub.s32 s12, s14;
	s6 =	sadd.s32 $0x58F400, s6  }
0x10: {  	s23 =	sadd.s32 s20, s9;
	s24 =	sadd.s32 $0x1388, s9;
	s16 =	sadd.s32 s16, s0  }
0x11: {  	s0 =	simm.s32 @!p0 $0x0;
	[dreg:$0x5] =	wrdreg s6;
	s6 =	sadd.s32 s22, s1  }
0x12: {  	s14 =	sadd.s32 s20, s24;
	s26 =	smax.u32 s12, $0x1;
	s20 =	simm.s32 $0x6580  }
0x13: {  	s0 =	simm.s32 @p0 $0x1;
	s22 =	simm.s32 $0x60;
	[dreg:$0x6] =	wrdreg s6  }
.Ltmp0:
0x14: {  	v2 =	vmov s24;
	s24 =	simm.s32 $0x8D80;
	[dreg:$0x9] =	wrdreg s26;
	(pc) =	sbr.rel .LBB2_1-.Ltmp0, $4  }
0x15: {  	s6 =	sshll.u32 s23, $0x4;
	s25 =	sshll.u32 s14, $0x4;
	[smem:$0x7FD] =	sst s0  }
0x16: {  	v3 =	vimm.f32 $0.0e+00;
	v4 =	vimm.f32 $1.000000000e+00;
	s23 =	simm.s32 $0x6180;
	s26 =	simm.s32 $0xBD80;
	s6 =	sadd.s32 s13, s6  }
0x17: {  	v5 =	vlaneseq.u32;
	v6 =	vimm.s32 $0x0;
	v7 =	vimm.s32 $0x3FFF;
	s0 =	simm.s32 $0x6500;
	[dreg:$0x7] =	wrdreg s6;
	s6 =	sadd.s32 s13, s25  }
0x18: {  	v8 =	vimm.s32 $0x1388;
	v0 =	vmov s9;
	v1 =	vmov s11;
	s25 =	simm.s32 $0x6480;
	[dreg:$0x8] =	wrdreg s6;
	s6 =	simm.s32 $0x0  }
.LBB2_53:
0x19: {  	[bflag:$0x0] =	sbarrier.arrive $0xFFFF  }
0x1a: {  	s2 =	rddreg [dreg:$0x8]  }
0x1b: {  	s6 =	rddreg [dreg:$0xb]  }
0x1c: {  	s9 =	rddreg [dreg:$0xc]  }
0x1d: {  	[hbm:s2], [sflag:s6] =	dma.local @!p1 [spmem:s9], $0x3E80  }
0x1e: {  	s2 =	simm.s32 @!p1 $0x4  }
0x1f: {  	_ =	swait.ge @!p1 [sflag:s2], $0x3E80  }
0x20: {  	s14 =	rddreg [dreg:$0xa]  }
0x21: {  	s15 =	rddreg [dreg:$0x9];
	s6 =	sadd.s32 $0x1, s14  }
0x22: {  	p0 =	sne.s32 s6, s15  }
.Ltmp1:
0x23: {  	_ = 	snop;
	(pc) =	sbr.rel @!p0 .LBB2_54-.Ltmp1, $3  }
0x24: {  	[sflag:s2] =	ssyncset.done @!p1 $0x0  }
0x25: {  	[sflag:s2] =	ssyncadd.s32 @!p1 $0xFFFFC180  }
0x26: {  	[bflag:$0x0] =	sbarrier.arrive $0xFFFF;
	_ =	sdelay $0x1  }
.LBB2_1:
0x27: {  	[dreg:$0xa] =	wrdreg s6  }
0x28: {  	s2 =	rddreg [dreg:$0x3]  }
0x29: {  	[tilespmem:s3], [sflag:$0x4] =	stream.linear.gather [hbm4b:s2+s3], $0x280, $0x38;
	[tilespmem:$0x1BA00] =	vst v63  }
0x2a: {  	_ =	swait.ge [sflag:s17], $0x280  }
0x2b: {  	[sflag:s17] =	ssyncset.done $0x0  }
0x2c: {  	s6 =	simm.s32 $0x40;
	s9 =	simm.s32 $0x0;
	[sflag:s17] =	ssyncadd.s32 $0xFFFFFD80  }
.LBB2_2:
0x2d: {  	p0 =	sne.s32 s6, $0x9FC0;
	[tilespmem:s9+$0x6580] =	vst v3;
	s9 =	smov.u32 s6;
	s6 =	sadd.s32 $0x40, s6  }
.Ltmp2:
0x2e: {  	(pc) =	sbr.rel @p0 .LBB2_2-.Ltmp2, $2  }
0x2f: {  	_ =	sdelay $0x2  }
0x30: {  	s9 =	sshra.s32 s9, $0x2  }
0x31: {  	s6 =	simm.s32 $0x0  }
0x32: {  	[tilespmem:s9+$0x6580] =	vst v3;
	s9 =	smov.u32 s10;
	s12 =	simm.s32 $0x0;
	s11 =	simm.s32 $0x0  }
.LBB2_4:
0x33: {  	s13 =	smul.u32 $0x7D0, s11;
	_ =	sdelay $0x1  }
0x34: {  	s13 =	sadd.s32 s10, s13  }
0x35: {  	s13 =	sshrl.u32 s13, $0x3  }
0x36: {  	s14 =	sadd.s32 s4, s13  }
0x37: {  	[tilespmem:s18], [sflag:$0x4] =	stream.linear.gather [hbm4b:s14+s6], $0x7D0, $0x38;
	[tilespmem:$0x1BA00] =	vst v63  }
0x38: {  	_ =	swait.ge [sflag:s17], $0x7D0  }
0x39: {  	[sflag:s17] =	ssyncset.done $0x0  }
0x3a: {  	s13 =	sadd.s32 s5, s13;
	[sflag:s17] =	ssyncadd.s32 $0xFFFFF830  }
0x3b: {  	[tilespmem:s19], [sflag:$0x4] =	stream.linear.gather [hbm4b:s13+s6], $0x7D0, $0x38;
	[tilespmem:$0x1BA00] =	vst v63  }
0x3c: {  	_ =	swait.ge [sflag:s17], $0x7D0  }
0x3d: {  	[sflag:s17] =	ssyncset.done $0x0  }
0x3e: {  	s15 =	simm.s32 $0x0;
	[sflag:s17] =	ssyncadd.s32 $0xFFFFF830  }
0x3f: {  	v9 =	vld [tilespmem:s15+$0x280];
	_ =	sdelay $0x4  }
0x40: {  	v10 =	vshra.s32 v9, $0x4;
	_ =	sdelay $0x4  }
0x41: {  	v10 =	vld.idx.msk [tilespmem:v10+s3+$0x0], $0xffff;
	_ =	sdelay $0x2  }
0x42: {  	v11 =	vshll.u32 v9, $0x1  }
0x43: {  	v11 =	vand.u32 $0x1E, v11  }
0x44: {  	v12 =	vld [tilespmem:s15+$0xA80];
	v10 =	vshrl.u32 v10, v11  }
0x45: {  	v10 =	vand.u32 $0x3, v10  }
0x46: {  	vm0 =	veq.s32 v10, $0x2  }
0x47: {  	v10 =	vsel vm0, $0x1, v6  }
0x48: {  	(xrf0) =	vadd.scan.msk.s32 $0xffff, v10;
	_ =	sdelay $0x1  }
0x49: {  	v9 =	vshll.u32 v9, $0xE  }
0x4a: {  	v9 =	vor.u32 v12, v9  }
0x4b: {  	[tilespmem:v12+s20+$0x0] =	vst.idx.msk vm0, v4  }
0x4c: {  	v10 =	vor.u32 s9, v5;
	[tilespmem:s12+$0x1280] =	vst.msk vm0, v9  }
0x4d: {  	s14 =	simm.s32 $0x80;
	s13 =	smov.u32 s9;
	s15 =	simm.s32 $0x10;
	[tilespmem:s12+$0x3A00] =	vst.msk vm0, v10;
	v9, _, _ =	vpop (xrf0)  }
.LBB2_5:
0x4e: {  	p2 =	sne.s32 s14, $0x1F00;
	v10 =	vld [tilespmem:s15+$0x280];
	(v2sf) =	vpush v9, $0xF  }
0x4f: {  	v9 =	vld [tilespmem:s15+$0xA80];
	_ =	sdelay $0x3  }
0x50: {  	v11 =	vshra.s32 v10, $0x4;
	v12 =	vshll.u32 v10, $0xE  }
0x51: {  	v12 =	vor.u32 v9, v12;
	_ =	sdelay $0x3  }
0x52: {  	v11 =	vld.idx.msk [tilespmem:v11+s3+$0x0], $0xffff;
	_ =	sdelay $0x3  }
0x53: {  	v10 =	vshll.u32 v10, $0x1  }
0x54: {  	v10 =	vand.u32 $0x1E, v10;
	s15 =	spop (v2sf)  }
0x55: {  	v10 =	vshrl.u32 v11, v10;
	s12 =	sadd.s32 s12, s15  }
0x56: {  	v10 =	vand.u32 $0x3, v10  }
0x57: {  	vm0 =	veq.s32 v10, $0x2  }
0x58: {  	v10 =	vsel vm0, $0x1, v6  }
0x59: {  	(xrf0) =	vadd.scan.msk.s32 $0xffff, v10;
	_ =	sdelay $0x1  }
.Ltmp3:
0x5a: {  	(pc) =	sbr.rel @p2 .LBB2_5-.Ltmp3, $4  }
0x5b: {  	_ = 	snop  }
0x5c: {  	s13 =	sadd.s32 $0x10, s13;
	[tilespmem:v9+s20+$0x0] =	vst.idx.msk vm0, v4  }
0x5d: {  	v10 =	vor.u32 s13, v5;
	[tilespmem:s12+$0x1280] =	vst.msk vm0, v12  }
0x5e: {  	s15 =	sshra.s32 s14, $0x2;
	s14 =	sadd.s32 $0x40, s14;
	[tilespmem:s12+$0x3A00] =	vst.msk vm0, v10;
	v9, _, _ =	vpop (xrf0)  }
0x5f: {  	v10 =	vld [tilespmem:s15+$0x280];
	_ =	sdelay $0x4  }
0x60: {  	v11 =	vshra.s32 v10, $0x4;
	_ =	sdelay $0x4  }
0x61: {  	v11 =	vld.idx.msk [tilespmem:v11+s3+$0x0], $0xffff;
	_ =	sdelay $0x2  }
0x62: {  	v12 =	vshll.u32 v10, $0x1  }
0x63: {  	v12 =	vand.u32 $0x1E, v12  }
0x64: {  	v11 =	vshrl.u32 v11, v12  }
0x65: {  	v11 =	vand.u32 $0x3, v11  }
0x66: {  	vm0 =	veq.s32 v11, $0x2  }
0x67: {  	v11 =	vsel vm0, $0x1, v6  }
0x68: {  	(xrf0) =	vadd.scan.msk.s32 $0xffff, v11;
	_ =	sdelay $0x4  }
0x69: {  	(v2sf) =	vpush v9, $0xF  }
0x6a: {  	v9, _, _ =	vpop (xrf0)  }
0x6b: {  	(v2sf) =	vpush v9, $0xF;
	_ =	sdelay $0x5  }
0x6c: {  	v9 =	vld [tilespmem:s15+$0xA80];
	_ =	sdelay $0x3  }
0x6d: {  	s11 =	sadd.s32 $0x1, s11  }
0x6e: {  	p0 =	sne.s32 s11, $0x5  }
.Ltmp4:
0x6f: {  	_ = 	snop;
	(pc) =	sbr.rel @p0 .LBB2_4-.Ltmp4, $4  }
0x70: {  	v10 =	vshll.u32 v10, $0xE;
	s14 =	spop (v2sf)  }
0x71: {  	s13 =	sadd.s32 $0x10, s13;
	s12 =	sadd.s32 s12, s14;
	v10 =	vor.u32 v9, v10;
	[tilespmem:v9+s20+$0x0] =	vst.idx.msk vm0, v4  }
0x72: {  	v9 =	vor.u32 s13, v5;
	[tilespmem:s12+$0x1280] =	vst.msk vm0, v10;
	s15 =	spop (v2sf)  }
0x73: {  	s9 =	sadd.s32 $0x7D0, s9;
	[tilespmem:s12+$0x3A00] =	vst.msk vm0, v9;
	s12 =	sadd.s32 s12, s15  }
0x74: {  	s2 =	sld [smem:$0x7FD];
	_ =	sdelay $0x1  }
0x75: {  	s13 =	sadd.s32 $0xF, s12  }
0x76: {  	[tilespmem:s12+$0x1280] =	vst v7;
	s11 =	sshra.s32 s13, $0x1F;
	p0 =	seq.s32 s2, $0x1  }
0x77: {  	[tilespmem:s12+$0x3A00] =	vst v6;
	s2 =	rddreg [dreg:$0x5];
	s6 =	simm.s32 @!p0 $0x0;
	s9 =	simm.s32 @!p0 $0x6580  }
0x78: {  	[hbm4b:s2+s6] =	stream.linear.scatter @!p0 [tilespmem:s9], [sflag:$0x4], $0x2800, $0x38;
	[tilespmem:$0x1BA00] =	vst v63  }
0x79: {  	s15 =	sand.u32 $0xF, s13;
	p6 =	slt.s32 s13, $0x1;
	s6 =	simm.s32 @!p0 $0x4  }
0x7a: {  	s11 =	sshrl.u32 s11, $0x1C;
	s2 =	stileid.u32;
	_ =	swait.ge @!p0 [sflag:s6], $0x2800  }
0x7b: {  	s14 =	sadd.s32 s11, s13;
	s9 =	sshll.u32 @!p1 s2, $0x6;
	s2 =	rddreg [dreg:$0x6]  }
0x7c: {  	s9 =	sor.u32 @!p1 $0x1C04, s9;
	s11 =	sshrl.u32 @!p1 s2, $0x3;
	s2 =	rddreg [dreg:$0x4]  }
0x7d: {  	p2 =	sne.s32 s15, $0x0;
	[sflag:s6] =	ssyncset.done @!p0 $0x0;
	[dreg:$0xb] =	wrdreg s9  }
0x7e: {  	[sflag:s6] =	ssyncadd.s32 @!p0 $0xFFFFD800;
	p0 =	por !p6, !p2;
	[dreg:$0xc] =	wrdreg s11  }
0x7f: {  	[spmem:s11], [sflag:s9] =	dma.local @!p1 [hbm:s2], $0x3E80  }
0x80: {  	p0 =	por !p0, !p0;
	s9 =	simm.s32 $0x1  }
0x81: {  	s6 =	sshra.s32 s14, $0x4;
	s9 =	simm.s32 @!p0 $0x0  }
0x82: {  	s12 =	ssub.s32 s6, s9  }
0x83: {  	s11 =	simm.s32 @!p1 $0x4;
	p2 =	slt.s32 s12, $0x1  }
.Ltmp5:
0x84: {  	_ =	swait.ge @!p1 [sflag:s11], $0x3E80;
	(pc) =	sbr.rel @p2 .LBB2_8-.Ltmp5, $3  }
0x85: {  	[sflag:s11] =	ssyncset.done @!p1 $0x0  }
0x86: {  	[sflag:s11] =	ssyncadd.s32 @!p1 $0xFFFFC180  }
0x87: {  	[bflag:$0x0] =	sbarrier.arrive $0xFFFF;
	_ =	sdelay $0x1  }
0x88: {  	s6 =	simm.s32 $0x1280  }
0x89: {  	p0 =	sne.s32 s12, $0x1;
	v9 =	vld [tilespmem:s6+$0x0]  }
.Ltmp6:
0x8a: {  	_ = 	snop;
	(pc) =	sbr.rel @!p0 .LBB2_10-.Ltmp6, $4  }
0x8b: {  	_ = 	snop  }
0x8c: {  	s9 =	sadd.s32 $0xFFFFFFFF, s12  }
0x8d: {  	s11 =	simm.s32 $0x1290;
	p3 =	por $0x0, $0x0;
	p4 =	por $0x0, $0x0  }
0x8e: {  	p5 =	por $0x0, $0x0;
	p6 =	por $0x0, $0x0;
	s6 =	simm.s32 $0x0;
	v9 =	vand.u32 $0x3FF8, v9  }
0x8f: {  	v10 =	vld [tilespmem:s11+$0x0];
	p0 =	sne.s32 s9, $0x1  }
.Ltmp7:
0x90: {  	_ = 	snop;
	(pc) =	sbr.rel @!p0 .LBB2_12-.Ltmp7, $4  }
0x91: {  	_ = 	snop  }
0x92: {  	vm0 =	vlt.u32 v9, $0x1388  }
0x93: {  	v9 =	vsel vm0, $0x1, v6  }
0x94: {  	s9 =	sadd.s32 $0xFFFFFFFF, s9;
	s11 =	simm.s32 $0x12A0;
	p3 =	por $0x1, $0x1;
	(xrf0) =	vadd.scan.msk.s32 $0xffff, v9;
	v9 =	vand.u32 $0x3FF8, v10  }
0x95: {  	_ =	sdelay $0x4  }
0x96: {  	v11, _, _ =	vpop (xrf0)  }
0x97: {  	(v2sf) =	vpush v11, $0xF;
	_ =	sdelay $0x8  }
0x98: {  	v10 =	vld [tilespmem:s11+$0x0];
	p0 =	sne.s32 s9, $0x1  }
.Ltmp8:
0x99: {  	_ = 	snop;
	(pc) =	sbr.rel @!p0 .LBB2_14-.Ltmp8, $4  }
0x9a: {  	_ = 	snop  }
0x9b: {  	vm0 =	vlt.u32 v9, $0x1388  }
0x9c: {  	v9 =	vsel vm0, $0x1, v6  }
0x9d: {  	s9 =	sadd.s32 $0xFFFFFFFF, s9;
	s11 =	simm.s32 $0x12B0;
	p4 =	por $0x1, $0x1;
	(xrf0) =	vadd.scan.msk.s32 $0xffff, v9;
	v9 =	vand.u32 $0x3FF8, v10  }
0x9e: {  	_ =	sdelay $0x4  }
0x9f: {  	v11, _, _ =	vpop (xrf0)  }
0xa0: {  	(v2sf) =	vpush v11, $0xF;
	_ =	sdelay $0x3  }
0xa1: {  	v10 =	vld [tilespmem:s11+$0x0];
	p0 =	sne.s32 s9, $0x1  }
.Ltmp9:
0xa2: {  	_ = 	snop;
	(pc) =	sbr.rel @!p0 .LBB2_16-.Ltmp9, $4  }
0xa3: {  	_ = 	snop  }
0xa4: {  	vm0 =	vlt.u32 v9, $0x1388  }
0xa5: {  	v9 =	vsel vm0, $0x1, v6  }
0xa6: {  	s9 =	sadd.s32 $0xFFFFFFFF, s9;
	s11 =	simm.s32 $0x12C0;
	p5 =	por $0x1, $0x1;
	(xrf0) =	vadd.scan.msk.s32 $0xffff, v9;
	v9 =	vand.u32 $0x3FF8, v10  }
0xa7: {  	_ =	sdelay $0x4  }
0xa8: {  	v11, _, _ =	vpop (xrf0)  }
0xa9: {  	(v2sf) =	vpush v11, $0xF;
	_ =	sdelay $0x3  }
0xaa: {  	v10 =	vld [tilespmem:s11+$0x0];
	vm0 =	vlt.u32 v9, $0x1388;
	p0 =	sne.s32 s9, $0x1  }
.Ltmp10:
0xab: {  	v9 =	vsel vm0, $0x1, v6;
	(pc) =	sbr.rel @!p0 .LBB2_18-.Ltmp10, $3  }
0xac: {  	(xrf0) =	vadd.scan.msk.s32 $0xffff, v9;
	_ =	sdelay $0x1  }
0xad: {  	s11 =	sadd.s32 $0xFFFFFFFF, s9  }
0xae: {  	s13 =	simm.s32 $0x12D0;
	p6 =	por $0x1, $0x1;
	s9 =	simm.s32 $0x0;
	v9 =	vand.u32 $0x3FF8, v10  }
.LBB2_19:
0xaf: {  	v10 =	vld [tilespmem:s13+$0x0];
	p0 =	sne.s32 s11, $0x1;
	s11 =	sadd.s32 $0xFFFFFFFF, s11;
	vm0 =	vlt.u32 v9, $0x1388;
	s14 =	spop (v2sf)  }
.Ltmp11:
0xb0: {  	v11 =	vsel vm0, $0x1, v6;
	s9 =	sadd.s32 s9, s14;
	(pc) =	sbr.rel @p0 .LBB2_19-.Ltmp11, $3  }
0xb1: {  	(xrf0) =	vadd.scan.msk.s32 $0xffff, v11;
	v9, _, _ =	vpop (xrf0)  }
0xb2: {  	(v2sf) =	vpush v9, $0xF;
	_ =	sdelay $0x1  }
0xb3: {  	s13 =	sadd.s32 $0x10, s13;
	v9 =	vand.u32 $0x3FF8, v10  }
.LBB2_20:
0xb4: {  	vm0 =	vlt.u32 v9, $0x1388  }
0xb5: {  	v9 =	vsel vm0, $0x1, v6  }
0xb6: {  	(xrf0) =	vadd.scan.msk.s32 $0xffff, v9;
	_ =	sdelay $0x3  }
0xb7: {  	v9, _, _ =	vpop @p3 (xrf0)  }
0xb8: {  	(v2sf) =	vpush @p3 v9, $0xF  }
0xb9: {  	v9, _, _ =	vpop (xrf0)  }
0xba: {  	(v2sf) =	vpush v9, $0xF;
	_ =	sdelay $0x6  }
0xbb: {  	s11 =	spop @p6 (v2sf)  }
0xbc: {  	s9 =	sadd.s32 @p6 s9, s11;
	s11 =	simm.s32 $0x0  }
0xbd: {  	s11 =	smov.u32 @p6 s9;
	s9 =	spop @p5 (v2sf)  }
0xbe: {  	s9 =	sadd.s32 @p5 s11, s9;
	s11 =	simm.s32 $0x0  }
0xbf: {  	s11 =	smov.u32 @p5 s9;
	s9 =	spop @p4 (v2sf)  }
0xc0: {  	s9 =	sadd.s32 @p4 s11, s9;
	s11 =	simm.s32 $0x0  }
.Ltmp12:
0xc1: {  	s11 =	smov.u32 @p4 s9;
	s9 =	spop @p3 (v2sf);
	(pc) =	sbr.rel .LBB2_21-.Ltmp12, $4  }
0xc2: {  	s9 =	sadd.s32 @p3 s11, s9  }
0xc3: {  	s6 =	smov.u32 @p3 s9;
	s15 =	spop (v2sf)  }
0xc4: {  	s6 =	sadd.s32 s6, s15  }
0xc5: {  	s6 =	sadd.s32 $0x5F, s6  }
.LBB2_8:
0xc6: {  	s6 =	simm.s32 $0x5F  }
.LBB2_21:
0xc7: {  	s9 =	smulhi.u32 $0x2AAAAAAB, s6;
	s11 =	sshra.s32 s6, $0x1F  }
0xc8: {  	s11 =	smul.u32 $0x2AAAAAAB, s11;
	_ =	sdelay $0x1  }
0xc9: {  	s9 =	sadd.s32 s11, s9  }
0xca: {  	s11 =	sshrl.u32 s9, $0x1F;
	s9 =	sshra.s32 s9, $0x4  }
0xcb: {  	s9 =	sadd.s32 s11, s9  }
0xcc: {  	s11 =	smul.u32 $0xFFFFFFA0, s9  }
0xcd: {  	s13 =	ssub.s32 $0x0, s6  }
0xce: {  	p0 =	slt.s32 s6, $0x1;
	p3 =	sne.s32 s11, s13  }
0xcf: {  	p0 =	por !p0, !p3  }
0xd0: {  	s6 =	simm.s32 $0x1;
	p0 =	por !p0, !p0  }
0xd1: {  	s6 =	simm.s32 @!p0 $0x0  }
0xd2: {  	s13 =	ssub.s32 s9, s6  }
0xd3: {  	p0 =	slt.s32 s13, $0x1  }
.Ltmp13:
0xd4: {  	_ = 	snop;
	(pc) =	sbr.rel @p0 .LBB2_30-.Ltmp13, $2  }
0xd5: {  	_ =	sdelay $0x2  }
0xd6: {  	s14 =	simm.s32 $0x0;
	s15 =	simm.s32 $0x0;
	s9 =	simm.s32 $0x0  }
.LBB2_22:
0xd7: {  	p0 =	sge.s32 s15, s12  }
0xd8: {  	p3 =	sgt.u32 @!p0 s14, $0x5F  }
0xd9: {  	p3 =	por p0, p3  }
.Ltmp14:
0xda: {  	_ = 	snop;
	(pc) =	sbr.rel @p3 .LBB2_23-.Ltmp14, $1  }
0xdb: {  	_ =	sdelay $0x3  }
0xdc: {  	s6 =	sshll.u32 s15, $0x6  }
0xdd: {  	s11 =	sshra.s32 s6, $0x2  }
0xde: {  	s6 =	sadd.s32 $0x1280, s11;
	s11 =	sadd.s32 $0x3A00, s11  }
.LBB2_25:
0xdf: {  	v9 =	vld [tilespmem:s6+$0x0];
	_ =	sdelay $0x4  }
0xe0: {  	v10 =	vand.u32 $0x3FFF, v9  }
0xe1: {  	vm0 =	vlt.u32 v10, $0x1388  }
0xe2: {  	v11 =	vsel vm0, $0x1, v6  }
0xe3: {  	(xrf0) =	vadd.scan.msk.s32 $0xffff, v11;
	_ =	sdelay $0x5  }
0xe4: {  	v11, _, _ =	vpop (xrf0)  }
0xe5: {  	(v2sf) =	vpush v11, $0xF;
	_ =	sdelay $0xa  }
0xe6: {  	v11 =	vld [tilespmem:s11+$0x0]  }
0xe7: {  	v9 =	vshra.s32 v9, $0xE  }
0xe8: {  	v9 =	vadd.s32 v0, v9  }
0xe9: {  	[tilespmem:s14+$0x6180] =	vst.msk vm0, v9  }
0xea: {  	s15 =	sadd.s32 $0x1, s15;
	[tilespmem:s14+$0x6280] =	vst.msk vm0, v10;
	s2 =	spop (v2sf)  }
0xeb: {  	p0 =	sge.s32 s15, s12;
	[tilespmem:s14+$0x6380] =	vst.msk vm0, v11;
	s14 =	sadd.s32 s14, s2  }
0xec: {  	p3 =	slt.s32 @!p0 s14, $0x60  }
0xed: {  	p3 =	por p0, !p3  }
.Ltmp15:
0xee: {  	_ = 	snop;
	(pc) =	sbr.rel @!p3 .LBB2_25-.Ltmp15, $2  }
0xef: {  	_ =	sdelay $0x2  }
0xf0: {  	s6 =	sadd.s32 $0x10, s6;
	s11 =	sadd.s32 $0x10, s11  }
.Ltmp16:
0xf1: {  	(pc) =	sbr.rel .LBB2_27-.Ltmp16, $2  }
0xf2: {  	_ =	sdelay $0x2  }
0xf3: {  	s15 =	smov.u32 @p0 s15;
	s14 =	smov.u32 @p0 s14  }
.LBB2_23:
0xf4: {  	s15 =	smov.u32 @p0 s15;
	s14 =	smov.u32 @p0 s14  }
.LBB2_27:
0xf5: {  	[tilespmem:s14+$0x6180] =	vst v0  }
0xf6: {  	[tilespmem:s14+$0x6280] =	vst v8  }
0xf7: {  	[tilespmem:s14+$0x6380] =	vst v1  }
0xf8: {  	[tilespmem:s14+$0x6190] =	vst v0  }
0xf9: {  	[tilespmem:s14+$0x6290] =	vst v8  }
0xfa: {  	[tilespmem:s14+$0x6390] =	vst v1  }
0xfb: {  	[tilespmem:s14+$0x61A0] =	vst v0  }
0xfc: {  	[tilespmem:s14+$0x62A0] =	vst v8  }
0xfd: {  	[tilespmem:s14+$0x63A0] =	vst v1  }
0xfe: {  	[tilespmem:s14+$0x61B0] =	vst v0  }
0xff: {  	[tilespmem:s14+$0x62B0] =	vst v8  }
0x100: {  	[tilespmem:s14+$0x63B0] =	vst v1  }
0x101: {  	[tilespmem:s14+$0x61C0] =	vst v0  }
0x102: {  	[tilespmem:s14+$0x62C0] =	vst v8  }
0x103: {  	[tilespmem:s14+$0x63C0] =	vst v1  }
0x104: {  	[tilespmem:s14+$0x61D0] =	vst v0  }
0x105: {  	[tilespmem:s14+$0x62D0] =	vst v8  }
0x106: {  	[tilespmem:s14+$0x63D0] =	vst v1  }
0x107: {  	v9 =	vld [tilespmem:$0x6280]  }
0x108: {  	v10 =	vld [tilespmem:$0x6290]  }
0x109: {  	v11 =	vld [tilespmem:$0x62A0];
	_ =	sdelay $0x2  }
0x10a: {  	[tilespmem:$0x6500] =	vst v9  }
0x10b: {  	[tilespmem:$0x6510] =	vst v10  }
0x10c: {  	v9 =	vadd.s32 v0, v9;
	[tilespmem:$0x6520] =	vst v11  }
0x10d: {  	v10 =	vadd.s32 v0, v10;
	[tilespmem:$0x6480] =	vst v9;
	v9 =	vld [tilespmem:$0x62B0]  }
0x10e: {  	v11 =	vadd.s32 v0, v11;
	[tilespmem:$0x6490] =	vst v10;
	v10 =	vld [tilespmem:$0x62C0]  }
0x10f: {  	[tilespmem:$0x64A0] =	vst v11;
	v11 =	vld [tilespmem:$0x62D0];
	_ =	sdelay $0x2  }
0x110: {  	[tilespmem:$0x6530] =	vst v9  }
0x111: {  	[tilespmem:$0x6540] =	vst v10  }
0x112: {  	v9 =	vadd.s32 v0, v9;
	[tilespmem:$0x6550] =	vst v11  }
0x113: {  	[tilespmem:$0x64B0] =	vst v9;
	v9 =	vadd.s32 v0, v10  }
0x114: {  	[tilespmem:$0x64C0] =	vst v9;
	v9 =	vadd.s32 v0, v11  }
0x115: {  	[tilespmem:$0x64D0] =	vst v9  }
0x116: {  	[tilespmem:s24], [sflag:$0x1] =	stream.indirect.gather [hbm4b:s7+s22], $0x80, s23, s22, $0xb8;
	[tilespmem:$0x1BA00] =	vst v63  }
0x117: {  	_ = 	snop  }
0x118: {  	[tilespmem:s26], [sflag:$0x2] =	stream.indirect.gather [hbm4b:s8+s22], $0x80, s25, s22, $0xb8;
	[tilespmem:$0x1BA00] =	vst v63  }
0x119: {  	_ = 	snop  }
0x11a: {  	[tilespmem:s29], [sflag:$0x3] =	stream.indirect.gather [hbm4b:s16+s22], $0x80, s28, s22, $0xb8;
	[tilespmem:$0x1BA00] =	vst v63  }
0x11b: {  	_ =	swait.ge [sflag:s21], $0x3000  }
0x11c: {  	[sflag:s21] =	ssyncset.done $0x0  }
0x11d: {  	[sflag:s21] =	ssyncadd.s32 $0xFFFFD000  }
0x11e: {  	_ =	swait.ge [sflag:s30], $0x3000  }
0x11f: {  	[sflag:s30] =	ssyncset.done $0x0  }
0x120: {  	[sflag:s30] =	ssyncadd.s32 $0xFFFFD000  }
0x121: {  	_ =	swait.ge [sflag:s31], $0x3000  }
0x122: {  	[sflag:s31] =	ssyncset.done $0x0  }
0x123: {  	s6 =	simm.s32 $0x0;
	[sflag:s31] =	ssyncadd.s32 $0xFFFFD000  }
0x124: {  	v19 =	vld [tilespmem:s6+$0xED80]  }
0x125: {  	v22 =	vld [tilespmem:s6+$0xED90]  }
0x126: {  	v12 =	vld [tilespmem:s6+$0xEDA0]  }
0x127: {  	v11 =	vld [tilespmem:s6+$0xEDB0]  }
0x128: {  	v10 =	vld [tilespmem:s6+$0xEDC0]  }
0x129: {  	v9 =	vld [tilespmem:s6+$0xEDD0]  }
0x12a: {  	v20 =	vld [tilespmem:s6+$0xBD80]  }
0x12b: {  	v21 =	vld [tilespmem:s6+$0xBD90]  }
0x12c: {  	v18 =	vld [tilespmem:s6+$0xBDA0]  }
0x12d: {  	v17 =	vld [tilespmem:s6+$0xBDB0]  }
0x12e: {  	v16 =	vld [tilespmem:s6+$0xBDC0]  }
0x12f: {  	v14 =	vld [tilespmem:s6+$0xBDD0]  }
0x130: {  	v25 =	vld [tilespmem:s6+$0x8D80]  }
0x131: {  	v26 =	vld [tilespmem:s6+$0x8D90]  }
0x132: {  	v15 =	vld [tilespmem:s6+$0xBDE0]  }
0x133: {  	v13 =	vld [tilespmem:s6+$0xBDF0]  }
0x134: {  	v24 =	vld [tilespmem:s6+$0x8DA0]  }
0x135: {  	v23 =	vld [tilespmem:s6+$0x8DB0];
	v25 =	vadd.f32 v20, v25  }
0x136: {  	v26 =	vadd.f32 v21, v26;
	v21 =	vld [tilespmem:s6+$0x8DC0]  }
0x137: {  	v20 =	vld [tilespmem:s6+$0x8DD0];
	v25 =	vadd.f32 v19, v25  }
0x138: {  	s11 =	simm.s32 $0x200;
	v22 =	vadd.f32 v22, v26;
	v19 =	vld [tilespmem:s6+$0x8DE0]  }
.LBB2_28:
0x139: {  	p3 =	sne.s32 s11, $0xBE00;
	v26 =	vmul.f32 $9.999999770e-03, v25;
	v18 =	vadd.f32 v18, v24;
	v24 =	vld [tilespmem:s6+$0x8DF0]  }
0x13a: {  	v27 =	vmul.f32 $9.999999770e-03, v22;
	v17 =	vadd.f32 v17, v23;
	v23 =	vld [tilespmem:s6+$0xEDE0]  }
0x13b: {  	s2 =	sshra.s32 s11, $0x2;
	v25 =	vmax.f32 v25, v26;
	v18 =	vadd.f32 v12, v18;
	v12 =	vadd.f32 v16, v21;
	v16 =	vld [tilespmem:s6+$0xEDF0]  }
0x13c: {  	v26 =	vld [tilespmem:s2+$0xED80];
	v21 =	vmax.f32 v22, v27;
	v17 =	vadd.f32 v11, v17;
	v11 =	vadd.f32 v14, v20  }
0x13d: {  	v22 =	vld [tilespmem:s2+$0xED90];
	v14 =	vmul.f32 $9.999999770e-03, v18;
	v20 =	vadd.f32 v10, v12;
	v10 =	vadd.f32 v15, v19  }
0x13e: {  	v12 =	vld [tilespmem:s2+$0xEDA0];
	[tilespmem:s6+$0x8D80] =	vst v25;
	v15 =	vmul.f32 $9.999999770e-03, v17;
	v19 =	vadd.f32 v9, v11;
	v9 =	vadd.f32 v13, v24  }
0x13f: {  	v11 =	vld [tilespmem:s2+$0xEDB0];
	[tilespmem:s6+$0x8D90] =	vst v21;
	v13 =	vmax.f32 v18, v14;
	v14 =	vmul.f32 $9.999999770e-03, v20;
	v18 =	vadd.f32 v23, v10  }
0x140: {  	v10 =	vld [tilespmem:s2+$0xEDC0];
	[tilespmem:s6+$0x8DA0] =	vst v13;
	v13 =	vmax.f32 v17, v15;
	v15 =	vmul.f32 $9.999999770e-03, v19;
	v16 =	vadd.f32 v16, v9  }
0x141: {  	v9 =	vld [tilespmem:s2+$0xEDD0];
	[tilespmem:s6+$0x8DB0] =	vst v13;
	v13 =	vmax.f32 v20, v14;
	v14 =	vmul.f32 $9.999999770e-03, v18  }
0x142: {  	v20 =	vld [tilespmem:s2+$0xBD80];
	[tilespmem:s6+$0x8DC0] =	vst v13;
	v13 =	vmax.f32 v19, v15;
	v15 =	vmul.f32 $9.999999770e-03, v16  }
0x143: {  	v19 =	vld [tilespmem:s2+$0xBD90];
	[tilespmem:s6+$0x8DD0] =	vst v13;
	v13 =	vmax.f32 v18, v14  }
0x144: {  	v18 =	vld [tilespmem:s2+$0xBDA0];
	[tilespmem:s6+$0x8DE0] =	vst v13;
	v13 =	vmax.f32 v16, v15  }
0x145: {  	v17 =	vld [tilespmem:s2+$0xBDB0];
	[tilespmem:s6+$0x8DF0] =	vst v13;
	s6 =	smov.u32 s2  }
0x146: {  	v16 =	vld [tilespmem:s6+$0xBDC0]  }
0x147: {  	v14 =	vld [tilespmem:s6+$0xBDD0]  }
0x148: {  	v21 =	vld [tilespmem:s6+$0x8D80]  }
0x149: {  	v25 =	vld [tilespmem:s6+$0x8D90]  }
0x14a: {  	v15 =	vld [tilespmem:s6+$0xBDE0]  }
0x14b: {  	v13 =	vld [tilespmem:s6+$0xBDF0]  }
.Ltmp17:
0x14c: {  	v24 =	vld [tilespmem:s6+$0x8DA0];
	(pc) =	sbr.rel @p3 .LBB2_28-.Ltmp17, $4  }
0x14d: {  	v20 =	vadd.f32 v20, v21;
	v23 =	vld [tilespmem:s6+$0x8DB0]  }
0x14e: {  	v19 =	vadd.f32 v19, v25;
	v21 =	vld [tilespmem:s6+$0x8DC0]  }
0x14f: {  	v25 =	vadd.f32 v26, v20;
	v20 =	vld [tilespmem:s6+$0x8DD0]  }
0x150: {  	s11 =	sadd.s32 $0x200, s11;
	v22 =	vadd.f32 v22, v19;
	v19 =	vld [tilespmem:s6+$0x8DE0]  }
0x151: {  	v26 =	vmul.f32 $9.999999770e-03, v25;
	v18 =	vadd.f32 v18, v24;
	v56 =	vld [tilespmem:s6+$0x8DF0]  }
0x152: {  	v57 =	vld [tilespmem:s6+$0xEDE0];
	v27 =	vmul.f32 $9.999999770e-03, v22;
	v17 =	vadd.f32 v17, v23  }
0x153: {  	v58 =	vld [tilespmem:s6+$0xEDF0];
	v25 =	vmax.f32 v25, v26;
	v12 =	vadd.f32 v12, v18;
	v16 =	vadd.f32 v16, v21  }
0x154: {  	v59 =	vmax.f32 v22, v27;
	v11 =	vadd.f32 v11, v17;
	v14 =	vadd.f32 v14, v20  }
0x155: {  	v60 =	vmul.f32 $9.999999770e-03, v12;
	v10 =	vadd.f32 v10, v16;
	v15 =	vadd.f32 v15, v19  }
0x156: {  	[tilespmem:s6+$0x8D80] =	vst v25;
	v61 =	vmul.f32 $9.999999770e-03, v11;
	v9 =	vadd.f32 v9, v14;
	v13 =	vadd.f32 v13, v56  }
0x157: {  	[tilespmem:s6+$0x8D90] =	vst v59;
	v12 =	vmax.f32 v12, v60;
	v62 =	vmul.f32 $9.999999770e-03, v10;
	v15 =	vadd.f32 v57, v15  }
0x158: {  	[tilespmem:s6+$0x8DA0] =	vst v12;
	v11 =	vmax.f32 v11, v61;
	v63 =	vmul.f32 $9.999999770e-03, v9;
	v13 =	vadd.f32 v58, v13  }
0x159: {  	[tilespmem:s6+$0x8DB0] =	vst v11;
	v10 =	vmax.f32 v10, v62;
	v11 =	vmul.f32 $9.999999770e-03, v15  }
0x15a: {  	[tilespmem:s6+$0x8DC0] =	vst v10;
	v9 =	vmax.f32 v9, v63;
	v10 =	vmul.f32 $9.999999770e-03, v13  }
0x15b: {  	[tilespmem:s6+$0x8DD0] =	vst v9;
	v9 =	vmax.f32 v15, v11  }
0x15c: {  	[tilespmem:s6+$0x8DE0] =	vst v9;
	v9 =	vmax.f32 v13, v10  }
0x15d: {  	[tilespmem:s6+$0x8DF0] =	vst v9  }
0x15e: {  	[spmem:s1] =	stream.indirect.scatter.add.f32 [tilespmem:s24], [sflag:$0x4], $0x80, s0, s22, $0xb8;
	[tilespmem:$0x1BA00] =	vst v63  }
0x15f: {  	_ =	swait.ge [sflag:s17], $0x3000  }
0x160: {  	[sflag:s17] =	ssyncset.done $0x0  }
0x161: {  	[sflag:s17] =	ssyncadd.s32 $0xFFFFD000  }
0x162: {  	v9 =	vld [tilespmem:$0x61E0]  }
0x163: {  	s9 =	sadd.s32 $0x1, s9;
	v10 =	vld [tilespmem:$0x62E0]  }
0x164: {  	p3 =	sne.s32 s9, s13;
	v11 =	vld [tilespmem:$0x63E0]  }
.Ltmp18:
0x165: {  	_ = 	snop;
	(pc) =	sbr.rel @p3 .LBB2_22-.Ltmp18, $4  }
0x166: {  	_ = 	snop  }
0x167: {  	s14 =	sadd.s32 $0xFFFFFFA0, s14;
	[tilespmem:$0x6180] =	vst v9  }
0x168: {  	p0 =	sgt.s32 s14, $0x0;
	[tilespmem:$0x6280] =	vst v10  }
0x169: {  	s14 =	simm.s32 @!p0 $0x0;
	[tilespmem:$0x6380] =	vst v11  }
.LBB2_30:
0x16a: {  	[bflag:$0x0] =	sbarrier.arrive $0xFFFF  }
0x16b: {  	[bflag:$0x0] =	sbarrier.arrive @p1 $0xFFFF  }
0x16c: {  	s2 =	rddreg [dreg:$0x7]  }
0x16d: {  	s9 =	rddreg [dreg:$0xb]  }
0x16e: {  	s11 =	rddreg [dreg:$0xc]  }
0x16f: {  	[hbm:s2], [sflag:s9] =	dma.local @!p1 [spmem:s11], $0x3E80  }
0x170: {  	s2 =	simm.s32 @!p1 $0x4  }
0x171: {  	_ =	swait.ge @!p1 [sflag:s2], $0x3E80  }
0x172: {  	[sflag:s2] =	ssyncset.done @!p1 $0x0  }
0x173: {  	[sflag:s2] =	ssyncadd.s32 @!p1 $0xFFFFC180  }
0x174: {  	[bflag:$0x0] =	sbarrier.arrive @!p1 $0xFFFF  }
0x175: {  	s6 =	rddreg [dreg:$0x4]  }
0x176: {  	[spmem:s11], [sflag:s9] =	dma.local @!p1 [hbm:s6], $0x3E80  }
.Ltmp19:
0x177: {  	_ =	swait.ge @!p1 [sflag:s2], $0x3E80;
	(pc) =	sbr.rel @p2 .LBB2_31-.Ltmp19, $3  }
0x178: {  	[sflag:s2] =	ssyncset.done @!p1 $0x0  }
0x179: {  	[sflag:s2] =	ssyncadd.s32 @!p1 $0xFFFFC180  }
0x17a: {  	[bflag:$0x0] =	sbarrier.arrive $0xFFFF;
	_ =	sdelay $0x1  }
0x17b: {  	s2 =	simm.s32 $0x1280  }
0x17c: {  	p0 =	sne.s32 s12, $0x1;
	v9 =	vld [tilespmem:s2+$0x0]  }
.Ltmp20:
0x17d: {  	_ = 	snop;
	(pc) =	sbr.rel @!p0 .LBB2_33-.Ltmp20, $4  }
0x17e: {  	_ = 	snop  }
0x17f: {  	s6 =	simm.s32 $0x0  }
0x180: {  	s9 =	sadd.s32 $0xFFFFFFFF, s12;
	s11 =	simm.s32 $0x1290;
	p2 =	por $0x0, $0x0  }
0x181: {  	p3 =	por $0x0, $0x0;
	p4 =	por $0x0, $0x0;
	p5 =	por $0x0, $0x0;
	v9 =	vand.u32 $0x3FF8, v9  }
0x182: {  	v10 =	vld [tilespmem:s11+$0x0];
	p0 =	sne.s32 s9, $0x1  }
.Ltmp21:
0x183: {  	_ = 	snop;
	(pc) =	sbr.rel @!p0 .LBB2_35-.Ltmp21, $4  }
0x184: {  	v9 =	vadd.s32 $0xFFFFEC78, v9  }
0x185: {  	vm0 =	vlt.u32 v9, $0x1388  }
0x186: {  	v9 =	vsel vm0, $0x1, v6  }
0x187: {  	s9 =	sadd.s32 $0xFFFFFFFF, s9;
	s11 =	simm.s32 $0x12A0;
	p2 =	por $0x1, $0x1;
	(xrf0) =	vadd.scan.msk.s32 $0xffff, v9;
	v9 =	vand.u32 $0x3FF8, v10  }
0x188: {  	_ =	sdelay $0x4  }
0x189: {  	v11, _, _ =	vpop (xrf0)  }
0x18a: {  	(v2sf) =	vpush v11, $0xF;
	_ =	sdelay $0x7  }
0x18b: {  	v10 =	vld [tilespmem:s11+$0x0];
	p0 =	sne.s32 s9, $0x1  }
.Ltmp22:
0x18c: {  	_ = 	snop;
	(pc) =	sbr.rel @!p0 .LBB2_37-.Ltmp22, $4  }
0x18d: {  	v9 =	vadd.s32 $0xFFFFEC78, v9  }
0x18e: {  	vm0 =	vlt.u32 v9, $0x1388  }
0x18f: {  	v9 =	vsel vm0, $0x1, v6  }
0x190: {  	s9 =	sadd.s32 $0xFFFFFFFF, s9;
	s11 =	simm.s32 $0x12B0;
	p3 =	por $0x1, $0x1;
	(xrf0) =	vadd.scan.msk.s32 $0xffff, v9;
	v9 =	vand.u32 $0x3FF8, v10  }
0x191: {  	_ =	sdelay $0x4  }
0x192: {  	v11, _, _ =	vpop (xrf0)  }
0x193: {  	(v2sf) =	vpush v11, $0xF;
	_ =	sdelay $0x3  }
0x194: {  	v10 =	vld [tilespmem:s11+$0x0];
	p0 =	sne.s32 s9, $0x1  }
.Ltmp23:
0x195: {  	_ = 	snop;
	(pc) =	sbr.rel @!p0 .LBB2_39-.Ltmp23, $4  }
0x196: {  	v9 =	vadd.s32 $0xFFFFEC78, v9  }
0x197: {  	vm0 =	vlt.u32 v9, $0x1388  }
0x198: {  	v9 =	vsel vm0, $0x1, v6  }
0x199: {  	s9 =	sadd.s32 $0xFFFFFFFF, s9;
	s11 =	simm.s32 $0x12C0;
	p4 =	por $0x1, $0x1;
	(xrf0) =	vadd.scan.msk.s32 $0xffff, v9;
	v9 =	vand.u32 $0x3FF8, v10  }
0x19a: {  	_ =	sdelay $0x4  }
0x19b: {  	v11, _, _ =	vpop (xrf0)  }
0x19c: {  	(v2sf) =	vpush v11, $0xF;
	_ =	sdelay $0x3  }
0x19d: {  	v10 =	vld [tilespmem:s11+$0x0];
	v9 =	vadd.s32 $0xFFFFEC78, v9;
	p0 =	sne.s32 s9, $0x1  }
.Ltmp24:
0x19e: {  	vm0 =	vlt.u32 v9, $0x1388;
	(pc) =	sbr.rel @!p0 .LBB2_41-.Ltmp24, $4  }
0x19f: {  	v9 =	vsel vm0, $0x1, v6  }
0x1a0: {  	(xrf0) =	vadd.scan.msk.s32 $0xffff, v9  }
0x1a1: {  	s11 =	sadd.s32 $0xFFFFFFFF, s9  }
0x1a2: {  	s13 =	simm.s32 $0x12D0;
	p5 =	por $0x1, $0x1;
	s9 =	simm.s32 $0x0;
	v9 =	vand.u32 $0x3FF8, v10  }
.LBB2_42:
0x1a3: {  	v10 =	vld [tilespmem:s13+$0x0];
	p6 =	sne.s32 s11, $0x1;
	s11 =	sadd.s32 $0xFFFFFFFF, s11;
	v9 =	vadd.s32 $0xFFFFEC78, v9  }
.Ltmp25:
0x1a4: {  	vm0 =	vlt.u32 v9, $0x1388;
	s2 =	spop (v2sf);
	(pc) =	sbr.rel @p6 .LBB2_42-.Ltmp25, $4  }
0x1a5: {  	v11 =	vsel vm0, $0x1, v6;
	s9 =	sadd.s32 s9, s2  }
0x1a6: {  	(xrf0) =	vadd.scan.msk.s32 $0xffff, v11;
	v9, _, _ =	vpop (xrf0)  }
0x1a7: {  	(v2sf) =	vpush v9, $0xF  }
0x1a8: {  	s13 =	sadd.s32 $0x10, s13;
	v9 =	vand.u32 $0x3FF8, v10  }
.LBB2_43:
0x1a9: {  	v9 =	vadd.s32 $0xFFFFEC78, v9  }
0x1aa: {  	vm0 =	vlt.u32 v9, $0x1388  }
0x1ab: {  	v9 =	vsel vm0, $0x1, v6  }
0x1ac: {  	(xrf0) =	vadd.scan.msk.s32 $0xffff, v9;
	_ =	sdelay $0x3  }
0x1ad: {  	v9, _, _ =	vpop @p2 (xrf0)  }
0x1ae: {  	(v2sf) =	vpush @p2 v9, $0xF  }
0x1af: {  	v9, _, _ =	vpop (xrf0)  }
0x1b0: {  	(v2sf) =	vpush v9, $0xF;
	_ =	sdelay $0x6  }
0x1b1: {  	s2 =	spop @p5 (v2sf)  }
0x1b2: {  	s2 =	sadd.s32 @p5 s9, s2;
	s9 =	simm.s32 $0x0  }
0x1b3: {  	s9 =	smov.u32 @p5 s2;
	s2 =	spop @p4 (v2sf)  }
0x1b4: {  	s2 =	sadd.s32 @p4 s9, s2;
	s9 =	simm.s32 $0x0  }
0x1b5: {  	s9 =	smov.u32 @p4 s2;
	s2 =	spop @p3 (v2sf)  }
0x1b6: {  	s2 =	sadd.s32 @p3 s9, s2;
	s9 =	simm.s32 $0x0  }
.Ltmp26:
0x1b7: {  	s9 =	smov.u32 @p3 s2;
	s2 =	spop @p2 (v2sf);
	(pc) =	sbr.rel .LBB2_44-.Ltmp26, $4  }
0x1b8: {  	s2 =	sadd.s32 @p2 s9, s2  }
0x1b9: {  	s6 =	smov.u32 @p2 s2;
	s15 =	spop (v2sf)  }
0x1ba: {  	s2 =	sadd.s32 s6, s15  }
0x1bb: {  	s6 =	sadd.s32 $0x5F, s2  }
.LBB2_31:
0x1bc: {  	s6 =	simm.s32 $0x5F  }
.LBB2_44:
0x1bd: {  	s2 =	smulhi.u32 $0x2AAAAAAB, s6;
	s9 =	sshra.s32 s6, $0x1F  }
0x1be: {  	s9 =	smul.u32 $0x2AAAAAAB, s9;
	_ =	sdelay $0x1  }
0x1bf: {  	s2 =	sadd.s32 s9, s2  }
0x1c0: {  	s9 =	sshrl.u32 s2, $0x1F;
	s2 =	sshra.s32 s2, $0x4  }
0x1c1: {  	s2 =	sadd.s32 s9, s2  }
0x1c2: {  	s9 =	smul.u32 $0xFFFFFFA0, s2  }
0x1c3: {  	s11 =	ssub.s32 $0x0, s6  }
0x1c4: {  	p0 =	slt.s32 s6, $0x1;
	p2 =	sne.s32 s9, s11  }
0x1c5: {  	p0 =	por !p0, !p2  }
0x1c6: {  	s6 =	simm.s32 $0x1;
	p0 =	por !p0, !p0  }
0x1c7: {  	s6 =	simm.s32 @!p0 $0x0  }
0x1c8: {  	s13 =	ssub.s32 s2, s6  }
0x1c9: {  	p0 =	slt.s32 s13, $0x1  }
.Ltmp27:
0x1ca: {  	_ = 	snop;
	(pc) =	sbr.rel @p0 .LBB2_53-.Ltmp27, $2  }
0x1cb: {  	_ =	sdelay $0x2  }
0x1cc: {  	s14 =	simm.s32 $0x0;
	s15 =	simm.s32 $0x0;
	s9 =	simm.s32 $0x0  }
.LBB2_45:
0x1cd: {  	p0 =	sge.s32 s15, s12  }
0x1ce: {  	p2 =	sgt.u32 @!p0 s14, $0x5F  }
0x1cf: {  	p2 =	por p0, p2  }
.Ltmp28:
0x1d0: {  	_ = 	snop;
	(pc) =	sbr.rel @p2 .LBB2_46-.Ltmp28, $1  }
0x1d1: {  	_ =	sdelay $0x3  }
0x1d2: {  	s2 =	sshll.u32 s15, $0x6  }
0x1d3: {  	s2 =	sshra.s32 s2, $0x2  }
0x1d4: {  	s6 =	sadd.s32 $0x1280, s2;
	s11 =	sadd.s32 $0x3A00, s2  }
.LBB2_48:
0x1d5: {  	v9 =	vld [tilespmem:s6+$0x0];
	_ =	sdelay $0x4  }
0x1d6: {  	v10 =	vand.u32 $0x3FFF, v9  }
0x1d7: {  	v10 =	vadd.s32 $0xFFFFEC78, v10  }
0x1d8: {  	vm0 =	vlt.u32 v10, $0x1388  }
0x1d9: {  	v11 =	vsel vm0, $0x1, v6  }
0x1da: {  	(xrf0) =	vadd.scan.msk.s32 $0xffff, v11;
	_ =	sdelay $0x5  }
0x1db: {  	v11, _, _ =	vpop (xrf0)  }
0x1dc: {  	(v2sf) =	vpush v11, $0xF;
	_ =	sdelay $0xa  }
0x1dd: {  	v11 =	vld [tilespmem:s11+$0x0]  }
0x1de: {  	v9 =	vshra.s32 v9, $0xE  }
0x1df: {  	v9 =	vadd.s32 v0, v9  }
0x1e0: {  	[tilespmem:s14+$0x6180] =	vst.msk vm0, v9  }
0x1e1: {  	s15 =	sadd.s32 $0x1, s15;
	[tilespmem:s14+$0x6280] =	vst.msk vm0, v10;
	s2 =	spop (v2sf)  }
0x1e2: {  	p0 =	sge.s32 s15, s12;
	[tilespmem:s14+$0x6380] =	vst.msk vm0, v11;
	s14 =	sadd.s32 s14, s2  }
0x1e3: {  	p2 =	slt.s32 @!p0 s14, $0x60  }
0x1e4: {  	p2 =	por p0, !p2  }
.Ltmp29:
0x1e5: {  	_ = 	snop;
	(pc) =	sbr.rel @!p2 .LBB2_48-.Ltmp29, $2  }
0x1e6: {  	_ =	sdelay $0x2  }
0x1e7: {  	s6 =	sadd.s32 $0x10, s6;
	s11 =	sadd.s32 $0x10, s11  }
.Ltmp30:
0x1e8: {  	(pc) =	sbr.rel .LBB2_50-.Ltmp30, $2  }
0x1e9: {  	_ =	sdelay $0x2  }
0x1ea: {  	s15 =	smov.u32 @p0 s15;
	s14 =	smov.u32 @p0 s14  }
.LBB2_46:
0x1eb: {  	s15 =	smov.u32 @p0 s15;
	s14 =	smov.u32 @p0 s14  }
.LBB2_50:
0x1ec: {  	[tilespmem:s14+$0x6180] =	vst v0  }
0x1ed: {  	[tilespmem:s14+$0x6280] =	vst v8  }
0x1ee: {  	[tilespmem:s14+$0x6380] =	vst v1  }
0x1ef: {  	[tilespmem:s14+$0x6190] =	vst v0  }
0x1f0: {  	[tilespmem:s14+$0x6290] =	vst v8  }
0x1f1: {  	[tilespmem:s14+$0x6390] =	vst v1  }
0x1f2: {  	[tilespmem:s14+$0x61A0] =	vst v0  }
0x1f3: {  	[tilespmem:s14+$0x62A0] =	vst v8  }
0x1f4: {  	[tilespmem:s14+$0x63A0] =	vst v1  }
0x1f5: {  	[tilespmem:s14+$0x61B0] =	vst v0  }
0x1f6: {  	[tilespmem:s14+$0x62B0] =	vst v8  }
0x1f7: {  	[tilespmem:s14+$0x63B0] =	vst v1  }
0x1f8: {  	[tilespmem:s14+$0x61C0] =	vst v0  }
0x1f9: {  	[tilespmem:s14+$0x62C0] =	vst v8  }
0x1fa: {  	[tilespmem:s14+$0x63C0] =	vst v1  }
0x1fb: {  	[tilespmem:s14+$0x61D0] =	vst v0  }
0x1fc: {  	[tilespmem:s14+$0x62D0] =	vst v8  }
0x1fd: {  	[tilespmem:s14+$0x63D0] =	vst v1  }
0x1fe: {  	v9 =	vld [tilespmem:$0x6280]  }
0x1ff: {  	v10 =	vld [tilespmem:$0x6290]  }
0x200: {  	v11 =	vld [tilespmem:$0x62A0];
	_ =	sdelay $0x2  }
0x201: {  	[tilespmem:$0x6500] =	vst v9  }
0x202: {  	[tilespmem:$0x6510] =	vst v10  }
0x203: {  	v9 =	vadd.s32 v2, v9;
	[tilespmem:$0x6520] =	vst v11  }
0x204: {  	v10 =	vadd.s32 v2, v10;
	[tilespmem:$0x6480] =	vst v9;
	v9 =	vld [tilespmem:$0x62B0]  }
0x205: {  	v11 =	vadd.s32 v2, v11;
	[tilespmem:$0x6490] =	vst v10;
	v10 =	vld [tilespmem:$0x62C0]  }
0x206: {  	[tilespmem:$0x64A0] =	vst v11;
	v11 =	vld [tilespmem:$0x62D0];
	_ =	sdelay $0x2  }
0x207: {  	[tilespmem:$0x6530] =	vst v9  }
0x208: {  	[tilespmem:$0x6540] =	vst v10  }
0x209: {  	v9 =	vadd.s32 v2, v9;
	[tilespmem:$0x6550] =	vst v11  }
0x20a: {  	[tilespmem:$0x64B0] =	vst v9;
	v9 =	vadd.s32 v2, v10  }
0x20b: {  	[tilespmem:$0x64C0] =	vst v9;
	v9 =	vadd.s32 v2, v11  }
0x20c: {  	[tilespmem:$0x64D0] =	vst v9  }
0x20d: {  	[tilespmem:s24], [sflag:$0x1] =	stream.indirect.gather [hbm4b:s7+s22], $0x80, s23, s22, $0xb8;
	[tilespmem:$0x1BA00] =	vst v63  }
0x20e: {  	_ = 	snop  }
0x20f: {  	[tilespmem:s26], [sflag:$0x2] =	stream.indirect.gather [hbm4b:s8+s22], $0x80, s25, s22, $0xb8;
	[tilespmem:$0x1BA00] =	vst v63  }
0x210: {  	_ = 	snop  }
0x211: {  	[tilespmem:s29], [sflag:$0x3] =	stream.indirect.gather [hbm4b:s16+s22], $0x80, s28, s22, $0xb8;
	[tilespmem:$0x1BA00] =	vst v63  }
0x212: {  	_ =	swait.ge [sflag:s21], $0x3000  }
0x213: {  	[sflag:s21] =	ssyncset.done $0x0  }
0x214: {  	[sflag:s21] =	ssyncadd.s32 $0xFFFFD000  }
0x215: {  	_ =	swait.ge [sflag:s30], $0x3000  }
0x216: {  	[sflag:s30] =	ssyncset.done $0x0  }
0x217: {  	[sflag:s30] =	ssyncadd.s32 $0xFFFFD000  }
0x218: {  	_ =	swait.ge [sflag:s31], $0x3000  }
0x219: {  	[sflag:s31] =	ssyncset.done $0x0  }
0x21a: {  	s6 =	simm.s32 $0x0;
	[sflag:s31] =	ssyncadd.s32 $0xFFFFD000  }
0x21b: {  	v19 =	vld [tilespmem:s6+$0xED80]  }
0x21c: {  	v22 =	vld [tilespmem:s6+$0xED90]  }
0x21d: {  	v12 =	vld [tilespmem:s6+$0xEDA0]  }
0x21e: {  	v11 =	vld [tilespmem:s6+$0xEDB0]  }
0x21f: {  	v10 =	vld [tilespmem:s6+$0xEDC0]  }
0x220: {  	v9 =	vld [tilespmem:s6+$0xEDD0]  }
0x221: {  	v20 =	vld [tilespmem:s6+$0xBD80]  }
0x222: {  	v21 =	vld [tilespmem:s6+$0xBD90]  }
0x223: {  	v18 =	vld [tilespmem:s6+$0xBDA0]  }
0x224: {  	v17 =	vld [tilespmem:s6+$0xBDB0]  }
0x225: {  	v16 =	vld [tilespmem:s6+$0xBDC0]  }
0x226: {  	v14 =	vld [tilespmem:s6+$0xBDD0]  }
0x227: {  	v25 =	vld [tilespmem:s6+$0x8D80]  }
0x228: {  	v26 =	vld [tilespmem:s6+$0x8D90]  }
0x229: {  	v15 =	vld [tilespmem:s6+$0xBDE0]  }
0x22a: {  	v13 =	vld [tilespmem:s6+$0xBDF0]  }
0x22b: {  	v24 =	vld [tilespmem:s6+$0x8DA0]  }
0x22c: {  	v23 =	vld [tilespmem:s6+$0x8DB0];
	v25 =	vadd.f32 v20, v25  }
0x22d: {  	v26 =	vadd.f32 v21, v26;
	v21 =	vld [tilespmem:s6+$0x8DC0]  }
0x22e: {  	v20 =	vld [tilespmem:s6+$0x8DD0];
	v25 =	vadd.f32 v19, v25  }
0x22f: {  	s11 =	simm.s32 $0x200;
	v22 =	vadd.f32 v22, v26;
	v19 =	vld [tilespmem:s6+$0x8DE0]  }
.LBB2_51:
0x230: {  	p2 =	sne.s32 s11, $0xBE00;
	v26 =	vmul.f32 $9.999999770e-03, v25;
	v18 =	vadd.f32 v18, v24;
	v24 =	vld [tilespmem:s6+$0x8DF0]  }
0x231: {  	v27 =	vmul.f32 $9.999999770e-03, v22;
	v17 =	vadd.f32 v17, v23;
	v23 =	vld [tilespmem:s6+$0xEDE0]  }
0x232: {  	s2 =	sshra.s32 s11, $0x2;
	v25 =	vmax.f32 v25, v26;
	v18 =	vadd.f32 v12, v18;
	v12 =	vadd.f32 v16, v21;
	v16 =	vld [tilespmem:s6+$0xEDF0]  }
0x233: {  	v26 =	vld [tilespmem:s2+$0xED80];
	v21 =	vmax.f32 v22, v27;
	v17 =	vadd.f32 v11, v17;
	v11 =	vadd.f32 v14, v20  }
0x234: {  	v22 =	vld [tilespmem:s2+$0xED90];
	v14 =	vmul.f32 $9.999999770e-03, v18;
	v20 =	vadd.f32 v10, v12;
	v10 =	vadd.f32 v15, v19  }
0x235: {  	v12 =	vld [tilespmem:s2+$0xEDA0];
	[tilespmem:s6+$0x8D80] =	vst v25;
	v15 =	vmul.f32 $9.999999770e-03, v17;
	v19 =	vadd.f32 v9, v11;
	v9 =	vadd.f32 v13, v24  }
0x236: {  	v11 =	vld [tilespmem:s2+$0xEDB0];
	[tilespmem:s6+$0x8D90] =	vst v21;
	v13 =	vmax.f32 v18, v14;
	v14 =	vmul.f32 $9.999999770e-03, v20;
	v18 =	vadd.f32 v23, v10  }
0x237: {  	v10 =	vld [tilespmem:s2+$0xEDC0];
	[tilespmem:s6+$0x8DA0] =	vst v13;
	v13 =	vmax.f32 v17, v15;
	v15 =	vmul.f32 $9.999999770e-03, v19;
	v16 =	vadd.f32 v16, v9  }
0x238: {  	v9 =	vld [tilespmem:s2+$0xEDD0];
	[tilespmem:s6+$0x8DB0] =	vst v13;
	v13 =	vmax.f32 v20, v14;
	v14 =	vmul.f32 $9.999999770e-03, v18  }
0x239: {  	v20 =	vld [tilespmem:s2+$0xBD80];
	[tilespmem:s6+$0x8DC0] =	vst v13;
	v13 =	vmax.f32 v19, v15;
	v15 =	vmul.f32 $9.999999770e-03, v16  }
0x23a: {  	v19 =	vld [tilespmem:s2+$0xBD90];
	[tilespmem:s6+$0x8DD0] =	vst v13;
	v13 =	vmax.f32 v18, v14  }
0x23b: {  	v18 =	vld [tilespmem:s2+$0xBDA0];
	[tilespmem:s6+$0x8DE0] =	vst v13;
	v13 =	vmax.f32 v16, v15  }
0x23c: {  	v17 =	vld [tilespmem:s2+$0xBDB0];
	[tilespmem:s6+$0x8DF0] =	vst v13;
	s6 =	smov.u32 s2  }
0x23d: {  	v16 =	vld [tilespmem:s6+$0xBDC0]  }
0x23e: {  	v14 =	vld [tilespmem:s6+$0xBDD0]  }
0x23f: {  	v21 =	vld [tilespmem:s6+$0x8D80]  }
0x240: {  	v25 =	vld [tilespmem:s6+$0x8D90]  }
0x241: {  	v15 =	vld [tilespmem:s6+$0xBDE0]  }
0x242: {  	v13 =	vld [tilespmem:s6+$0xBDF0]  }
.Ltmp31:
0x243: {  	v24 =	vld [tilespmem:s6+$0x8DA0];
	(pc) =	sbr.rel @p2 .LBB2_51-.Ltmp31, $4  }
0x244: {  	v20 =	vadd.f32 v20, v21;
	v23 =	vld [tilespmem:s6+$0x8DB0]  }
0x245: {  	v19 =	vadd.f32 v19, v25;
	v21 =	vld [tilespmem:s6+$0x8DC0]  }
0x246: {  	v25 =	vadd.f32 v26, v20;
	v20 =	vld [tilespmem:s6+$0x8DD0]  }
0x247: {  	s11 =	sadd.s32 $0x200, s11;
	v22 =	vadd.f32 v22, v19;
	v19 =	vld [tilespmem:s6+$0x8DE0]  }
0x248: {  	v26 =	vmul.f32 $9.999999770e-03, v25;
	v18 =	vadd.f32 v18, v24;
	v56 =	vld [tilespmem:s6+$0x8DF0]  }
0x249: {  	v57 =	vld [tilespmem:s6+$0xEDE0];
	v27 =	vmul.f32 $9.999999770e-03, v22;
	v17 =	vadd.f32 v17, v23  }
0x24a: {  	v58 =	vld [tilespmem:s6+$0xEDF0];
	v25 =	vmax.f32 v25, v26;
	v12 =	vadd.f32 v12, v18;
	v16 =	vadd.f32 v16, v21  }
0x24b: {  	v59 =	vmax.f32 v22, v27;
	v11 =	vadd.f32 v11, v17;
	v14 =	vadd.f32 v14, v20  }
0x24c: {  	v60 =	vmul.f32 $9.999999770e-03, v12;
	v10 =	vadd.f32 v10, v16;
	v15 =	vadd.f32 v15, v19  }
0x24d: {  	[tilespmem:s6+$0x8D80] =	vst v25;
	v61 =	vmul.f32 $9.999999770e-03, v11;
	v9 =	vadd.f32 v9, v14;
	v13 =	vadd.f32 v13, v56  }
0x24e: {  	[tilespmem:s6+$0x8D90] =	vst v59;
	v12 =	vmax.f32 v12, v60;
	v62 =	vmul.f32 $9.999999770e-03, v10;
	v15 =	vadd.f32 v57, v15  }
0x24f: {  	[tilespmem:s6+$0x8DA0] =	vst v12;
	v11 =	vmax.f32 v11, v61;
	v63 =	vmul.f32 $9.999999770e-03, v9;
	v13 =	vadd.f32 v58, v13  }
0x250: {  	[tilespmem:s6+$0x8DB0] =	vst v11;
	v10 =	vmax.f32 v10, v62;
	v11 =	vmul.f32 $9.999999770e-03, v15  }
0x251: {  	[tilespmem:s6+$0x8DC0] =	vst v10;
	v9 =	vmax.f32 v9, v63;
	v10 =	vmul.f32 $9.999999770e-03, v13  }
0x252: {  	[tilespmem:s6+$0x8DD0] =	vst v9;
	v9 =	vmax.f32 v15, v11  }
0x253: {  	[tilespmem:s6+$0x8DE0] =	vst v9;
	v9 =	vmax.f32 v13, v10  }
0x254: {  	[tilespmem:s6+$0x8DF0] =	vst v9  }
0x255: {  	[spmem:s1] =	stream.indirect.scatter.add.f32 [tilespmem:s24], [sflag:$0x4], $0x80, s0, s22, $0xb8;
	[tilespmem:$0x1BA00] =	vst v63  }
0x256: {  	_ =	swait.ge [sflag:s17], $0x3000  }
0x257: {  	[sflag:s17] =	ssyncset.done $0x0  }
0x258: {  	[sflag:s17] =	ssyncadd.s32 $0xFFFFD000  }
0x259: {  	v9 =	vld [tilespmem:$0x61E0]  }
0x25a: {  	s9 =	sadd.s32 $0x1, s9;
	v10 =	vld [tilespmem:$0x62E0]  }
0x25b: {  	p2 =	sne.s32 s9, s13;
	v11 =	vld [tilespmem:$0x63E0]  }
.Ltmp32:
0x25c: {  	_ = 	snop;
	(pc) =	sbr.rel @p2 .LBB2_45-.Ltmp32, $4  }
.Ltmp33:
0x25d: {  	_ = 	snop;
	(pc) =	sbr.rel @!p2 .LBB2_53-.Ltmp33, $4  }
0x25e: {  	s14 =	sadd.s32 $0xFFFFFFA0, s14;
	[tilespmem:$0x6180] =	vst v9  }
0x25f: {  	p0 =	sgt.s32 s14, $0x0;
	[tilespmem:$0x6280] =	vst v10  }
0x260: {  	s14 =	simm.s32 @!p0 $0x0;
	[tilespmem:$0x6380] =	vst v11  }
0x261: {  	_ = 	snop  }
.LBB2_10:
.Ltmp34:
0x262: {  	(pc) =	sbr.rel .LBB2_20-.Ltmp34, $2  }
0x263: {  	_ =	sdelay $0x2  }
0x264: {  	s9 =	simm.s32 $0x0  }
.LBB2_33:
.Ltmp35:
0x265: {  	(pc) =	sbr.rel .LBB2_43-.Ltmp35, $2  }
0x266: {  	_ =	sdelay $0x2  }
0x267: {  	s9 =	simm.s32 $0x0  }
.LBB2_12:
.Ltmp36:
0x268: {  	(pc) =	sbr.rel .LBB2_20-.Ltmp36, $2  }
0x269: {  	_ =	sdelay $0x2  }
0x26a: {  	s9 =	simm.s32 $0x0  }
.LBB2_35:
.Ltmp37:
0x26b: {  	(pc) =	sbr.rel .LBB2_43-.Ltmp37, $2  }
0x26c: {  	_ =	sdelay $0x2  }
0x26d: {  	s9 =	simm.s32 $0x0  }
.LBB2_14:
.Ltmp38:
0x26e: {  	(pc) =	sbr.rel .LBB2_20-.Ltmp38, $2  }
0x26f: {  	_ =	sdelay $0x2  }
0x270: {  	s9 =	simm.s32 $0x0  }
.LBB2_37:
.Ltmp39:
0x271: {  	(pc) =	sbr.rel .LBB2_43-.Ltmp39, $2  }
0x272: {  	_ =	sdelay $0x2  }
0x273: {  	s9 =	simm.s32 $0x0  }
.LBB2_16:
.Ltmp40:
0x274: {  	(pc) =	sbr.rel .LBB2_20-.Ltmp40, $2  }
0x275: {  	_ =	sdelay $0x3  }
0x276: {  	s9 =	simm.s32 $0x0  }
.LBB2_39:
.Ltmp41:
0x277: {  	(pc) =	sbr.rel .LBB2_43-.Ltmp41, $2  }
0x278: {  	_ =	sdelay $0x3  }
0x279: {  	s9 =	simm.s32 $0x0  }
.LBB2_18:
.Ltmp42:
0x27a: {  	(pc) =	sbr.rel .LBB2_20-.Ltmp42, $2  }
0x27b: {  	_ =	sdelay $0x2  }
0x27c: {  	s9 =	simm.s32 $0x0  }
.LBB2_41:
.Ltmp43:
0x27d: {  	(pc) =	sbr.rel .LBB2_43-.Ltmp43, $2  }
0x27e: {  	_ =	sdelay $0x2  }
0x27f: {  	s9 =	simm.s32 $0x0  }
.LBB2_54:
0x280: {  	_ =	sfence.sel $0x180000  }
0x281: {  	[bflag:$0x0] =	sbarrier.arrive $0xFFFF  }
0x282: {  	_ =	strace $0x90000047  }
0x283: {  	s0 =	stileid.u32;
	[bflag:$0x2] =	sbarrier.arrive $0xFFFF  }
0x284: {  	p0 =	sne.s32 s0, $0x0;
	s0 =	rddreg [dreg:$0x2]  }
0x285: {  	s0 =	sadd.s32 @!p0 $0x100000, s0  }
0x286: {  	[sflag:s0] =	ssyncadd.tile.s32 @!p0 $0x1;
	_ =	shalt  }
.Lfunc_end2:
_tile_overlayer_lowered:
.L_overlay_start_2:
0x287: {  	(tag) =	ssettag $0x2  }
0x288: {  	s0 =	rddreg [dreg:$0x0];
	s2 =	stileid.u32  }
0x289: {  	s1 =	rddreg [dreg:$0x1];
	p0 =	sne.s32 s2, $0x0  }
0x28a: {  	s3 =	rddreg [dreg:$0x2];
	[bflag:$0x3] =	sbarrier.arrive $0xFFFF;
	s2 =	simm.s32 @!p0 $0x1C04  }
0x28b: {  	[timem:s3], [sflag:s2] =	dma.local @!p0 [hbm:s0], s1  }
0x28c: {  	s0 =	simm.s32 @!p0 $0x4  }
0x28d: {  	_ =	swait.ge @!p0 [sflag:s0], s1  }
0x28e: {  	s1 =	ssub.s32 @!p0 $0x0, s1;
	[sflag:s0] =	ssyncset.done @!p0 $0x0  }
0x28f: {  	[sflag:s0] =	ssyncadd.s32 @!p0 s1  }
0x290: {  	[bflag:$0x3] =	sbarrier.arrive $0xFFFF  }
0x291: {  	_ =	shalt  }

</sc_bundles>
